<compile_context>
chip_gen: v7x
topology: tpu7x:2x2x1
jax: 0.10.2.dev20260603
libtpu: 0.0.44.dev20260713+nightly
codegen_flags: <defaults>
</compile_context>

<pallas_src>
import functools

import jax
import jax.numpy as jnp
import numpy as np
from jax import lax
from jax.experimental import pallas as pl
from jax.experimental.pallas import tpu as pltpu
from jax.experimental.pallas import tpu_sc as plsc

N = 10000
D = 128
H = 128
E = 320000
ALPHA = 0.1
EPS = 1e-5

NC = 2
NS = 16
NW = NC * NS
CHUNK = 128
CPT = 80
IH = CPT // 2
PADE = NW * CPT * CHUNK
NPAD = 10112
RPS = NPAD // NS

B1 = float(np.log(0.5 / 1 + 1.0))
B2 = float(np.log(0.5 / 2 + 1.0))
B3 = float(np.log(0.5 / 3 + 1.0))

_MESH = plsc.VectorSubcoreMesh(
    core_axis_name="c", subcore_axis_name="s", num_cores=NC, num_subcores=NS
)


def _agg_kernel(x, src2d, dst2d, zeros):

    @functools.partial(
        pl.kernel,
        out_type=jax.ShapeDtypeStruct((NC, NPAD, H), jnp.float32),
        mesh=_MESH,
        scratch_types=[
            pltpu.VMEM((IH, CHUNK), jnp.int32),
            pltpu.VMEM((IH, CHUNK), jnp.int32),
            pltpu.VMEM((CHUNK, H), jnp.float32),
            pltpu.VMEM((CHUNK, H), jnp.float32),
            pltpu.VMEM_SHARED((NPAD, H), jnp.float32),
            pltpu.SemaphoreType.DMA,
            pltpu.SemaphoreType.DMA,
            pltpu.SemaphoreType.DMA,
            pltpu.SemaphoreType.DMA,
            pltpu.SemaphoreType.DMA,
        ],
    )
    def k(x_hbm, src_hbm, dst_hbm, z_hbm, out_hbm,
          src_v, dst_v, rows0, rows1, acc, zsem, g0, g1, s0, s1):
        cid = lax.axis_index("c")
        sid = lax.axis_index("s")
        wid = sid * NC + cid
        base = sid * RPS

        zd = pltpu.async_copy(z_hbm.at[pl.ds(base, RPS)],
                              acc.at[pl.ds(base, RPS)], zsem)

        for half in range(2):
            off = wid * CPT + half * IH
            pltpu.sync_copy(src_hbm.at[pl.ds(off, IH)], src_v)
            pltpu.sync_copy(dst_hbm.at[pl.ds(off, IH)], dst_v)
            if half == 0:
                zd.wait()
                plsc.subcore_barrier()

            pltpu.async_copy(x_hbm.at[src_v.at[0]], rows0, g0)

            @pl.loop(0, IH, step=2)
            def _(j):
                pltpu.make_async_copy(x_hbm.at[src_v.at[j]], rows0, g0).wait()

                @pl.when(j > 0)
                def _():
                    pltpu.make_async_copy(rows1, acc.at[dst_v.at[j]], s1).wait()

                gd1 = pltpu.async_copy(x_hbm.at[src_v.at[j + 1]], rows1, g1)
                sd0 = pltpu.async_copy(rows0, acc.at[dst_v.at[j]], s0, add=True)
                gd1.wait()
                pltpu.async_copy(rows1, acc.at[dst_v.at[j + 1]], s1, add=True)

                @pl.when(j + 2 < IH)
                def _():
                    sd0.wait()
                    pltpu.async_copy(x_hbm.at[src_v.at[j + 2]], rows0, g0)

            pltpu.make_async_copy(rows0, acc.at[dst_v.at[0]], s0).wait()
            pltpu.make_async_copy(rows1, acc.at[dst_v.at[0]], s1).wait()

        plsc.subcore_barrier()
        pltpu.sync_copy(acc.at[pl.ds(base, RPS)], out_hbm.at[cid, pl.ds(base, RPS)])

    return k(x, src2d, dst2d, zeros)


def _deg_kernel(dst2d, zeros, ones128):

    @functools.partial(
        pl.kernel,
        out_type=jax.ShapeDtypeStruct((NC, NPAD, H), jnp.float32),
        mesh=_MESH,
        scratch_types=[
            pltpu.VMEM((CPT, CHUNK), jnp.int32),
            pltpu.VMEM((CHUNK, H), jnp.float32),
            pltpu.VMEM_SHARED((NPAD, H), jnp.float32),
            pltpu.SemaphoreType.DMA,
            pltpu.SemaphoreType.DMA,
            pltpu.SemaphoreType.DMA,
        ],
    )
    def k(dst_hbm, z_hbm, o_hbm, out_hbm, dst_v, ones_v, acc, zsem, s0, s1):
        cid = lax.axis_index("c")
        sid = lax.axis_index("s")
        wid = sid * NC + cid
        base = sid * RPS

        zd = pltpu.async_copy(z_hbm.at[pl.ds(base, RPS)],
                              acc.at[pl.ds(base, RPS)], zsem)
        pltpu.sync_copy(o_hbm, ones_v)
        pltpu.sync_copy(dst_hbm.at[pl.ds(wid * CPT, CPT)], dst_v)
        zd.wait()
        plsc.subcore_barrier()

        @pl.loop(0, CPT, step=2)
        def _(j):
            sd0 = pltpu.async_copy(ones_v, acc.at[dst_v.at[j]], s0, add=True)
            sd1 = pltpu.async_copy(ones_v, acc.at[dst_v.at[j + 1]], s1, add=True)
            sd0.wait()
            sd1.wait()

        plsc.subcore_barrier()
        pltpu.sync_copy(acc.at[pl.ds(base, RPS)], out_hbm.at[cid, pl.ds(base, RPS)])

    return k(dst2d, zeros, ones128)


def _dot(a, b):
    return jnp.dot(a, b, preferred_element_type=jnp.float32,
                   precision=lax.Precision.HIGHEST)


def _xw_body(x_ref, w_ref, o_ref):
    o_ref[...] = _dot(x_ref[...], w_ref[...])


def _u_body(xw_ref, degp_ref, o_ref):
    deg = 1.0 + degp_ref[0, :N, 0] + degp_ref[1, :N, 0]
    dinv = lax.rsqrt(deg)
    o_ref[...] = dinv[:, None] * xw_ref[...]


def _z0_body(sp_ref, xw_ref, degp_ref, b0_ref, o_ref):
    deg = 1.0 + degp_ref[0, :N, 0] + degp_ref[1, :N, 0]
    dinv = lax.rsqrt(deg)
    s = sp_ref[0, :N, :] + sp_ref[1, :N, :]
    xw = xw_ref[...]
    o_ref[...] = dinv[:, None] * s + (dinv * dinv)[:, None] * xw + b0_ref[...]


def _layer_body(ap_ref, x0_ref, w_ref, g_ref, be_ref, o_ref, *, beta, bn):
    agg = ap_ref[0, :N, :] + ap_ref[1, :N, :]
    h = (1.0 - ALPHA) * agg + ALPHA * x0_ref[...]
    z = (1.0 - beta) * h + beta * _dot(h, w_ref[...])
    if bn:
        m = jnp.mean(z, axis=0)
        v = jnp.mean(z * z, axis=0) - m * m
        z = (z - m) * lax.rsqrt(v + EPS) * g_ref[...] + be_ref[...]
        z = jnp.maximum(z, 0.0)
    o_ref[...] = z


def _tc(body, *args):
    return pl.pallas_call(
        body, out_shape=jax.ShapeDtypeStruct((N, H), jnp.float32)
    )(*args)


def kernel(x, edge_index, W0, b0, W1_1, W1_2, W1_3, g0, be0, g1, be1):
    pad = PADE - E
    pad_src = jnp.arange(pad, dtype=jnp.int32) % N
    src = jnp.concatenate([edge_index[0], pad_src])
    pad_dst = N + (jnp.arange(pad, dtype=jnp.int32) % (NPAD - N))
    dst = jnp.concatenate([edge_index[1], pad_dst])
    src2d = src.reshape(NW * CPT, CHUNK)
    dst2d = dst.reshape(NW * CPT, CHUNK)
    zeros = jnp.zeros((NPAD, H), jnp.float32)

    ones128 = jnp.ones((CHUNK, H), jnp.float32)
    degp = _deg_kernel(dst2d, zeros, ones128)
    xw = _tc(_xw_body, x, W0)
    u = _tc(_u_body, xw, degp)
    sp = _agg_kernel(u, src2d, dst2d, zeros)
    x0 = _tc(_z0_body, sp, xw, degp, b0)

    ap = _agg_kernel(x0, src2d, dst2d, zeros)
    z = _tc(functools.partial(_layer_body, beta=B1, bn=True), ap, x0, W1_1, g0, be0)
    ap = _agg_kernel(z, src2d, dst2d, zeros)
    z = _tc(functools.partial(_layer_body, beta=B2, bn=True), ap, x0, W1_2, g1, be1)
    ap = _agg_kernel(z, src2d, dst2d, zeros)
    z = _tc(functools.partial(_layer_body, beta=B3, bn=False), ap, x0, W1_3, g1, be1)
    return z

# --- scband reference (transcript-rebuilt; emitter-appended) ---
"""Pipeline reference for scband-gcrnii-16106127360500 (READ-ONLY COPY).

The authoritative reference and input builder live on the scoring server;
editing this copy changes nothing except your own understanding.
"""

import jax, jax.numpy as jnp
import numpy as np

N = 10000
E = 320000
D = 128
H = 128
ALPHA = 0.1
THETA = 0.5
EPS = 1e-5


def gcn_conv(x, edge_index, W, b):
    # PyG GCNConv with normalize=True, add_self_loops=True
    src = edge_index[0]
    dst = edge_index[1]
    loop = jnp.arange(N, dtype=edge_index.dtype)
    src_f = jnp.concatenate([src, loop])
    dst_f = jnp.concatenate([dst, loop])
    deg = jnp.zeros((N,), x.dtype).at[dst_f].add(1.0)
    dinv = jnp.where(deg > 0, jax.lax.rsqrt(deg), 0.0)
    w = dinv[src_f] * dinv[dst_f]
    xw = x @ W
    msg = xw[src_f] * w[:, None]
    out = jnp.zeros((N, W.shape[1]), x.dtype).at[dst_f].add(msg)
    return out + b


def gcn2_conv(x, x0, edge_index, W1, layer):
    # PyG GCN2Conv with normalize=False, shared_weights=True (no bias)
    src = edge_index[0]
    dst = edge_index[1]
    agg = jnp.zeros_like(x).at[dst].add(x[src])
    h = (1.0 - ALPHA) * agg + ALPHA * x0
    beta = float(np.log(THETA / layer + 1.0))
    return (1.0 - beta) * h + beta * (h @ W1)


def batchnorm(z, gamma, beta_p):
    # BatchNorm1d in training mode (batch statistics, biased variance)
    mean = jnp.mean(z, axis=0)
    var = jnp.var(z, axis=0)
    return (z - mean) * jax.lax.rsqrt(var + EPS) * gamma + beta_p


def setup_inputs(seed: int = 0) -> dict:
    key = jax.random.key(seed)
    ks = jax.random.split(key, 12)
    x = jax.random.normal(ks[0], (N, D), dtype=jnp.float32)
    edge_index = jax.random.randint(ks[1], (2, E), 0, N, dtype=jnp.int32)
    s = 1.0 / np.sqrt(H)
    W0 = jax.random.uniform(ks[2], (D, H), jnp.float32, -s, s)
    b0 = jnp.zeros((H,), jnp.float32)
    W1_1 = jax.random.uniform(ks[3], (H, H), jnp.float32, -s, s)
    W1_2 = jax.random.uniform(ks[4], (H, H), jnp.float32, -s, s)
    W1_3 = jax.random.uniform(ks[5], (H, H), jnp.float32, -s, s)
    g0 = jnp.ones((H,), jnp.float32)
    be0 = jnp.zeros((H,), jnp.float32)
    g1 = jnp.ones((H,), jnp.float32)
    be1 = jnp.zeros((H,), jnp.float32)
    return {"x": x, "edge_index": edge_index, "W0": W0, "b0": b0,
            "W1_1": W1_1, "W1_2": W1_2, "W1_3": W1_3,
            "g0": g0, "be0": be0, "g1": g1, "be1": be1}


def reference(x, edge_index, W0, b0, W1_1, W1_2, W1_3, g0, be0, g1, be1):
    # lins[0]: GCNConv(d_feat -> hidden)
    z = gcn_conv(x, edge_index, W0, b0)
    x0 = z
    # num_layers == 4, decode_modelname == 'GAE' -> else-branch loop
    # dropout = 0.0 (no-op)
    z = gcn2_conv(z, x0, edge_index, W1_1, 1)
    z = batchnorm(z, g0, be0)
    z = jax.nn.relu(z)
    z = gcn2_conv(z, x0, edge_index, W1_2, 2)
    z = batchnorm(z, g1, be1)
    z = jax.nn.relu(z)
    z = gcn2_conv(z, x0, edge_index, W1_3, 3)
    return z

if __name__ == "__main__":
    import jax
    _d = setup_inputs()
    print(jax.jit(kernel)(*tuple(_d.values())))

</pallas_src>

<mosaic_0001>
#map = affine_map<(d0, d1) -> (0, 0)>
#map1 = affine_map<(d0, d1) -> (0, 0, 0)>
module attributes {stable_mosaic.version = 14 : i64} {
  func.func @k(%arg0: i32, %arg1: i32, %arg2: memref<10000x128xf32, #tpu.memory_space<hbm>>, %arg3: memref<2560x128xi32, #tpu.memory_space<hbm>>, %arg4: memref<2560x128xi32, #tpu.memory_space<hbm>>, %arg5: memref<10112x128xf32, #tpu.memory_space<hbm>>, %arg6: memref<2x10112x128xf32, #tpu.memory_space<hbm>>, %arg7: memref<40x128xi32, #tpu.memory_space<vmem>>, %arg8: memref<40x128xi32, #tpu.memory_space<vmem>>, %arg9: memref<128x128xf32, #tpu.memory_space<vmem>>, %arg10: memref<128x128xf32, #tpu.memory_space<vmem>>, %arg11: memref<10112x128xf32, #tpu.memory_space<vmem_shared>>, %arg12: memref<!tpu.dma_semaphore, #tpu.memory_space<semaphore_mem>>, %arg13: memref<!tpu.dma_semaphore, #tpu.memory_space<semaphore_mem>>, %arg14: memref<!tpu.dma_semaphore, #tpu.memory_space<semaphore_mem>>, %arg15: memref<!tpu.dma_semaphore, #tpu.memory_space<semaphore_mem>>, %arg16: memref<!tpu.dma_semaphore, #tpu.memory_space<semaphore_mem>>) attributes {dimension_semantics = [#tpu.dimension_semantics<core_parallel>, #tpu.dimension_semantics<subcore_parallel>], iteration_bounds = array<i64: 2, 16>, scalar_prefetch = 0 : i64, scratch_operands = 10 : i64, tpu.core_type = #tpu.core_type<sc_vector_subcore>, window_params = [{transform_indices = #map}, {transform_indices = #map}, {transform_indices = #map}, {transform_indices = #map}, {transform_indices = #map1}]} {
    %mul3A = arith.constant 2 : i32
    %mul3A_0 = arith.muli %arg1, %mul3A : i32
    %add3A = arith.addi %mul3A_0, %arg0 : i32
    %mul3A_1 = arith.constant 632 : i32
    %mul3A_2 = arith.muli %arg1, %mul3A_1 : i32
    %dma_start3A = arith.constant 0 : i32
    %dma_start3A_3 = tpu.memref_slice %arg11[%mul3A_2, %dma_start3A] : memref<10112x128xf32, #tpu.memory_space<vmem_shared>> -> memref<632x128xf32, #tpu.memory_space<vmem_shared>>
    %dma_start3A_4 = arith.constant 0 : i32
    %dma_start3A_5 = tpu.memref_slice %arg5[%mul3A_2, %dma_start3A_4] : memref<10112x128xf32, #tpu.memory_space<hbm>> -> memref<632x128xf32, #tpu.memory_space<hbm>>
    tpu.enqueue_dma source(%dma_start3A_5 : memref<632x128xf32, #tpu.memory_space<hbm>>) target(%dma_start3A_3 : memref<632x128xf32, #tpu.memory_space<vmem_shared>>) target_semaphore(%arg12 : memref<!tpu.dma_semaphore, #tpu.memory_space<semaphore_mem>>)
    %mul3A_6 = arith.constant 80 : i32
    %mul3A_7 = arith.muli %add3A, %mul3A_6 : i32
    %add3A_8 = arith.constant 0 : i32
    %add3A_9 = arith.addi %mul3A_7, %add3A_8 : i32
    "tpu.region"() ({
      %run_scoped3A = tpu.sem_alloc : memref<!tpu.dma_semaphore, #tpu.memory_space<semaphore_mem>>
      %dma_start3A_69 = arith.constant 0 : i32
      %dma_start3A_70 = tpu.memref_slice %arg3[%add3A_9, %dma_start3A_69] : memref<2560x128xi32, #tpu.memory_space<hbm>> -> memref<40x128xi32, #tpu.memory_space<hbm>>
      %dma_start3A_71 = arith.constant 0 : i32
      %dma_start3A_72 = tpu.memref_slice %arg3[%add3A_9, %dma_start3A_71] : memref<2560x128xi32, #tpu.memory_space<hbm>> -> memref<40x128xi32, #tpu.memory_space<hbm>>
      tpu.enqueue_dma source(%dma_start3A_72 : memref<40x128xi32, #tpu.memory_space<hbm>>) target(%arg7 : memref<40x128xi32, #tpu.memory_space<vmem>>) target_semaphore(%run_scoped3A : memref<!tpu.dma_semaphore, #tpu.memory_space<semaphore_mem>>)
      %dma_wait3A_73 = arith.constant 0 : i32
      %dma_wait3A_74 = tpu.memref_slice %arg3[%add3A_9, %dma_wait3A_73] : memref<2560x128xi32, #tpu.memory_space<hbm>> -> memref<40x128xi32, #tpu.memory_space<hbm>>
      %dma_wait3A_75 = arith.constant 0 : i32
      %dma_wait3A_76 = tpu.memref_slice %arg3[%add3A_9, %dma_wait3A_75] : memref<2560x128xi32, #tpu.memory_space<hbm>> -> memref<40x128xi32, #tpu.memory_space<hbm>>
      tpu.wait_dma2 semaphore(%run_scoped3A : memref<!tpu.dma_semaphore, #tpu.memory_space<semaphore_mem>>) src(%dma_wait3A_76 : memref<40x128xi32, #tpu.memory_space<hbm>>) dst(%arg7 : memref<40x128xi32, #tpu.memory_space<vmem>>)
      tpu.yield
    }) : () -> ()
    "tpu.region"() ({
      %run_scoped3A = tpu.sem_alloc : memref<!tpu.dma_semaphore, #tpu.memory_space<semaphore_mem>>
      %dma_start3A_69 = arith.constant 0 : i32
      %dma_start3A_70 = tpu.memref_slice %arg4[%add3A_9, %dma_start3A_69] : memref<2560x128xi32, #tpu.memory_space<hbm>> -> memref<40x128xi32, #tpu.memory_space<hbm>>
      %dma_start3A_71 = arith.constant 0 : i32
      %dma_start3A_72 = tpu.memref_slice %arg4[%add3A_9, %dma_start3A_71] : memref<2560x128xi32, #tpu.memory_space<hbm>> -> memref<40x128xi32, #tpu.memory_space<hbm>>
      tpu.enqueue_dma source(%dma_start3A_72 : memref<40x128xi32, #tpu.memory_space<hbm>>) target(%arg8 : memref<40x128xi32, #tpu.memory_space<vmem>>) target_semaphore(%run_scoped3A : memref<!tpu.dma_semaphore, #tpu.memory_space<semaphore_mem>>)
      %dma_wait3A_73 = arith.constant 0 : i32
      %dma_wait3A_74 = tpu.memref_slice %arg4[%add3A_9, %dma_wait3A_73] : memref<2560x128xi32, #tpu.memory_space<hbm>> -> memref<40x128xi32, #tpu.memory_space<hbm>>
      %dma_wait3A_75 = arith.constant 0 : i32
      %dma_wait3A_76 = tpu.memref_slice %arg4[%add3A_9, %dma_wait3A_75] : memref<2560x128xi32, #tpu.memory_space<hbm>> -> memref<40x128xi32, #tpu.memory_space<hbm>>
      tpu.wait_dma2 semaphore(%run_scoped3A : memref<!tpu.dma_semaphore, #tpu.memory_space<semaphore_mem>>) src(%dma_wait3A_76 : memref<40x128xi32, #tpu.memory_space<hbm>>) dst(%arg8 : memref<40x128xi32, #tpu.memory_space<vmem>>)
      tpu.yield
    }) : () -> ()
    %dma_wait3A = arith.constant 0 : i32
    %dma_wait3A_10 = tpu.memref_slice %arg11[%mul3A_2, %dma_wait3A] : memref<10112x128xf32, #tpu.memory_space<vmem_shared>> -> memref<632x128xf32, #tpu.memory_space<vmem_shared>>
    %dma_wait3A_11 = arith.constant 0 : i32
    %dma_wait3A_12 = tpu.memref_slice %arg5[%mul3A_2, %dma_wait3A_11] : memref<10112x128xf32, #tpu.memory_space<hbm>> -> memref<632x128xf32, #tpu.memory_space<hbm>>
    tpu.wait_dma2 semaphore(%arg12 : memref<!tpu.dma_semaphore, #tpu.memory_space<semaphore_mem>>) src(%dma_wait3A_12 : memref<632x128xf32, #tpu.memory_space<hbm>>) dst(%dma_wait3A_10 : memref<632x128xf32, #tpu.memory_space<vmem_shared>>)
    %barrier3A = arith.constant 0 : index
    tpu.barrier barrier_id(%barrier3A)
    %dma_start3A_13 = arith.constant 0 : i32
    %dma_start3A_14 = arith.constant 0 : i32
    %dma_start3A_15 = tpu.memref_slice %arg7[%dma_start3A_13, %dma_start3A_14] : memref<40x128xi32, #tpu.memory_space<vmem>> -> memref<1x128xi32, #tpu.memory_space<vmem>>
    %dma_start3A_16 = tpu.memref_squeeze %dma_start3A_15 : memref<1x128xi32, #tpu.memory_space<vmem>> -> memref<128xi32, #tpu.memory_space<vmem>>
    %dma_start3A_17 = arith.constant 0 : i32
    %dma_start3A_18 = arith.constant 0 : i32
    %dma_start3A_19 = tpu.memref_slice %arg2[%dma_start3A_17, %dma_start3A_18] : memref<10000x128xf32, #tpu.memory_space<hbm>> -> memref<10000x128xf32, #tpu.memory_space<hbm>>
    tpu.enqueue_indirect_dma source(%dma_start3A_19 : memref<10000x128xf32, #tpu.memory_space<hbm>>) target(%arg9 : memref<128x128xf32, #tpu.memory_space<vmem>>) offsets(%dma_start3A_16 : memref<128xi32, #tpu.memory_space<vmem>>) semaphore(%arg13 : memref<!tpu.dma_semaphore, #tpu.memory_space<semaphore_mem>>)
    %scan3A = arith.constant 0 : i32
    %scan3A_20 = arith.constant 20 : i32
    %scan3A_21 = arith.addi %scan3A, %scan3A_20 : i32
    %scan3A_22 = arith.constant 1 : i32
    scf.for %scan3A_69 = %scan3A to %scan3A_21 step %scan3A_22  : i32 {
      %mul3A_70 = arith.constant 2 : i32
      %mul3A_71 = arith.muli %scan3A_69, %mul3A_70 : i32
      %add3A_72 = arith.constant 0 : i32
      %add3A_73 = arith.addi %add3A_72, %mul3A_71 : i32
      %dma_wait3A_74 = arith.constant 0 : i32
      %dma_wait3A_75 = tpu.memref_slice %arg7[%add3A_73, %dma_wait3A_74] : memref<40x128xi32, #tpu.memory_space<vmem>> -> memref<1x128xi32, #tpu.memory_space<vmem>>
      %dma_wait3A_76 = tpu.memref_squeeze %dma_wait3A_75 : memref<1x128xi32, #tpu.memory_space<vmem>> -> memref<128xi32, #tpu.memory_space<vmem>>
      %dma_wait3A_77 = arith.constant 0 : i32
      %dma_wait3A_78 = arith.constant 0 : i32
      %dma_wait3A_79 = tpu.memref_slice %arg2[%dma_wait3A_77, %dma_wait3A_78] : memref<10000x128xf32, #tpu.memory_space<hbm>> -> memref<10000x128xf32, #tpu.memory_space<hbm>>
      tpu.wait_indirect_dma semaphore(%arg13 : memref<!tpu.dma_semaphore, #tpu.memory_space<semaphore_mem>>) src(%dma_wait3A_79 : memref<10000x128xf32, #tpu.memory_space<hbm>>) dst(%arg9 : memref<128x128xf32, #tpu.memory_space<vmem>>)
      %gt3A = arith.constant 0 : i32
      %gt3A_80 = arith.cmpi sgt, %add3A_73, %gt3A : i32
      %convert_element_type3A = arith.extui %gt3A_80 : i1 to i32
      %cond3A = arith.constant 0 : i32
      %cond3A_81 = arith.cmpi ne, %convert_element_type3A, %cond3A : i32
      scf.if %cond3A_81 {
        %dma_wait3A_116 = arith.constant 0 : i32
        %dma_wait3A_117 = tpu.memref_slice %arg8[%add3A_73, %dma_wait3A_116] : memref<40x128xi32, #tpu.memory_space<vmem>> -> memref<1x128xi32, #tpu.memory_space<vmem>>
        %dma_wait3A_118 = tpu.memref_squeeze %dma_wait3A_117 : memref<1x128xi32, #tpu.memory_space<vmem>> -> memref<128xi32, #tpu.memory_space<vmem>>
        %dma_wait3A_119 = arith.constant 0 : i32
        %dma_wait3A_120 = arith.constant 0 : i32
        %dma_wait3A_121 = tpu.memref_slice %arg11[%dma_wait3A_119, %dma_wait3A_120] : memref<10112x128xf32, #tpu.memory_space<vmem_shared>> -> memref<10112x128xf32, #tpu.memory_space<vmem_shared>>
        tpu.wait_indirect_dma semaphore(%arg16 : memref<!tpu.dma_semaphore, #tpu.memory_space<semaphore_mem>>) src(%arg10 : memref<128x128xf32, #tpu.memory_space<vmem>>) dst(%dma_wait3A_121 : memref<10112x128xf32, #tpu.memory_space<vmem_shared>>)
      } else {
      }
      %add3A_82 = arith.constant 1 : i32
      %add3A_83 = arith.addi %add3A_73, %add3A_82 : i32
      %dma_start3A_84 = arith.constant 0 : i32
      %dma_start3A_85 = tpu.memref_slice %arg7[%add3A_83, %dma_start3A_84] : memref<40x128xi32, #tpu.memory_space<vmem>> -> memref<1x128xi32, #tpu.memory_space<vmem>>
      %dma_start3A_86 = tpu.memref_squeeze %dma_start3A_85 : memref<1x128xi32, #tpu.memory_space<vmem>> -> memref<128xi32, #tpu.memory_space<vmem>>
      %dma_start3A_87 = arith.constant 0 : i32
      %dma_start3A_88 = arith.constant 0 : i32
      %dma_start3A_89 = tpu.memref_slice %arg2[%dma_start3A_87, %dma_start3A_88] : memref<10000x128xf32, #tpu.memory_space<hbm>> -> memref<10000x128xf32, #tpu.memory_space<hbm>>
      tpu.enqueue_indirect_dma source(%dma_start3A_89 : memref<10000x128xf32, #tpu.memory_space<hbm>>) target(%arg10 : memref<128x128xf32, #tpu.memory_space<vmem>>) offsets(%dma_start3A_86 : memref<128xi32, #tpu.memory_space<vmem>>) semaphore(%arg14 : memref<!tpu.dma_semaphore, #tpu.memory_space<semaphore_mem>>)
      %dma_start3A_90 = arith.constant 0 : i32
      %dma_start3A_91 = tpu.memref_slice %arg8[%add3A_73, %dma_start3A_90] : memref<40x128xi32, #tpu.memory_space<vmem>> -> memref<1x128xi32, #tpu.memory_space<vmem>>
      %dma_start3A_92 = tpu.memref_squeeze %dma_start3A_91 : memref<1x128xi32, #tpu.memory_space<vmem>> -> memref<128xi32, #tpu.memory_space<vmem>>
      %dma_start3A_93 = arith.constant 0 : i32
      %dma_start3A_94 = arith.constant 0 : i32
      %dma_start3A_95 = tpu.memref_slice %arg11[%dma_start3A_93, %dma_start3A_94] : memref<10112x128xf32, #tpu.memory_space<vmem_shared>> -> memref<10112x128xf32, #tpu.memory_space<vmem_shared>>
      tpu.enqueue_indirect_dma source(%arg9 : memref<128x128xf32, #tpu.memory_space<vmem>>) target(%dma_start3A_95 : memref<10112x128xf32, #tpu.memory_space<vmem_shared>>) offsets(%dma_start3A_92 : memref<128xi32, #tpu.memory_space<vmem>>) semaphore(%arg15 : memref<!tpu.dma_semaphore, #tpu.memory_space<semaphore_mem>>) {add = true}
      %dma_wait3A_96 = arith.constant 0 : i32
      %dma_wait3A_97 = tpu.memref_slice %arg7[%add3A_83, %dma_wait3A_96] : memref<40x128xi32, #tpu.memory_space<vmem>> -> memref<1x128xi32, #tpu.memory_space<vmem>>
      %dma_wait3A_98 = tpu.memref_squeeze %dma_wait3A_97 : memref<1x128xi32, #tpu.memory_space<vmem>> -> memref<128xi32, #tpu.memory_space<vmem>>
      %dma_wait3A_99 = arith.constant 0 : i32
      %dma_wait3A_100 = arith.constant 0 : i32
      %dma_wait3A_101 = tpu.memref_slice %arg2[%dma_wait3A_99, %dma_wait3A_100] : memref<10000x128xf32, #tpu.memory_space<hbm>> -> memref<10000x128xf32, #tpu.memory_space<hbm>>
      tpu.wait_indirect_dma semaphore(%arg14 : memref<!tpu.dma_semaphore, #tpu.memory_space<semaphore_mem>>) src(%dma_wait3A_101 : memref<10000x128xf32, #tpu.memory_space<hbm>>) dst(%arg10 : memref<128x128xf32, #tpu.memory_space<vmem>>)
      %add3A_102 = arith.constant 1 : i32
      %add3A_103 = arith.addi %add3A_73, %add3A_102 : i32
      %dma_start3A_104 = arith.constant 0 : i32
      %dma_start3A_105 = tpu.memref_slice %arg8[%add3A_103, %dma_start3A_104] : memref<40x128xi32, #tpu.memory_space<vmem>> -> memref<1x128xi32, #tpu.memory_space<vmem>>
      %dma_start3A_106 = tpu.memref_squeeze %dma_start3A_105 : memref<1x128xi32, #tpu.memory_space<vmem>> -> memref<128xi32, #tpu.memory_space<vmem>>
      %dma_start3A_107 = arith.constant 0 : i32
      %dma_start3A_108 = arith.constant 0 : i32
      %dma_start3A_109 = tpu.memref_slice %arg11[%dma_start3A_107, %dma_start3A_108] : memref<10112x128xf32, #tpu.memory_space<vmem_shared>> -> memref<10112x128xf32, #tpu.memory_space<vmem_shared>>
      tpu.enqueue_indirect_dma source(%arg10 : memref<128x128xf32, #tpu.memory_space<vmem>>) target(%dma_start3A_109 : memref<10112x128xf32, #tpu.memory_space<vmem_shared>>) offsets(%dma_start3A_106 : memref<128xi32, #tpu.memory_space<vmem>>) semaphore(%arg16 : memref<!tpu.dma_semaphore, #tpu.memory_space<semaphore_mem>>) {add = true}
      %add3A_110 = arith.constant 2 : i32
      %add3A_111 = arith.addi %add3A_73, %add3A_110 : i32
      %lt3A = arith.constant 40 : i32
      %lt3A_112 = arith.cmpi slt, %add3A_111, %lt3A : i32
      %convert_element_type3A_113 = arith.extui %lt3A_112 : i1 to i32
      %cond3A_114 = arith.constant 0 : i32
      %cond3A_115 = arith.cmpi ne, %convert_element_type3A_113, %cond3A_114 : i32
      scf.if %cond3A_115 {
        %dma_wait3A_116 = arith.constant 0 : i32
        %dma_wait3A_117 = tpu.memref_slice %arg8[%add3A_73, %dma_wait3A_116] : memref<40x128xi32, #tpu.memory_space<vmem>> -> memref<1x128xi32, #tpu.memory_space<vmem>>
        %dma_wait3A_118 = tpu.memref_squeeze %dma_wait3A_117 : memref<1x128xi32, #tpu.memory_space<vmem>> -> memref<128xi32, #tpu.memory_space<vmem>>
        %dma_wait3A_119 = arith.constant 0 : i32
        %dma_wait3A_120 = arith.constant 0 : i32
        %dma_wait3A_121 = tpu.memref_slice %arg11[%dma_wait3A_119, %dma_wait3A_120] : memref<10112x128xf32, #tpu.memory_space<vmem_shared>> -> memref<10112x128xf32, #tpu.memory_space<vmem_shared>>
        tpu.wait_indirect_dma semaphore(%arg15 : memref<!tpu.dma_semaphore, #tpu.memory_space<semaphore_mem>>) src(%arg9 : memref<128x128xf32, #tpu.memory_space<vmem>>) dst(%dma_wait3A_121 : memref<10112x128xf32, #tpu.memory_space<vmem_shared>>)
        %add3A_122 = arith.constant 2 : i32
        %add3A_123 = arith.addi %add3A_73, %add3A_122 : i32
        %dma_start3A_124 = arith.constant 0 : i32
        %dma_start3A_125 = tpu.memref_slice %arg7[%add3A_123, %dma_start3A_124] : memref<40x128xi32, #tpu.memory_space<vmem>> -> memref<1x128xi32, #tpu.memory_space<vmem>>
        %dma_start3A_126 = tpu.memref_squeeze %dma_start3A_125 : memref<1x128xi32, #tpu.memory_space<vmem>> -> memref<128xi32, #tpu.memory_space<vmem>>
        %dma_start3A_127 = arith.constant 0 : i32
        %dma_start3A_128 = arith.constant 0 : i32
        %dma_start3A_129 = tpu.memref_slice %arg2[%dma_start3A_127, %dma_start3A_128] : memref<10000x128xf32, #tpu.memory_space<hbm>> -> memref<10000x128xf32, #tpu.memory_space<hbm>>
        tpu.enqueue_indirect_dma source(%dma_start3A_129 : memref<10000x128xf32, #tpu.memory_space<hbm>>) target(%arg9 : memref<128x128xf32, #tpu.memory_space<vmem>>) offsets(%dma_start3A_126 : memref<128xi32, #tpu.memory_space<vmem>>) semaphore(%arg13 : memref<!tpu.dma_semaphore, #tpu.memory_space<semaphore_mem>>)
      } else {
      }
    }
    %scan3A_23 = arith.constant 20 : i32
    %dma_wait3A_24 = arith.constant 0 : i32
    %dma_wait3A_25 = arith.constant 0 : i32
    %dma_wait3A_26 = tpu.memref_slice %arg8[%dma_wait3A_24, %dma_wait3A_25] : memref<40x128xi32, #tpu.memory_space<vmem>> -> memref<1x128xi32, #tpu.memory_space<vmem>>
    %dma_wait3A_27 = tpu.memref_squeeze %dma_wait3A_26 : memref<1x128xi32, #tpu.memory_space<vmem>> -> memref<128xi32, #tpu.memory_space<vmem>>
    %dma_wait3A_28 = arith.constant 0 : i32
    %dma_wait3A_29 = arith.constant 0 : i32
    %dma_wait3A_30 = tpu.memref_slice %arg11[%dma_wait3A_28, %dma_wait3A_29] : memref<10112x128xf32, #tpu.memory_space<vmem_shared>> -> memref<10112x128xf32, #tpu.memory_space<vmem_shared>>
    tpu.wait_indirect_dma semaphore(%arg15 : memref<!tpu.dma_semaphore, #tpu.memory_space<semaphore_mem>>) src(%arg9 : memref<128x128xf32, #tpu.memory_space<vmem>>) dst(%dma_wait3A_30 : memref<10112x128xf32, #tpu.memory_space<vmem_shared>>)
    %dma_wait3A_31 = arith.constant 0 : i32
    %dma_wait3A_32 = arith.constant 0 : i32
    %dma_wait3A_33 = tpu.memref_slice %arg8[%dma_wait3A_31, %dma_wait3A_32] : memref<40x128xi32, #tpu.memory_space<vmem>> -> memref<1x128xi32, #tpu.memory_space<vmem>>
    %dma_wait3A_34 = tpu.memref_squeeze %dma_wait3A_33 : memref<1x128xi32, #tpu.memory_space<vmem>> -> memref<128xi32, #tpu.memory_space<vmem>>
    %dma_wait3A_35 = arith.constant 0 : i32
    %dma_wait3A_36 = arith.constant 0 : i32
    %dma_wait3A_37 = tpu.memref_slice %arg11[%dma_wait3A_35, %dma_wait3A_36] : memref<10112x128xf32, #tpu.memory_space<vmem_shared>> -> memref<10112x128xf32, #tpu.memory_space<vmem_shared>>
    tpu.wait_indirect_dma semaphore(%arg16 : memref<!tpu.dma_semaphore, #tpu.memory_space<semaphore_mem>>) src(%arg10 : memref<128x128xf32, #tpu.memory_space<vmem>>) dst(%dma_wait3A_37 : memref<10112x128xf32, #tpu.memory_space<vmem_shared>>)
    %mul3A_38 = arith.constant 80 : i32
    %mul3A_39 = arith.muli %add3A, %mul3A_38 : i32
    %add3A_40 = arith.constant 40 : i32
    %add3A_41 = arith.addi %mul3A_39, %add3A_40 : i32
    "tpu.region"() ({
      %run_scoped3A = tpu.sem_alloc : memref<!tpu.dma_semaphore, #tpu.memory_space<semaphore_mem>>
      %dma_start3A_69 = arith.constant 0 : i32
      %dma_start3A_70 = tpu.memref_slice %arg3[%add3A_41, %dma_start3A_69] : memref<2560x128xi32, #tpu.memory_space<hbm>> -> memref<40x128xi32, #tpu.memory_space<hbm>>
      %dma_start3A_71 = arith.constant 0 : i32
      %dma_start3A_72 = tpu.memref_slice %arg3[%add3A_41, %dma_start3A_71] : memref<2560x128xi32, #tpu.memory_space<hbm>> -> memref<40x128xi32, #tpu.memory_space<hbm>>
      tpu.enqueue_dma source(%dma_start3A_72 : memref<40x128xi32, #tpu.memory_space<hbm>>) target(%arg7 : memref<40x128xi32, #tpu.memory_space<vmem>>) target_semaphore(%run_scoped3A : memref<!tpu.dma_semaphore, #tpu.memory_space<semaphore_mem>>)
      %dma_wait3A_73 = arith.constant 0 : i32
      %dma_wait3A_74 = tpu.memref_slice %arg3[%add3A_41, %dma_wait3A_73] : memref<2560x128xi32, #tpu.memory_space<hbm>> -> memref<40x128xi32, #tpu.memory_space<hbm>>
      %dma_wait3A_75 = arith.constant 0 : i32
      %dma_wait3A_76 = tpu.memref_slice %arg3[%add3A_41, %dma_wait3A_75] : memref<2560x128xi32, #tpu.memory_space<hbm>> -> memref<40x128xi32, #tpu.memory_space<hbm>>
      tpu.wait_dma2 semaphore(%run_scoped3A : memref<!tpu.dma_semaphore, #tpu.memory_space<semaphore_mem>>) src(%dma_wait3A_76 : memref<40x128xi32, #tpu.memory_space<hbm>>) dst(%arg7 : memref<40x128xi32, #tpu.memory_space<vmem>>)
      tpu.yield
    }) : () -> ()
    "tpu.region"() ({
      %run_scoped3A = tpu.sem_alloc : memref<!tpu.dma_semaphore, #tpu.memory_space<semaphore_mem>>
      %dma_start3A_69 = arith.constant 0 : i32
      %dma_start3A_70 = tpu.memref_slice %arg4[%add3A_41, %dma_start3A_69] : memref<2560x128xi32, #tpu.memory_space<hbm>> -> memref<40x128xi32, #tpu.memory_space<hbm>>
      %dma_start3A_71 = arith.constant 0 : i32
      %dma_start3A_72 = tpu.memref_slice %arg4[%add3A_41, %dma_start3A_71] : memref<2560x128xi32, #tpu.memory_space<hbm>> -> memref<40x128xi32, #tpu.memory_space<hbm>>
      tpu.enqueue_dma source(%dma_start3A_72 : memref<40x128xi32, #tpu.memory_space<hbm>>) target(%arg8 : memref<40x128xi32, #tpu.memory_space<vmem>>) target_semaphore(%run_scoped3A : memref<!tpu.dma_semaphore, #tpu.memory_space<semaphore_mem>>)
      %dma_wait3A_73 = arith.constant 0 : i32
      %dma_wait3A_74 = tpu.memref_slice %arg4[%add3A_41, %dma_wait3A_73] : memref<2560x128xi32, #tpu.memory_space<hbm>> -> memref<40x128xi32, #tpu.memory_space<hbm>>
      %dma_wait3A_75 = arith.constant 0 : i32
      %dma_wait3A_76 = tpu.memref_slice %arg4[%add3A_41, %dma_wait3A_75] : memref<2560x128xi32, #tpu.memory_space<hbm>> -> memref<40x128xi32, #tpu.memory_space<hbm>>
      tpu.wait_dma2 semaphore(%run_scoped3A : memref<!tpu.dma_semaphore, #tpu.memory_space<semaphore_mem>>) src(%dma_wait3A_76 : memref<40x128xi32, #tpu.memory_space<hbm>>) dst(%arg8 : memref<40x128xi32, #tpu.memory_space<vmem>>)
      tpu.yield
    }) : () -> ()
    %dma_start3A_42 = arith.constant 0 : i32
    %dma_start3A_43 = arith.constant 0 : i32
    %dma_start3A_44 = tpu.memref_slice %arg7[%dma_start3A_42, %dma_start3A_43] : memref<40x128xi32, #tpu.memory_space<vmem>> -> memref<1x128xi32, #tpu.memory_space<vmem>>
    %dma_start3A_45 = tpu.memref_squeeze %dma_start3A_44 : memref<1x128xi32, #tpu.memory_space<vmem>> -> memref<128xi32, #tpu.memory_space<vmem>>
    %dma_start3A_46 = arith.constant 0 : i32
    %dma_start3A_47 = arith.constant 0 : i32
    %dma_start3A_48 = tpu.memref_slice %arg2[%dma_start3A_46, %dma_start3A_47] : memref<10000x128xf32, #tpu.memory_space<hbm>> -> memref<10000x128xf32, #tpu.memory_space<hbm>>
    tpu.enqueue_indirect_dma source(%dma_start3A_48 : memref<10000x128xf32, #tpu.memory_space<hbm>>) target(%arg9 : memref<128x128xf32, #tpu.memory_space<vmem>>) offsets(%dma_start3A_45 : memref<128xi32, #tpu.memory_space<vmem>>) semaphore(%arg13 : memref<!tpu.dma_semaphore, #tpu.memory_space<semaphore_mem>>)
    %scan3A_49 = arith.constant 0 : i32
    %scan3A_50 = arith.constant 20 : i32
    %scan3A_51 = arith.addi %scan3A_49, %scan3A_50 : i32
    %scan3A_52 = arith.constant 1 : i32
    scf.for %scan3A_69 = %scan3A_49 to %scan3A_51 step %scan3A_52  : i32 {
      %mul3A_70 = arith.constant 2 : i32
      %mul3A_71 = arith.muli %scan3A_69, %mul3A_70 : i32
      %add3A_72 = arith.constant 0 : i32
      %add3A_73 = arith.addi %add3A_72, %mul3A_71 : i32
      %dma_wait3A_74 = arith.constant 0 : i32
      %dma_wait3A_75 = tpu.memref_slice %arg7[%add3A_73, %dma_wait3A_74] : memref<40x128xi32, #tpu.memory_space<vmem>> -> memref<1x128xi32, #tpu.memory_space<vmem>>
      %dma_wait3A_76 = tpu.memref_squeeze %dma_wait3A_75 : memref<1x128xi32, #tpu.memory_space<vmem>> -> memref<128xi32, #tpu.memory_space<vmem>>
      %dma_wait3A_77 = arith.constant 0 : i32
      %dma_wait3A_78 = arith.constant 0 : i32
      %dma_wait3A_79 = tpu.memref_slice %arg2[%dma_wait3A_77, %dma_wait3A_78] : memref<10000x128xf32, #tpu.memory_space<hbm>> -> memref<10000x128xf32, #tpu.memory_space<hbm>>
      tpu.wait_indirect_dma semaphore(%arg13 : memref<!tpu.dma_semaphore, #tpu.memory_space<semaphore_mem>>) src(%dma_wait3A_79 : memref<10000x128xf32, #tpu.memory_space<hbm>>) dst(%arg9 : memref<128x128xf32, #tpu.memory_space<vmem>>)
      %gt3A = arith.constant 0 : i32
      %gt3A_80 = arith.cmpi sgt, %add3A_73, %gt3A : i32
      %convert_element_type3A = arith.extui %gt3A_80 : i1 to i32
      %cond3A = arith.constant 0 : i32
      %cond3A_81 = arith.cmpi ne, %convert_element_type3A, %cond3A : i32
      scf.if %cond3A_81 {
        %dma_wait3A_116 = arith.constant 0 : i32
        %dma_wait3A_117 = tpu.memref_slice %arg8[%add3A_73, %dma_wait3A_116] : memref<40x128xi32, #tpu.memory_space<vmem>> -> memref<1x128xi32, #tpu.memory_space<vmem>>
        %dma_wait3A_118 = tpu.memref_squeeze %dma_wait3A_117 : memref<1x128xi32, #tpu.memory_space<vmem>> -> memref<128xi32, #tpu.memory_space<vmem>>
        %dma_wait3A_119 = arith.constant 0 : i32
        %dma_wait3A_120 = arith.constant 0 : i32
        %dma_wait3A_121 = tpu.memref_slice %arg11[%dma_wait3A_119, %dma_wait3A_120] : memref<10112x128xf32, #tpu.memory_space<vmem_shared>> -> memref<10112x128xf32, #tpu.memory_space<vmem_shared>>
        tpu.wait_indirect_dma semaphore(%arg16 : memref<!tpu.dma_semaphore, #tpu.memory_space<semaphore_mem>>) src(%arg10 : memref<128x128xf32, #tpu.memory_space<vmem>>) dst(%dma_wait3A_121 : memref<10112x128xf32, #tpu.memory_space<vmem_shared>>)
      } else {
      }
      %add3A_82 = arith.constant 1 : i32
      %add3A_83 = arith.addi %add3A_73, %add3A_82 : i32
      %dma_start3A_84 = arith.constant 0 : i32
      %dma_start3A_85 = tpu.memref_slice %arg7[%add3A_83, %dma_start3A_84] : memref<40x128xi32, #tpu.memory_space<vmem>> -> memref<1x128xi32, #tpu.memory_space<vmem>>
      %dma_start3A_86 = tpu.memref_squeeze %dma_start3A_85 : memref<1x128xi32, #tpu.memory_space<vmem>> -> memref<128xi32, #tpu.memory_space<vmem>>
      %dma_start3A_87 = arith.constant 0 : i32
      %dma_start3A_88 = arith.constant 0 : i32
      %dma_start3A_89 = tpu.memref_slice %arg2[%dma_start3A_87, %dma_start3A_88] : memref<10000x128xf32, #tpu.memory_space<hbm>> -> memref<10000x128xf32, #tpu.memory_space<hbm>>
      tpu.enqueue_indirect_dma source(%dma_start3A_89 : memref<10000x128xf32, #tpu.memory_space<hbm>>) target(%arg10 : memref<128x128xf32, #tpu.memory_space<vmem>>) offsets(%dma_start3A_86 : memref<128xi32, #tpu.memory_space<vmem>>) semaphore(%arg14 : memref<!tpu.dma_semaphore, #tpu.memory_space<semaphore_mem>>)
      %dma_start3A_90 = arith.constant 0 : i32
      %dma_start3A_91 = tpu.memref_slice %arg8[%add3A_73, %dma_start3A_90] : memref<40x128xi32, #tpu.memory_space<vmem>> -> memref<1x128xi32, #tpu.memory_space<vmem>>
      %dma_start3A_92 = tpu.memref_squeeze %dma_start3A_91 : memref<1x128xi32, #tpu.memory_space<vmem>> -> memref<128xi32, #tpu.memory_space<vmem>>
      %dma_start3A_93 = arith.constant 0 : i32
      %dma_start3A_94 = arith.constant 0 : i32
      %dma_start3A_95 = tpu.memref_slice %arg11[%dma_start3A_93, %dma_start3A_94] : memref<10112x128xf32, #tpu.memory_space<vmem_shared>> -> memref<10112x128xf32, #tpu.memory_space<vmem_shared>>
      tpu.enqueue_indirect_dma source(%arg9 : memref<128x128xf32, #tpu.memory_space<vmem>>) target(%dma_start3A_95 : memref<10112x128xf32, #tpu.memory_space<vmem_shared>>) offsets(%dma_start3A_92 : memref<128xi32, #tpu.memory_space<vmem>>) semaphore(%arg15 : memref<!tpu.dma_semaphore, #tpu.memory_space<semaphore_mem>>) {add = true}
      %dma_wait3A_96 = arith.constant 0 : i32
      %dma_wait3A_97 = tpu.memref_slice %arg7[%add3A_83, %dma_wait3A_96] : memref<40x128xi32, #tpu.memory_space<vmem>> -> memref<1x128xi32, #tpu.memory_space<vmem>>
      %dma_wait3A_98 = tpu.memref_squeeze %dma_wait3A_97 : memref<1x128xi32, #tpu.memory_space<vmem>> -> memref<128xi32, #tpu.memory_space<vmem>>
      %dma_wait3A_99 = arith.constant 0 : i32
      %dma_wait3A_100 = arith.constant 0 : i32
      %dma_wait3A_101 = tpu.memref_slice %arg2[%dma_wait3A_99, %dma_wait3A_100] : memref<10000x128xf32, #tpu.memory_space<hbm>> -> memref<10000x128xf32, #tpu.memory_space<hbm>>
      tpu.wait_indirect_dma semaphore(%arg14 : memref<!tpu.dma_semaphore, #tpu.memory_space<semaphore_mem>>) src(%dma_wait3A_101 : memref<10000x128xf32, #tpu.memory_space<hbm>>) dst(%arg10 : memref<128x128xf32, #tpu.memory_space<vmem>>)
      %add3A_102 = arith.constant 1 : i32
      %add3A_103 = arith.addi %add3A_73, %add3A_102 : i32
      %dma_start3A_104 = arith.constant 0 : i32
      %dma_start3A_105 = tpu.memref_slice %arg8[%add3A_103, %dma_start3A_104] : memref<40x128xi32, #tpu.memory_space<vmem>> -> memref<1x128xi32, #tpu.memory_space<vmem>>
      %dma_start3A_106 = tpu.memref_squeeze %dma_start3A_105 : memref<1x128xi32, #tpu.memory_space<vmem>> -> memref<128xi32, #tpu.memory_space<vmem>>
      %dma_start3A_107 = arith.constant 0 : i32
      %dma_start3A_108 = arith.constant 0 : i32
      %dma_start3A_109 = tpu.memref_slice %arg11[%dma_start3A_107, %dma_start3A_108] : memref<10112x128xf32, #tpu.memory_space<vmem_shared>> -> memref<10112x128xf32, #tpu.memory_space<vmem_shared>>
      tpu.enqueue_indirect_dma source(%arg10 : memref<128x128xf32, #tpu.memory_space<vmem>>) target(%dma_start3A_109 : memref<10112x128xf32, #tpu.memory_space<vmem_shared>>) offsets(%dma_start3A_106 : memref<128xi32, #tpu.memory_space<vmem>>) semaphore(%arg16 : memref<!tpu.dma_semaphore, #tpu.memory_space<semaphore_mem>>) {add = true}
      %add3A_110 = arith.constant 2 : i32
      %add3A_111 = arith.addi %add3A_73, %add3A_110 : i32
      %lt3A = arith.constant 40 : i32
      %lt3A_112 = arith.cmpi slt, %add3A_111, %lt3A : i32
      %convert_element_type3A_113 = arith.extui %lt3A_112 : i1 to i32
      %cond3A_114 = arith.constant 0 : i32
      %cond3A_115 = arith.cmpi ne, %convert_element_type3A_113, %cond3A_114 : i32
      scf.if %cond3A_115 {
        %dma_wait3A_116 = arith.constant 0 : i32
        %dma_wait3A_117 = tpu.memref_slice %arg8[%add3A_73, %dma_wait3A_116] : memref<40x128xi32, #tpu.memory_space<vmem>> -> memref<1x128xi32, #tpu.memory_space<vmem>>
        %dma_wait3A_118 = tpu.memref_squeeze %dma_wait3A_117 : memref<1x128xi32, #tpu.memory_space<vmem>> -> memref<128xi32, #tpu.memory_space<vmem>>
        %dma_wait3A_119 = arith.constant 0 : i32
        %dma_wait3A_120 = arith.constant 0 : i32
        %dma_wait3A_121 = tpu.memref_slice %arg11[%dma_wait3A_119, %dma_wait3A_120] : memref<10112x128xf32, #tpu.memory_space<vmem_shared>> -> memref<10112x128xf32, #tpu.memory_space<vmem_shared>>
        tpu.wait_indirect_dma semaphore(%arg15 : memref<!tpu.dma_semaphore, #tpu.memory_space<semaphore_mem>>) src(%arg9 : memref<128x128xf32, #tpu.memory_space<vmem>>) dst(%dma_wait3A_121 : memref<10112x128xf32, #tpu.memory_space<vmem_shared>>)
        %add3A_122 = arith.constant 2 : i32
        %add3A_123 = arith.addi %add3A_73, %add3A_122 : i32
        %dma_start3A_124 = arith.constant 0 : i32
        %dma_start3A_125 = tpu.memref_slice %arg7[%add3A_123, %dma_start3A_124] : memref<40x128xi32, #tpu.memory_space<vmem>> -> memref<1x128xi32, #tpu.memory_space<vmem>>
        %dma_start3A_126 = tpu.memref_squeeze %dma_start3A_125 : memref<1x128xi32, #tpu.memory_space<vmem>> -> memref<128xi32, #tpu.memory_space<vmem>>
        %dma_start3A_127 = arith.constant 0 : i32
        %dma_start3A_128 = arith.constant 0 : i32
        %dma_start3A_129 = tpu.memref_slice %arg2[%dma_start3A_127, %dma_start3A_128] : memref<10000x128xf32, #tpu.memory_space<hbm>> -> memref<10000x128xf32, #tpu.memory_space<hbm>>
        tpu.enqueue_indirect_dma source(%dma_start3A_129 : memref<10000x128xf32, #tpu.memory_space<hbm>>) target(%arg9 : memref<128x128xf32, #tpu.memory_space<vmem>>) offsets(%dma_start3A_126 : memref<128xi32, #tpu.memory_space<vmem>>) semaphore(%arg13 : memref<!tpu.dma_semaphore, #tpu.memory_space<semaphore_mem>>)
      } else {
      }
    }
    %scan3A_53 = arith.constant 20 : i32
    %dma_wait3A_54 = arith.constant 0 : i32
    %dma_wait3A_55 = arith.constant 0 : i32
    %dma_wait3A_56 = tpu.memref_slice %arg8[%dma_wait3A_54, %dma_wait3A_55] : memref<40x128xi32, #tpu.memory_space<vmem>> -> memref<1x128xi32, #tpu.memory_space<vmem>>
    %dma_wait3A_57 = tpu.memref_squeeze %dma_wait3A_56 : memref<1x128xi32, #tpu.memory_space<vmem>> -> memref<128xi32, #tpu.memory_space<vmem>>
    %dma_wait3A_58 = arith.constant 0 : i32
    %dma_wait3A_59 = arith.constant 0 : i32
    %dma_wait3A_60 = tpu.memref_slice %arg11[%dma_wait3A_58, %dma_wait3A_59] : memref<10112x128xf32, #tpu.memory_space<vmem_shared>> -> memref<10112x128xf32, #tpu.memory_space<vmem_shared>>
    tpu.wait_indirect_dma semaphore(%arg15 : memref<!tpu.dma_semaphore, #tpu.memory_space<semaphore_mem>>) src(%arg9 : memref<128x128xf32, #tpu.memory_space<vmem>>) dst(%dma_wait3A_60 : memref<10112x128xf32, #tpu.memory_space<vmem_shared>>)
    %dma_wait3A_61 = arith.constant 0 : i32
    %dma_wait3A_62 = arith.constant 0 : i32
    %dma_wait3A_63 = tpu.memref_slice %arg8[%dma_wait3A_61, %dma_wait3A_62] : memref<40x128xi32, #tpu.memory_space<vmem>> -> memref<1x128xi32, #tpu.memory_space<vmem>>
    %dma_wait3A_64 = tpu.memref_squeeze %dma_wait3A_63 : memref<1x128xi32, #tpu.memory_space<vmem>> -> memref<128xi32, #tpu.memory_space<vmem>>
    %dma_wait3A_65 = arith.constant 0 : i32
    %dma_wait3A_66 = arith.constant 0 : i32
    %dma_wait3A_67 = tpu.memref_slice %arg11[%dma_wait3A_65, %dma_wait3A_66] : memref<10112x128xf32, #tpu.memory_space<vmem_shared>> -> memref<10112x128xf32, #tpu.memory_space<vmem_shared>>
    tpu.wait_indirect_dma semaphore(%arg16 : memref<!tpu.dma_semaphore, #tpu.memory_space<semaphore_mem>>) src(%arg10 : memref<128x128xf32, #tpu.memory_space<vmem>>) dst(%dma_wait3A_67 : memref<10112x128xf32, #tpu.memory_space<vmem_shared>>)
    %barrier3A_68 = arith.constant 0 : index
    tpu.barrier barrier_id(%barrier3A_68)
    "tpu.region"() ({
      %run_scoped3A = tpu.sem_alloc : memref<!tpu.dma_semaphore, #tpu.memory_space<semaphore_mem>>
      %dma_start3A_69 = arith.constant 0 : i32
      %dma_start3A_70 = tpu.memref_slice %arg6[%arg0, %mul3A_2, %dma_start3A_69] : memref<2x10112x128xf32, #tpu.memory_space<hbm>> -> memref<1x632x128xf32, #tpu.memory_space<hbm>>
      %dma_start3A_71 = tpu.memref_squeeze %dma_start3A_70 : memref<1x632x128xf32, #tpu.memory_space<hbm>> -> memref<632x128xf32, #tpu.memory_space<hbm>>
      %dma_start3A_72 = arith.constant 0 : i32
      %dma_start3A_73 = tpu.memref_slice %arg11[%mul3A_2, %dma_start3A_72] : memref<10112x128xf32, #tpu.memory_space<vmem_shared>> -> memref<632x128xf32, #tpu.memory_space<vmem_shared>>
      tpu.enqueue_dma source(%dma_start3A_73 : memref<632x128xf32, #tpu.memory_space<vmem_shared>>) target(%dma_start3A_71 : memref<632x128xf32, #tpu.memory_space<hbm>>) target_semaphore(%run_scoped3A : memref<!tpu.dma_semaphore, #tpu.memory_space<semaphore_mem>>)
      %dma_wait3A_74 = arith.constant 0 : i32
      %dma_wait3A_75 = tpu.memref_slice %arg6[%arg0, %mul3A_2, %dma_wait3A_74] : memref<2x10112x128xf32, #tpu.memory_space<hbm>> -> memref<1x632x128xf32, #tpu.memory_space<hbm>>
      %dma_wait3A_76 = tpu.memref_squeeze %dma_wait3A_75 : memref<1x632x128xf32, #tpu.memory_space<hbm>> -> memref<632x128xf32, #tpu.memory_space<hbm>>
      %dma_wait3A_77 = arith.constant 0 : i32
      %dma_wait3A_78 = tpu.memref_slice %arg11[%mul3A_2, %dma_wait3A_77] : memref<10112x128xf32, #tpu.memory_space<vmem_shared>> -> memref<632x128xf32, #tpu.memory_space<vmem_shared>>
      tpu.wait_dma2 semaphore(%run_scoped3A : memref<!tpu.dma_semaphore, #tpu.memory_space<semaphore_mem>>) src(%dma_wait3A_78 : memref<632x128xf32, #tpu.memory_space<vmem_shared>>) dst(%dma_wait3A_76 : memref<632x128xf32, #tpu.memory_space<hbm>>)
      tpu.yield
    }) : () -> ()
    return
  }
}

#map = affine_map<(d0, d1) -> (0, 0)>
#map1 = affine_map<(d0, d1) -> (0, 0, 0)>
module attributes {stable_mosaic.version = 14 : i64} {
  func.func @k(%arg0: i32, %arg1: i32, %arg2: memref<2560x128xi32, #tpu.memory_space<hbm>>, %arg3: memref<10112x128xf32, #tpu.memory_space<hbm>>, %arg4: memref<128x128xf32, #tpu.memory_space<hbm>>, %arg5: memref<2x10112x128xf32, #tpu.memory_space<hbm>>, %arg6: memref<80x128xi32, #tpu.memory_space<vmem>>, %arg7: memref<128x128xf32, #tpu.memory_space<vmem>>, %arg8: memref<10112x128xf32, #tpu.memory_space<vmem_shared>>, %arg9: memref<!tpu.dma_semaphore, #tpu.memory_space<semaphore_mem>>, %arg10: memref<!tpu.dma_semaphore, #tpu.memory_space<semaphore_mem>>, %arg11: memref<!tpu.dma_semaphore, #tpu.memory_space<semaphore_mem>>) attributes {dimension_semantics = [#tpu.dimension_semantics<core_parallel>, #tpu.dimension_semantics<subcore_parallel>], iteration_bounds = array<i64: 2, 16>, scalar_prefetch = 0 : i64, scratch_operands = 6 : i64, tpu.core_type = #tpu.core_type<sc_vector_subcore>, window_params = [{transform_indices = #map}, {transform_indices = #map}, {transform_indices = #map}, {transform_indices = #map1}]} {
    %mul3A = arith.constant 2 : i32
    %mul3A_0 = arith.muli %arg1, %mul3A : i32
    %add3A = arith.addi %mul3A_0, %arg0 : i32
    %mul3A_1 = arith.constant 632 : i32
    %mul3A_2 = arith.muli %arg1, %mul3A_1 : i32
    %dma_start3A = arith.constant 0 : i32
    %dma_start3A_3 = tpu.memref_slice %arg8[%mul3A_2, %dma_start3A] : memref<10112x128xf32, #tpu.memory_space<vmem_shared>> -> memref<632x128xf32, #tpu.memory_space<vmem_shared>>
    %dma_start3A_4 = arith.constant 0 : i32
    %dma_start3A_5 = tpu.memref_slice %arg3[%mul3A_2, %dma_start3A_4] : memref<10112x128xf32, #tpu.memory_space<hbm>> -> memref<632x128xf32, #tpu.memory_space<hbm>>
    tpu.enqueue_dma source(%dma_start3A_5 : memref<632x128xf32, #tpu.memory_space<hbm>>) target(%dma_start3A_3 : memref<632x128xf32, #tpu.memory_space<vmem_shared>>) target_semaphore(%arg9 : memref<!tpu.dma_semaphore, #tpu.memory_space<semaphore_mem>>)
    "tpu.region"() ({
      %run_scoped3A = tpu.sem_alloc : memref<!tpu.dma_semaphore, #tpu.memory_space<semaphore_mem>>
      tpu.enqueue_dma source(%arg4 : memref<128x128xf32, #tpu.memory_space<hbm>>) target(%arg7 : memref<128x128xf32, #tpu.memory_space<vmem>>) target_semaphore(%run_scoped3A : memref<!tpu.dma_semaphore, #tpu.memory_space<semaphore_mem>>)
      tpu.wait_dma2 semaphore(%run_scoped3A : memref<!tpu.dma_semaphore, #tpu.memory_space<semaphore_mem>>) src(%arg4 : memref<128x128xf32, #tpu.memory_space<hbm>>) dst(%arg7 : memref<128x128xf32, #tpu.memory_space<vmem>>)
      tpu.yield
    }) : () -> ()
    %mul3A_6 = arith.constant 80 : i32
    %mul3A_7 = arith.muli %add3A, %mul3A_6 : i32
    "tpu.region"() ({
      %run_scoped3A = tpu.sem_alloc : memref<!tpu.dma_semaphore, #tpu.memory_space<semaphore_mem>>
      %dma_start3A_16 = arith.constant 0 : i32
      %dma_start3A_17 = tpu.memref_slice %arg2[%mul3A_7, %dma_start3A_16] : memref<2560x128xi32, #tpu.memory_space<hbm>> -> memref<80x128xi32, #tpu.memory_space<hbm>>
      %dma_start3A_18 = arith.constant 0 : i32
      %dma_start3A_19 = tpu.memref_slice %arg2[%mul3A_7, %dma_start3A_18] : memref<2560x128xi32, #tpu.memory_space<hbm>> -> memref<80x128xi32, #tpu.memory_space<hbm>>
      tpu.enqueue_dma source(%dma_start3A_19 : memref<80x128xi32, #tpu.memory_space<hbm>>) target(%arg6 : memref<80x128xi32, #tpu.memory_space<vmem>>) target_semaphore(%run_scoped3A : memref<!tpu.dma_semaphore, #tpu.memory_space<semaphore_mem>>)
      %dma_wait3A_20 = arith.constant 0 : i32
      %dma_wait3A_21 = tpu.memref_slice %arg2[%mul3A_7, %dma_wait3A_20] : memref<2560x128xi32, #tpu.memory_space<hbm>> -> memref<80x128xi32, #tpu.memory_space<hbm>>
      %dma_wait3A_22 = arith.constant 0 : i32
      %dma_wait3A_23 = tpu.memref_slice %arg2[%mul3A_7, %dma_wait3A_22] : memref<2560x128xi32, #tpu.memory_space<hbm>> -> memref<80x128xi32, #tpu.memory_space<hbm>>
      tpu.wait_dma2 semaphore(%run_scoped3A : memref<!tpu.dma_semaphore, #tpu.memory_space<semaphore_mem>>) src(%dma_wait3A_23 : memref<80x128xi32, #tpu.memory_space<hbm>>) dst(%arg6 : memref<80x128xi32, #tpu.memory_space<vmem>>)
      tpu.yield
    }) : () -> ()
    %dma_wait3A = arith.constant 0 : i32
    %dma_wait3A_8 = tpu.memref_slice %arg8[%mul3A_2, %dma_wait3A] : memref<10112x128xf32, #tpu.memory_space<vmem_shared>> -> memref<632x128xf32, #tpu.memory_space<vmem_shared>>
    %dma_wait3A_9 = arith.constant 0 : i32
    %dma_wait3A_10 = tpu.memref_slice %arg3[%mul3A_2, %dma_wait3A_9] : memref<10112x128xf32, #tpu.memory_space<hbm>> -> memref<632x128xf32, #tpu.memory_space<hbm>>
    tpu.wait_dma2 semaphore(%arg9 : memref<!tpu.dma_semaphore, #tpu.memory_space<semaphore_mem>>) src(%dma_wait3A_10 : memref<632x128xf32, #tpu.memory_space<hbm>>) dst(%dma_wait3A_8 : memref<632x128xf32, #tpu.memory_space<vmem_shared>>)
    %barrier3A = arith.constant 0 : index
    tpu.barrier barrier_id(%barrier3A)
    %scan3A = arith.constant 0 : i32
    %scan3A_11 = arith.constant 40 : i32
    %scan3A_12 = arith.addi %scan3A, %scan3A_11 : i32
    %scan3A_13 = arith.constant 1 : i32
    scf.for %scan3A_16 = %scan3A to %scan3A_12 step %scan3A_13  : i32 {
      %mul3A_17 = arith.constant 2 : i32
      %mul3A_18 = arith.muli %scan3A_16, %mul3A_17 : i32
      %add3A_19 = arith.constant 0 : i32
      %add3A_20 = arith.addi %add3A_19, %mul3A_18 : i32
      %dma_start3A_21 = arith.constant 0 : i32
      %dma_start3A_22 = tpu.memref_slice %arg6[%add3A_20, %dma_start3A_21] : memref<80x128xi32, #tpu.memory_space<vmem>> -> memref<1x128xi32, #tpu.memory_space<vmem>>
      %dma_start3A_23 = tpu.memref_squeeze %dma_start3A_22 : memref<1x128xi32, #tpu.memory_space<vmem>> -> memref<128xi32, #tpu.memory_space<vmem>>
      %dma_start3A_24 = arith.constant 0 : i32
      %dma_start3A_25 = arith.constant 0 : i32
      %dma_start3A_26 = tpu.memref_slice %arg8[%dma_start3A_24, %dma_start3A_25] : memref<10112x128xf32, #tpu.memory_space<vmem_shared>> -> memref<10112x128xf32, #tpu.memory_space<vmem_shared>>
      tpu.enqueue_indirect_dma source(%arg7 : memref<128x128xf32, #tpu.memory_space<vmem>>) target(%dma_start3A_26 : memref<10112x128xf32, #tpu.memory_space<vmem_shared>>) offsets(%dma_start3A_23 : memref<128xi32, #tpu.memory_space<vmem>>) semaphore(%arg10 : memref<!tpu.dma_semaphore, #tpu.memory_space<semaphore_mem>>) {add = true}
      %add3A_27 = arith.constant 1 : i32
      %add3A_28 = arith.addi %add3A_20, %add3A_27 : i32
      %dma_start3A_29 = arith.constant 0 : i32
      %dma_start3A_30 = tpu.memref_slice %arg6[%add3A_28, %dma_start3A_29] : memref<80x128xi32, #tpu.memory_space<vmem>> -> memref<1x128xi32, #tpu.memory_space<vmem>>
      %dma_start3A_31 = tpu.memref_squeeze %dma_start3A_30 : memref<1x128xi32, #tpu.memory_space<vmem>> -> memref<128xi32, #tpu.memory_space<vmem>>
      %dma_start3A_32 = arith.constant 0 : i32
      %dma_start3A_33 = arith.constant 0 : i32
      %dma_start3A_34 = tpu.memref_slice %arg8[%dma_start3A_32, %dma_start3A_33] : memref<10112x128xf32, #tpu.memory_space<vmem_shared>> -> memref<10112x128xf32, #tpu.memory_space<vmem_shared>>
      tpu.enqueue_indirect_dma source(%arg7 : memref<128x128xf32, #tpu.memory_space<vmem>>) target(%dma_start3A_34 : memref<10112x128xf32, #tpu.memory_space<vmem_shared>>) offsets(%dma_start3A_31 : memref<128xi32, #tpu.memory_space<vmem>>) semaphore(%arg11 : memref<!tpu.dma_semaphore, #tpu.memory_space<semaphore_mem>>) {add = true}
      %dma_wait3A_35 = arith.constant 0 : i32
      %dma_wait3A_36 = tpu.memref_slice %arg6[%add3A_20, %dma_wait3A_35] : memref<80x128xi32, #tpu.memory_space<vmem>> -> memref<1x128xi32, #tpu.memory_space<vmem>>
      %dma_wait3A_37 = tpu.memref_squeeze %dma_wait3A_36 : memref<1x128xi32, #tpu.memory_space<vmem>> -> memref<128xi32, #tpu.memory_space<vmem>>
      %dma_wait3A_38 = arith.constant 0 : i32
      %dma_wait3A_39 = arith.constant 0 : i32
      %dma_wait3A_40 = tpu.memref_slice %arg8[%dma_wait3A_38, %dma_wait3A_39] : memref<10112x128xf32, #tpu.memory_space<vmem_shared>> -> memref<10112x128xf32, #tpu.memory_space<vmem_shared>>
      tpu.wait_indirect_dma semaphore(%arg10 : memref<!tpu.dma_semaphore, #tpu.memory_space<semaphore_mem>>) src(%arg7 : memref<128x128xf32, #tpu.memory_space<vmem>>) dst(%dma_wait3A_40 : memref<10112x128xf32, #tpu.memory_space<vmem_shared>>)
      %dma_wait3A_41 = arith.constant 0 : i32
      %dma_wait3A_42 = tpu.memref_slice %arg6[%add3A_28, %dma_wait3A_41] : memref<80x128xi32, #tpu.memory_space<vmem>> -> memref<1x128xi32, #tpu.memory_space<vmem>>
      %dma_wait3A_43 = tpu.memref_squeeze %dma_wait3A_42 : memref<1x128xi32, #tpu.memory_space<vmem>> -> memref<128xi32, #tpu.memory_space<vmem>>
      %dma_wait3A_44 = arith.constant 0 : i32
      %dma_wait3A_45 = arith.constant 0 : i32
      %dma_wait3A_46 = tpu.memref_slice %arg8[%dma_wait3A_44, %dma_wait3A_45] : memref<10112x128xf32, #tpu.memory_space<vmem_shared>> -> memref<10112x128xf32, #tpu.memory_space<vmem_shared>>
      tpu.wait_indirect_dma semaphore(%arg11 : memref<!tpu.dma_semaphore, #tpu.memory_space<semaphore_mem>>) src(%arg7 : memref<128x128xf32, #tpu.memory_space<vmem>>) dst(%dma_wait3A_46 : memref<10112x128xf32, #tpu.memory_space<vmem_shared>>)
    }
    %scan3A_14 = arith.constant 40 : i32
    %barrier3A_15 = arith.constant 0 : index
    tpu.barrier barrier_id(%barrier3A_15)
    "tpu.region"() ({
      %run_scoped3A = tpu.sem_alloc : memref<!tpu.dma_semaphore, #tpu.memory_space<semaphore_mem>>
      %dma_start3A_16 = arith.constant 0 : i32
      %dma_start3A_17 = tpu.memref_slice %arg5[%arg0, %mul3A_2, %dma_start3A_16] : memref<2x10112x128xf32, #tpu.memory_space<hbm>> -> memref<1x632x128xf32, #tpu.memory_space<hbm>>
      %dma_start3A_18 = tpu.memref_squeeze %dma_start3A_17 : memref<1x632x128xf32, #tpu.memory_space<hbm>> -> memref<632x128xf32, #tpu.memory_space<hbm>>
      %dma_start3A_19 = arith.constant 0 : i32
      %dma_start3A_20 = tpu.memref_slice %arg8[%mul3A_2, %dma_start3A_19] : memref<10112x128xf32, #tpu.memory_space<vmem_shared>> -> memref<632x128xf32, #tpu.memory_space<vmem_shared>>
      tpu.enqueue_dma source(%dma_start3A_20 : memref<632x128xf32, #tpu.memory_space<vmem_shared>>) target(%dma_start3A_18 : memref<632x128xf32, #tpu.memory_space<hbm>>) target_semaphore(%run_scoped3A : memref<!tpu.dma_semaphore, #tpu.memory_space<semaphore_mem>>)
      %dma_wait3A_21 = arith.constant 0 : i32
      %dma_wait3A_22 = tpu.memref_slice %arg5[%arg0, %mul3A_2, %dma_wait3A_21] : memref<2x10112x128xf32, #tpu.memory_space<hbm>> -> memref<1x632x128xf32, #tpu.memory_space<hbm>>
      %dma_wait3A_23 = tpu.memref_squeeze %dma_wait3A_22 : memref<1x632x128xf32, #tpu.memory_space<hbm>> -> memref<632x128xf32, #tpu.memory_space<hbm>>
      %dma_wait3A_24 = arith.constant 0 : i32
      %dma_wait3A_25 = tpu.memref_slice %arg8[%mul3A_2, %dma_wait3A_24] : memref<10112x128xf32, #tpu.memory_space<vmem_shared>> -> memref<632x128xf32, #tpu.memory_space<vmem_shared>>
      tpu.wait_dma2 semaphore(%run_scoped3A : memref<!tpu.dma_semaphore, #tpu.memory_space<semaphore_mem>>) src(%dma_wait3A_25 : memref<632x128xf32, #tpu.memory_space<vmem_shared>>) dst(%dma_wait3A_23 : memref<632x128xf32, #tpu.memory_space<hbm>>)
      tpu.yield
    }) : () -> ()
    return
  }
}

#map = affine_map<(d0, d1) -> (0, 0)>
#map1 = affine_map<(d0, d1) -> (0, 0, 0)>
module attributes {stable_mosaic.version = 14 : i64} {
  func.func @k(%arg0: i32, %arg1: i32, %arg2: memref<10000x128xf32, #tpu.memory_space<hbm>>, %arg3: memref<2560x128xi32, #tpu.memory_space<hbm>>, %arg4: memref<2560x128xi32, #tpu.memory_space<hbm>>, %arg5: memref<10112x128xf32, #tpu.memory_space<hbm>>, %arg6: memref<2x10112x128xf32, #tpu.memory_space<hbm>>, %arg7: memref<40x128xi32, #tpu.memory_space<vmem>>, %arg8: memref<40x128xi32, #tpu.memory_space<vmem>>, %arg9: memref<128x128xf32, #tpu.memory_space<vmem>>, %arg10: memref<128x128xf32, #tpu.memory_space<vmem>>, %arg11: memref<10112x128xf32, #tpu.memory_space<vmem_shared>>, %arg12: memref<!tpu.dma_semaphore, #tpu.memory_space<semaphore_mem>>, %arg13: memref<!tpu.dma_semaphore, #tpu.memory_space<semaphore_mem>>, %arg14: memref<!tpu.dma_semaphore, #tpu.memory_space<semaphore_mem>>, %arg15: memref<!tpu.dma_semaphore, #tpu.memory_space<semaphore_mem>>, %arg16: memref<!tpu.dma_semaphore, #tpu.memory_space<semaphore_mem>>) attributes {dimension_semantics = [#tpu.dimension_semantics<core_parallel>, #tpu.dimension_semantics<subcore_parallel>], iteration_bounds = array<i64: 2, 16>, scalar_prefetch = 0 : i64, scratch_operands = 10 : i64, tpu.core_type = #tpu.core_type<sc_vector_subcore>, window_params = [{transform_indices = #map}, {transform_indices = #map}, {transform_indices = #map}, {transform_indices = #map}, {transform_indices = #map1}]} {
    %mul3A = arith.constant 2 : i32
    %mul3A_0 = arith.muli %arg1, %mul3A : i32
    %add3A = arith.addi %mul3A_0, %arg0 : i32
    %mul3A_1 = arith.constant 632 : i32
    %mul3A_2 = arith.muli %arg1, %mul3A_1 : i32
    %dma_start3A = arith.constant 0 : i32
    %dma_start3A_3 = tpu.memref_slice %arg11[%mul3A_2, %dma_start3A] : memref<10112x128xf32, #tpu.memory_space<vmem_shared>> -> memref<632x128xf32, #tpu.memory_space<vmem_shared>>
    %dma_start3A_4 = arith.constant 0 : i32
    %dma_start3A_5 = tpu.memref_slice %arg5[%mul3A_2, %dma_start3A_4] : memref<10112x128xf32, #tpu.memory_space<hbm>> -> memref<632x128xf32, #tpu.memory_space<hbm>>
    tpu.enqueue_dma source(%dma_start3A_5 : memref<632x128xf32, #tpu.memory_space<hbm>>) target(%dma_start3A_3 : memref<632x128xf32, #tpu.memory_space<vmem_shared>>) target_semaphore(%arg12 : memref<!tpu.dma_semaphore, #tpu.memory_space<semaphore_mem>>)
    %mul3A_6 = arith.constant 80 : i32
    %mul3A_7 = arith.muli %add3A, %mul3A_6 : i32
    %add3A_8 = arith.constant 0 : i32
    %add3A_9 = arith.addi %mul3A_7, %add3A_8 : i32
    "tpu.region"() ({
      %run_scoped3A = tpu.sem_alloc : memref<!tpu.dma_semaphore, #tpu.memory_space<semaphore_mem>>
      %dma_start3A_69 = arith.constant 0 : i32
      %dma_start3A_70 = tpu.memref_slice %arg3[%add3A_9, %dma_start3A_69] : memref<2560x128xi32, #tpu.memory_space<hbm>> -> memref<40x128xi32, #tpu.memory_space<hbm>>
      %dma_start3A_71 = arith.constant 0 : i32
      %dma_start3A_72 = tpu.memref_slice %arg3[%add3A_9, %dma_start3A_71] : memref<2560x128xi32, #tpu.memory_space<hbm>> -> memref<40x128xi32, #tpu.memory_space<hbm>>
      tpu.enqueue_dma source(%dma_start3A_72 : memref<40x128xi32, #tpu.memory_space<hbm>>) target(%arg7 : memref<40x128xi32, #tpu.memory_space<vmem>>) target_semaphore(%run_scoped3A : memref<!tpu.dma_semaphore, #tpu.memory_space<semaphore_mem>>)
      %dma_wait3A_73 = arith.constant 0 : i32
      %dma_wait3A_74 = tpu.memref_slice %arg3[%add3A_9, %dma_wait3A_73] : memref<2560x128xi32, #tpu.memory_space<hbm>> -> memref<40x128xi32, #tpu.memory_space<hbm>>
      %dma_wait3A_75 = arith.constant 0 : i32
      %dma_wait3A_76 = tpu.memref_slice %arg3[%add3A_9, %dma_wait3A_75] : memref<2560x128xi32, #tpu.memory_space<hbm>> -> memref<40x128xi32, #tpu.memory_space<hbm>>
      tpu.wait_dma2 semaphore(%run_scoped3A : memref<!tpu.dma_semaphore, #tpu.memory_space<semaphore_mem>>) src(%dma_wait3A_76 : memref<40x128xi32, #tpu.memory_space<hbm>>) dst(%arg7 : memref<40x128xi32, #tpu.memory_space<vmem>>)
      tpu.yield
    }) : () -> ()
    "tpu.region"() ({
      %run_scoped3A = tpu.sem_alloc : memref<!tpu.dma_semaphore, #tpu.memory_space<semaphore_mem>>
      %dma_start3A_69 = arith.constant 0 : i32
      %dma_start3A_70 = tpu.memref_slice %arg4[%add3A_9, %dma_start3A_69] : memref<2560x128xi32, #tpu.memory_space<hbm>> -> memref<40x128xi32, #tpu.memory_space<hbm>>
      %dma_start3A_71 = arith.constant 0 : i32
      %dma_start3A_72 = tpu.memref_slice %arg4[%add3A_9, %dma_start3A_71] : memref<2560x128xi32, #tpu.memory_space<hbm>> -> memref<40x128xi32, #tpu.memory_space<hbm>>
      tpu.enqueue_dma source(%dma_start3A_72 : memref<40x128xi32, #tpu.memory_space<hbm>>) target(%arg8 : memref<40x128xi32, #tpu.memory_space<vmem>>) target_semaphore(%run_scoped3A : memref<!tpu.dma_semaphore, #tpu.memory_space<semaphore_mem>>)
      %dma_wait3A_73 = arith.constant 0 : i32
      %dma_wait3A_74 = tpu.memref_slice %arg4[%add3A_9, %dma_wait3A_73] : memref<2560x128xi32, #tpu.memory_space<hbm>> -> memref<40x128xi32, #tpu.memory_space<hbm>>
      %dma_wait3A_75 = arith.constant 0 : i32
      %dma_wait3A_76 = tpu.memref_slice %arg4[%add3A_9, %dma_wait3A_75] : memref<2560x128xi32, #tpu.memory_space<hbm>> -> memref<40x128xi32, #tpu.memory_space<hbm>>
      tpu.wait_dma2 semaphore(%run_scoped3A : memref<!tpu.dma_semaphore, #tpu.memory_space<semaphore_mem>>) src(%dma_wait3A_76 : memref<40x128xi32, #tpu.memory_space<hbm>>) dst(%arg8 : memref<40x128xi32, #tpu.memory_space<vmem>>)
      tpu.yield
    }) : () -> ()
    %dma_wait3A = arith.constant 0 : i32
    %dma_wait3A_10 = tpu.memref_slice %arg11[%mul3A_2, %dma_wait3A] : memref<10112x128xf32, #tpu.memory_space<vmem_shared>> -> memref<632x128xf32, #tpu.memory_space<vmem_shared>>
    %dma_wait3A_11 = arith.constant 0 : i32
    %dma_wait3A_12 = tpu.memref_slice %arg5[%mul3A_2, %dma_wait3A_11] : memref<10112x128xf32, #tpu.memory_space<hbm>> -> memref<632x128xf32, #tpu.memory_space<hbm>>
    tpu.wait_dma2 semaphore(%arg12 : memref<!tpu.dma_semaphore, #tpu.memory_space<semaphore_mem>>) src(%dma_wait3A_12 : memref<632x128xf32, #tpu.memory_space<hbm>>) dst(%dma_wait3A_10 : memref<632x128xf32, #tpu.memory_space<vmem_shared>>)
    %barrier3A = arith.constant 0 : index
    tpu.barrier barrier_id(%barrier3A)
    %dma_start3A_13 = arith.constant 0 : i32
    %dma_start3A_14 = arith.constant 0 : i32
    %dma_start3A_15 = tpu.memref_slice %arg7[%dma_start3A_13, %dma_start3A_14] : memref<40x128xi32, #tpu.memory_space<vmem>> -> memref<1x128xi32, #tpu.memory_space<vmem>>
    %dma_start3A_16 = tpu.memref_squeeze %dma_start3A_15 : memref<1x128xi32, #tpu.memory_space<vmem>> -> memref<128xi32, #tpu.memory_space<vmem>>
    %dma_start3A_17 = arith.constant 0 : i32
    %dma_start3A_18 = arith.constant 0 : i32
    %dma_start3A_19 = tpu.memref_slice %arg2[%dma_start3A_17, %dma_start3A_18] : memref<10000x128xf32, #tpu.memory_space<hbm>> -> memref<10000x128xf32, #tpu.memory_space<hbm>>
    tpu.enqueue_indirect_dma source(%dma_start3A_19 : memref<10000x128xf32, #tpu.memory_space<hbm>>) target(%arg9 : memref<128x128xf32, #tpu.memory_space<vmem>>) offsets(%dma_start3A_16 : memref<128xi32, #tpu.memory_space<vmem>>) semaphore(%arg13 : memref<!tpu.dma_semaphore, #tpu.memory_space<semaphore_mem>>)
    %scan3A = arith.constant 0 : i32
    %scan3A_20 = arith.constant 20 : i32
    %scan3A_21 = arith.addi %scan3A, %scan3A_20 : i32
    %scan3A_22 = arith.constant 1 : i32
    scf.for %scan3A_69 = %scan3A to %scan3A_21 step %scan3A_22  : i32 {
      %mul3A_70 = arith.constant 2 : i32
      %mul3A_71 = arith.muli %scan3A_69, %mul3A_70 : i32
      %add3A_72 = arith.constant 0 : i32
      %add3A_73 = arith.addi %add3A_72, %mul3A_71 : i32
      %dma_wait3A_74 = arith.constant 0 : i32
      %dma_wait3A_75 = tpu.memref_slice %arg7[%add3A_73, %dma_wait3A_74] : memref<40x128xi32, #tpu.memory_space<vmem>> -> memref<1x128xi32, #tpu.memory_space<vmem>>
      %dma_wait3A_76 = tpu.memref_squeeze %dma_wait3A_75 : memref<1x128xi32, #tpu.memory_space<vmem>> -> memref<128xi32, #tpu.memory_space<vmem>>
      %dma_wait3A_77 = arith.constant 0 : i32
      %dma_wait3A_78 = arith.constant 0 : i32
      %dma_wait3A_79 = tpu.memref_slice %arg2[%dma_wait3A_77, %dma_wait3A_78] : memref<10000x128xf32, #tpu.memory_space<hbm>> -> memref<10000x128xf32, #tpu.memory_space<hbm>>
      tpu.wait_indirect_dma semaphore(%arg13 : memref<!tpu.dma_semaphore, #tpu.memory_space<semaphore_mem>>) src(%dma_wait3A_79 : memref<10000x128xf32, #tpu.memory_space<hbm>>) dst(%arg9 : memref<128x128xf32, #tpu.memory_space<vmem>>)
      %gt3A = arith.constant 0 : i32
      %gt3A_80 = arith.cmpi sgt, %add3A_73, %gt3A : i32
      %convert_element_type3A = arith.extui %gt3A_80 : i1 to i32
      %cond3A = arith.constant 0 : i32
      %cond3A_81 = arith.cmpi ne, %convert_element_type3A, %cond3A : i32
      scf.if %cond3A_81 {
        %dma_wait3A_116 = arith.constant 0 : i32
        %dma_wait3A_117 = tpu.memref_slice %arg8[%add3A_73, %dma_wait3A_116] : memref<40x128xi32, #tpu.memory_space<vmem>> -> memref<1x128xi32, #tpu.memory_space<vmem>>
        %dma_wait3A_118 = tpu.memref_squeeze %dma_wait3A_117 : memref<1x128xi32, #tpu.memory_space<vmem>> -> memref<128xi32, #tpu.memory_space<vmem>>
        %dma_wait3A_119 = arith.constant 0 : i32
        %dma_wait3A_120 = arith.constant 0 : i32
        %dma_wait3A_121 = tpu.memref_slice %arg11[%dma_wait3A_119, %dma_wait3A_120] : memref<10112x128xf32, #tpu.memory_space<vmem_shared>> -> memref<10112x128xf32, #tpu.memory_space<vmem_shared>>
        tpu.wait_indirect_dma semaphore(%arg16 : memref<!tpu.dma_semaphore, #tpu.memory_space<semaphore_mem>>) src(%arg10 : memref<128x128xf32, #tpu.memory_space<vmem>>) dst(%dma_wait3A_121 : memref<10112x128xf32, #tpu.memory_space<vmem_shared>>)
      } else {
      }
      %add3A_82 = arith.constant 1 : i32
      %add3A_83 = arith.addi %add3A_73, %add3A_82 : i32
      %dma_start3A_84 = arith.constant 0 : i32
      %dma_start3A_85 = tpu.memref_slice %arg7[%add3A_83, %dma_start3A_84] : memref<40x128xi32, #tpu.memory_space<vmem>> -> memref<1x128xi32, #tpu.memory_space<vmem>>
      %dma_start3A_86 = tpu.memref_squeeze %dma_start3A_85 : memref<1x128xi32, #tpu.memory_space<vmem>> -> memref<128xi32, #tpu.memory_space<vmem>>
      %dma_start3A_87 = arith.constant 0 : i32
      %dma_start3A_88 = arith.constant 0 : i32
      %dma_start3A_89 = tpu.memref_slice %arg2[%dma_start3A_87, %dma_start3A_88] : memref<10000x128xf32, #tpu.memory_space<hbm>> -> memref<10000x128xf32, #tpu.memory_space<hbm>>
      tpu.enqueue_indirect_dma source(%dma_start3A_89 : memref<10000x128xf32, #tpu.memory_space<hbm>>) target(%arg10 : memref<128x128xf32, #tpu.memory_space<vmem>>) offsets(%dma_start3A_86 : memref<128xi32, #tpu.memory_space<vmem>>) semaphore(%arg14 : memref<!tpu.dma_semaphore, #tpu.memory_space<semaphore_mem>>)
      %dma_start3A_90 = arith.constant 0 : i32
      %dma_start3A_91 = tpu.memref_slice %arg8[%add3A_73, %dma_start3A_90] : memref<40x128xi32, #tpu.memory_space<vmem>> -> memref<1x128xi32, #tpu.memory_space<vmem>>
      %dma_start3A_92 = tpu.memref_squeeze %dma_start3A_91 : memref<1x128xi32, #tpu.memory_space<vmem>> -> memref<128xi32, #tpu.memory_space<vmem>>
      %dma_start3A_93 = arith.constant 0 : i32
      %dma_start3A_94 = arith.constant 0 : i32
      %dma_start3A_95 = tpu.memref_slice %arg11[%dma_start3A_93, %dma_start3A_94] : memref<10112x128xf32, #tpu.memory_space<vmem_shared>> -> memref<10112x128xf32, #tpu.memory_space<vmem_shared>>
      tpu.enqueue_indirect_dma source(%arg9 : memref<128x128xf32, #tpu.memory_space<vmem>>) target(%dma_start3A_95 : memref<10112x128xf32, #tpu.memory_space<vmem_shared>>) offsets(%dma_start3A_92 : memref<128xi32, #tpu.memory_space<vmem>>) semaphore(%arg15 : memref<!tpu.dma_semaphore, #tpu.memory_space<semaphore_mem>>) {add = true}
      %dma_wait3A_96 = arith.constant 0 : i32
      %dma_wait3A_97 = tpu.memref_slice %arg7[%add3A_83, %dma_wait3A_96] : memref<40x128xi32, #tpu.memory_space<vmem>> -> memref<1x128xi32, #tpu.memory_space<vmem>>
      %dma_wait3A_98 = tpu.memref_squeeze %dma_wait3A_97 : memref<1x128xi32, #tpu.memory_space<vmem>> -> memref<128xi32, #tpu.memory_space<vmem>>
      %dma_wait3A_99 = arith.constant 0 : i32
      %dma_wait3A_100 = arith.constant 0 : i32
      %dma_wait3A_101 = tpu.memref_slice %arg2[%dma_wait3A_99, %dma_wait3A_100] : memref<10000x128xf32, #tpu.memory_space<hbm>> -> memref<10000x128xf32, #tpu.memory_space<hbm>>
      tpu.wait_indirect_dma semaphore(%arg14 : memref<!tpu.dma_semaphore, #tpu.memory_space<semaphore_mem>>) src(%dma_wait3A_101 : memref<10000x128xf32, #tpu.memory_space<hbm>>) dst(%arg10 : memref<128x128xf32, #tpu.memory_space<vmem>>)
      %add3A_102 = arith.constant 1 : i32
      %add3A_103 = arith.addi %add3A_73, %add3A_102 : i32
      %dma_start3A_104 = arith.constant 0 : i32
      %dma_start3A_105 = tpu.memref_slice %arg8[%add3A_103, %dma_start3A_104] : memref<40x128xi32, #tpu.memory_space<vmem>> -> memref<1x128xi32, #tpu.memory_space<vmem>>
      %dma_start3A_106 = tpu.memref_squeeze %dma_start3A_105 : memref<1x128xi32, #tpu.memory_space<vmem>> -> memref<128xi32, #tpu.memory_space<vmem>>
      %dma_start3A_107 = arith.constant 0 : i32
      %dma_start3A_108 = arith.constant 0 : i32
      %dma_start3A_109 = tpu.memref_slice %arg11[%dma_start3A_107, %dma_start3A_108] : memref<10112x128xf32, #tpu.memory_space<vmem_shared>> -> memref<10112x128xf32, #tpu.memory_space<vmem_shared>>
      tpu.enqueue_indirect_dma source(%arg10 : memref<128x128xf32, #tpu.memory_space<vmem>>) target(%dma_start3A_109 : memref<10112x128xf32, #tpu.memory_space<vmem_shared>>) offsets(%dma_start3A_106 : memref<128xi32, #tpu.memory_space<vmem>>) semaphore(%arg16 : memref<!tpu.dma_semaphore, #tpu.memory_space<semaphore_mem>>) {add = true}
      %add3A_110 = arith.constant 2 : i32
      %add3A_111 = arith.addi %add3A_73, %add3A_110 : i32
      %lt3A = arith.constant 40 : i32
      %lt3A_112 = arith.cmpi slt, %add3A_111, %lt3A : i32
      %convert_element_type3A_113 = arith.extui %lt3A_112 : i1 to i32
      %cond3A_114 = arith.constant 0 : i32
      %cond3A_115 = arith.cmpi ne, %convert_element_type3A_113, %cond3A_114 : i32
      scf.if %cond3A_115 {
        %dma_wait3A_116 = arith.constant 0 : i32
        %dma_wait3A_117 = tpu.memref_slice %arg8[%add3A_73, %dma_wait3A_116] : memref<40x128xi32, #tpu.memory_space<vmem>> -> memref<1x128xi32, #tpu.memory_space<vmem>>
        %dma_wait3A_118 = tpu.memref_squeeze %dma_wait3A_117 : memref<1x128xi32, #tpu.memory_space<vmem>> -> memref<128xi32, #tpu.memory_space<vmem>>
        %dma_wait3A_119 = arith.constant 0 : i32
        %dma_wait3A_120 = arith.constant 0 : i32
        %dma_wait3A_121 = tpu.memref_slice %arg11[%dma_wait3A_119, %dma_wait3A_120] : memref<10112x128xf32, #tpu.memory_space<vmem_shared>> -> memref<10112x128xf32, #tpu.memory_space<vmem_shared>>
        tpu.wait_indirect_dma semaphore(%arg15 : memref<!tpu.dma_semaphore, #tpu.memory_space<semaphore_mem>>) src(%arg9 : memref<128x128xf32, #tpu.memory_space<vmem>>) dst(%dma_wait3A_121 : memref<10112x128xf32, #tpu.memory_space<vmem_shared>>)
        %add3A_122 = arith.constant 2 : i32
        %add3A_123 = arith.addi %add3A_73, %add3A_122 : i32
        %dma_start3A_124 = arith.constant 0 : i32
        %dma_start3A_125 = tpu.memref_slice %arg7[%add3A_123, %dma_start3A_124] : memref<40x128xi32, #tpu.memory_space<vmem>> -> memref<1x128xi32, #tpu.memory_space<vmem>>
        %dma_start3A_126 = tpu.memref_squeeze %dma_start3A_125 : memref<1x128xi32, #tpu.memory_space<vmem>> -> memref<128xi32, #tpu.memory_space<vmem>>
        %dma_start3A_127 = arith.constant 0 : i32
        %dma_start3A_128 = arith.constant 0 : i32
        %dma_start3A_129 = tpu.memref_slice %arg2[%dma_start3A_127, %dma_start3A_128] : memref<10000x128xf32, #tpu.memory_space<hbm>> -> memref<10000x128xf32, #tpu.memory_space<hbm>>
        tpu.enqueue_indirect_dma source(%dma_start3A_129 : memref<10000x128xf32, #tpu.memory_space<hbm>>) target(%arg9 : memref<128x128xf32, #tpu.memory_space<vmem>>) offsets(%dma_start3A_126 : memref<128xi32, #tpu.memory_space<vmem>>) semaphore(%arg13 : memref<!tpu.dma_semaphore, #tpu.memory_space<semaphore_mem>>)
      } else {
      }
    }
    %scan3A_23 = arith.constant 20 : i32
    %dma_wait3A_24 = arith.constant 0 : i32
    %dma_wait3A_25 = arith.constant 0 : i32
    %dma_wait3A_26 = tpu.memref_slice %arg8[%dma_wait3A_24, %dma_wait3A_25] : memref<40x128xi32, #tpu.memory_space<vmem>> -> memref<1x128xi32, #tpu.memory_space<vmem>>
    %dma_wait3A_27 = tpu.memref_squeeze %dma_wait3A_26 : memref<1x128xi32, #tpu.memory_space<vmem>> -> memref<128xi32, #tpu.memory_space<vmem>>
    %dma_wait3A_28 = arith.constant 0 : i32
    %dma_wait3A_29 = arith.constant 0 : i32
    %dma_wait3A_30 = tpu.memref_slice %arg11[%dma_wait3A_28, %dma_wait3A_29] : memref<10112x128xf32, #tpu.memory_space<vmem_shared>> -> memref<10112x128xf32, #tpu.memory_space<vmem_shared>>
    tpu.wait_indirect_dma semaphore(%arg15 : memref<!tpu.dma_semaphore, #tpu.memory_space<semaphore_mem>>) src(%arg9 : memref<128x128xf32, #tpu.memory_space<vmem>>) dst(%dma_wait3A_30 : memref<10112x128xf32, #tpu.memory_space<vmem_shared>>)
    %dma_wait3A_31 = arith.constant 0 : i32
    %dma_wait3A_32 = arith.constant 0 : i32
    %dma_wait3A_33 = tpu.memref_slice %arg8[%dma_wait3A_31, %dma_wait3A_32] : memref<40x128xi32, #tpu.memory_space<vmem>> -> memref<1x128xi32, #tpu.memory_space<vmem>>
    %dma_wait3A_34 = tpu.memref_squeeze %dma_wait3A_33 : memref<1x128xi32, #tpu.memory_space<vmem>> -> memref<128xi32, #tpu.memory_space<vmem>>
    %dma_wait3A_35 = arith.constant 0 : i32
    %dma_wait3A_36 = arith.constant 0 : i32
    %dma_wait3A_37 = tpu.memref_slice %arg11[%dma_wait3A_35, %dma_wait3A_36] : memref<10112x128xf32, #tpu.memory_space<vmem_shared>> -> memref<10112x128xf32, #tpu.memory_space<vmem_shared>>
    tpu.wait_indirect_dma semaphore(%arg16 : memref<!tpu.dma_semaphore, #tpu.memory_space<semaphore_mem>>) src(%arg10 : memref<128x128xf32, #tpu.memory_space<vmem>>) dst(%dma_wait3A_37 : memref<10112x128xf32, #tpu.memory_space<vmem_shared>>)
    %mul3A_38 = arith.constant 80 : i32
    %mul3A_39 = arith.muli %add3A, %mul3A_38 : i32
    %add3A_40 = arith.constant 40 : i32
    %add3A_41 = arith.addi %mul3A_39, %add3A_40 : i32
    "tpu.region"() ({
      %run_scoped3A = tpu.sem_alloc : memref<!tpu.dma_semaphore, #tpu.memory_space<semaphore_mem>>
      %dma_start3A_69 = arith.constant 0 : i32
      %dma_start3A_70 = tpu.memref_slice %arg3[%add3A_41, %dma_start3A_69] : memref<2560x128xi32, #tpu.memory_space<hbm>> -> memref<40x128xi32, #tpu.memory_space<hbm>>
      %dma_start3A_71 = arith.constant 0 : i32
      %dma_start3A_72 = tpu.memref_slice %arg3[%add3A_41, %dma_start3A_71] : memref<2560x128xi32, #tpu.memory_space<hbm>> -> memref<40x128xi32, #tpu.memory_space<hbm>>
      tpu.enqueue_dma source(%dma_start3A_72 : memref<40x128xi32, #tpu.memory_space<hbm>>) target(%arg7 : memref<40x128xi32, #tpu.memory_space<vmem>>) target_semaphore(%run_scoped3A : memref<!tpu.dma_semaphore, #tpu.memory_space<semaphore_mem>>)
      %dma_wait3A_73 = arith.constant 0 : i32
      %dma_wait3A_74 = tpu.memref_slice %arg3[%add3A_41, %dma_wait3A_73] : memref<2560x128xi32, #tpu.memory_space<hbm>> -> memref<40x128xi32, #tpu.memory_space<hbm>>
      %dma_wait3A_75 = arith.constant 0 : i32
      %dma_wait3A_76 = tpu.memref_slice %arg3[%add3A_41, %dma_wait3A_75] : memref<2560x128xi32, #tpu.memory_space<hbm>> -> memref<40x128xi32, #tpu.memory_space<hbm>>
      tpu.wait_dma2 semaphore(%run_scoped3A : memref<!tpu.dma_semaphore, #tpu.memory_space<semaphore_mem>>) src(%dma_wait3A_76 : memref<40x128xi32, #tpu.memory_space<hbm>>) dst(%arg7 : memref<40x128xi32, #tpu.memory_space<vmem>>)
      tpu.yield
    }) : () -> ()
    "tpu.region"() ({
      %run_scoped3A = tpu.sem_alloc : memref<!tpu.dma_semaphore, #tpu.memory_space<semaphore_mem>>
      %dma_start3A_69 = arith.constant 0 : i32
      %dma_start3A_70 = tpu.memref_slice %arg4[%add3A_41, %dma_start3A_69] : memref<2560x128xi32, #tpu.memory_space<hbm>> -> memref<40x128xi32, #tpu.memory_space<hbm>>
      %dma_start3A_71 = arith.constant 0 : i32
      %dma_start3A_72 = tpu.memref_slice %arg4[%add3A_41, %dma_start3A_71] : memref<2560x128xi32, #tpu.memory_space<hbm>> -> memref<40x128xi32, #tpu.memory_space<hbm>>
      tpu.enqueue_dma source(%dma_start3A_72 : memref<40x128xi32, #tpu.memory_space<hbm>>) target(%arg8 : memref<40x128xi32, #tpu.memory_space<vmem>>) target_semaphore(%run_scoped3A : memref<!tpu.dma_semaphore, #tpu.memory_space<semaphore_mem>>)
      %dma_wait3A_73 = arith.constant 0 : i32
      %dma_wait3A_74 = tpu.memref_slice %arg4[%add3A_41, %dma_wait3A_73] : memref<2560x128xi32, #tpu.memory_space<hbm>> -> memref<40x128xi32, #tpu.memory_space<hbm>>
      %dma_wait3A_75 = arith.constant 0 : i32
      %dma_wait3A_76 = tpu.memref_slice %arg4[%add3A_41, %dma_wait3A_75] : memref<2560x128xi32, #tpu.memory_space<hbm>> -> memref<40x128xi32, #tpu.memory_space<hbm>>
      tpu.wait_dma2 semaphore(%run_scoped3A : memref<!tpu.dma_semaphore, #tpu.memory_space<semaphore_mem>>) src(%dma_wait3A_76 : memref<40x128xi32, #tpu.memory_space<hbm>>) dst(%arg8 : memref<40x128xi32, #tpu.memory_space<vmem>>)
      tpu.yield
    }) : () -> ()
    %dma_start3A_42 = arith.constant 0 : i32
    %dma_start3A_43 = arith.constant 0 : i32
    %dma_start3A_44 = tpu.memref_slice %arg7[%dma_start3A_42, %dma_start3A_43] : memref<40x128xi32, #tpu.memory_space<vmem>> -> memref<1x128xi32, #tpu.memory_space<vmem>>
    %dma_start3A_45 = tpu.memref_squeeze %dma_start3A_44 : memref<1x128xi32, #tpu.memory_space<vmem>> -> memref<128xi32, #tpu.memory_space<vmem>>
    %dma_start3A_46 = arith.constant 0 : i32
    %dma_start3A_47 = arith.constant 0 : i32
    %dma_start3A_48 = tpu.memref_slice %arg2[%dma_start3A_46, %dma_start3A_47] : memref<10000x128xf32, #tpu.memory_space<hbm>> -> memref<10000x128xf32, #tpu.memory_space<hbm>>
    tpu.enqueue_indirect_dma source(%dma_start3A_48 : memref<10000x128xf32, #tpu.memory_space<hbm>>) target(%arg9 : memref<128x128xf32, #tpu.memory_space<vmem>>) offsets(%dma_start3A_45 : memref<128xi32, #tpu.memory_space<vmem>>) semaphore(%arg13 : memref<!tpu.dma_semaphore, #tpu.memory_space<semaphore_mem>>)
    %scan3A_49 = arith.constant 0 : i32
    %scan3A_50 = arith.constant 20 : i32
    %scan3A_51 = arith.addi %scan3A_49, %scan3A_50 : i32
    %scan3A_52 = arith.constant 1 : i32
    scf.for %scan3A_69 = %scan3A_49 to %scan3A_51 step %scan3A_52  : i32 {
      %mul3A_70 = arith.constant 2 : i32
      %mul3A_71 = arith.muli %scan3A_69, %mul3A_70 : i32
      %add3A_72 = arith.constant 0 : i32
      %add3A_73 = arith.addi %add3A_72, %mul3A_71 : i32
      %dma_wait3A_74 = arith.constant 0 : i32
      %dma_wait3A_75 = tpu.memref_slice %arg7[%add3A_73, %dma_wait3A_74] : memref<40x128xi32, #tpu.memory_space<vmem>> -> memref<1x128xi32, #tpu.memory_space<vmem>>
      %dma_wait3A_76 = tpu.memref_squeeze %dma_wait3A_75 : memref<1x128xi32, #tpu.memory_space<vmem>> -> memref<128xi32, #tpu.memory_space<vmem>>
      %dma_wait3A_77 = arith.constant 0 : i32
      %dma_wait3A_78 = arith.constant 0 : i32
      %dma_wait3A_79 = tpu.memref_slice %arg2[%dma_wait3A_77, %dma_wait3A_78] : memref<10000x128xf32, #tpu.memory_space<hbm>> -> memref<10000x128xf32, #tpu.memory_space<hbm>>
      tpu.wait_indirect_dma semaphore(%arg13 : memref<!tpu.dma_semaphore, #tpu.memory_space<semaphore_mem>>) src(%dma_wait3A_79 : memref<10000x128xf32, #tpu.memory_space<hbm>>) dst(%arg9 : memref<128x128xf32, #tpu.memory_space<vmem>>)
      %gt3A = arith.constant 0 : i32
      %gt3A_80 = arith.cmpi sgt, %add3A_73, %gt3A : i32
      %convert_element_type3A = arith.extui %gt3A_80 : i1 to i32
      %cond3A = arith.constant 0 : i32
      %cond3A_81 = arith.cmpi ne, %convert_element_type3A, %cond3A : i32
      scf.if %cond3A_81 {
        %dma_wait3A_116 = arith.constant 0 : i32
        %dma_wait3A_117 = tpu.memref_slice %arg8[%add3A_73, %dma_wait3A_116] : memref<40x128xi32, #tpu.memory_space<vmem>> -> memref<1x128xi32, #tpu.memory_space<vmem>>
        %dma_wait3A_118 = tpu.memref_squeeze %dma_wait3A_117 : memref<1x128xi32, #tpu.memory_space<vmem>> -> memref<128xi32, #tpu.memory_space<vmem>>
        %dma_wait3A_119 = arith.constant 0 : i32
        %dma_wait3A_120 = arith.constant 0 : i32
        %dma_wait3A_121 = tpu.memref_slice %arg11[%dma_wait3A_119, %dma_wait3A_120] : memref<10112x128xf32, #tpu.memory_space<vmem_shared>> -> memref<10112x128xf32, #tpu.memory_space<vmem_shared>>
        tpu.wait_indirect_dma semaphore(%arg16 : memref<!tpu.dma_semaphore, #tpu.memory_space<semaphore_mem>>) src(%arg10 : memref<128x128xf32, #tpu.memory_space<vmem>>) dst(%dma_wait3A_121 : memref<10112x128xf32, #tpu.memory_space<vmem_shared>>)
      } else {
      }
      %add3A_82 = arith.constant 1 : i32
      %add3A_83 = arith.addi %add3A_73, %add3A_82 : i32
      %dma_start3A_84 = arith.constant 0 : i32
      %dma_start3A_85 = tpu.memref_slice %arg7[%add3A_83, %dma_start3A_84] : memref<40x128xi32, #tpu.memory_space<vmem>> -> memref<1x128xi32, #tpu.memory_space<vmem>>
      %dma_start3A_86 = tpu.memref_squeeze %dma_start3A_85 : memref<1x128xi32, #tpu.memory_space<vmem>> -> memref<128xi32, #tpu.memory_space<vmem>>
      %dma_start3A_87 = arith.constant 0 : i32
      %dma_start3A_88 = arith.constant 0 : i32
      %dma_start3A_89 = tpu.memref_slice %arg2[%dma_start3A_87, %dma_start3A_88] : memref<10000x128xf32, #tpu.memory_space<hbm>> -> memref<10000x128xf32, #tpu.memory_space<hbm>>
      tpu.enqueue_indirect_dma source(%dma_start3A_89 : memref<10000x128xf32, #tpu.memory_space<hbm>>) target(%arg10 : memref<128x128xf32, #tpu.memory_space<vmem>>) offsets(%dma_start3A_86 : memref<128xi32, #tpu.memory_space<vmem>>) semaphore(%arg14 : memref<!tpu.dma_semaphore, #tpu.memory_space<semaphore_mem>>)
      %dma_start3A_90 = arith.constant 0 : i32
      %dma_start3A_91 = tpu.memref_slice %arg8[%add3A_73, %dma_start3A_90] : memref<40x128xi32, #tpu.memory_space<vmem>> -> memref<1x128xi32, #tpu.memory_space<vmem>>
      %dma_start3A_92 = tpu.memref_squeeze %dma_start3A_91 : memref<1x128xi32, #tpu.memory_space<vmem>> -> memref<128xi32, #tpu.memory_space<vmem>>
      %dma_start3A_93 = arith.constant 0 : i32
      %dma_start3A_94 = arith.constant 0 : i32
      %dma_start3A_95 = tpu.memref_slice %arg11[%dma_start3A_93, %dma_start3A_94] : memref<10112x128xf32, #tpu.memory_space<vmem_shared>> -> memref<10112x128xf32, #tpu.memory_space<vmem_shared>>
      tpu.enqueue_indirect_dma source(%arg9 : memref<128x128xf32, #tpu.memory_space<vmem>>) target(%dma_start3A_95 : memref<10112x128xf32, #tpu.memory_space<vmem_shared>>) offsets(%dma_start3A_92 : memref<128xi32, #tpu.memory_space<vmem>>) semaphore(%arg15 : memref<!tpu.dma_semaphore, #tpu.memory_space<semaphore_mem>>) {add = true}
      %dma_wait3A_96 = arith.constant 0 : i32
      %dma_wait3A_97 = tpu.memref_slice %arg7[%add3A_83, %dma_wait3A_96] : memref<40x128xi32, #tpu.memory_space<vmem>> -> memref<1x128xi32, #tpu.memory_space<vmem>>
      %dma_wait3A_98 = tpu.memref_squeeze %dma_wait3A_97 : memref<1x128xi32, #tpu.memory_space<vmem>> -> memref<128xi32, #tpu.memory_space<vmem>>
      %dma_wait3A_99 = arith.constant 0 : i32
      %dma_wait3A_100 = arith.constant 0 : i32
      %dma_wait3A_101 = tpu.memref_slice %arg2[%dma_wait3A_99, %dma_wait3A_100] : memref<10000x128xf32, #tpu.memory_space<hbm>> -> memref<10000x128xf32, #tpu.memory_space<hbm>>
      tpu.wait_indirect_dma semaphore(%arg14 : memref<!tpu.dma_semaphore, #tpu.memory_space<semaphore_mem>>) src(%dma_wait3A_101 : memref<10000x128xf32, #tpu.memory_space<hbm>>) dst(%arg10 : memref<128x128xf32, #tpu.memory_space<vmem>>)
      %add3A_102 = arith.constant 1 : i32
      %add3A_103 = arith.addi %add3A_73, %add3A_102 : i32
      %dma_start3A_104 = arith.constant 0 : i32
      %dma_start3A_105 = tpu.memref_slice %arg8[%add3A_103, %dma_start3A_104] : memref<40x128xi32, #tpu.memory_space<vmem>> -> memref<1x128xi32, #tpu.memory_space<vmem>>
      %dma_start3A_106 = tpu.memref_squeeze %dma_start3A_105 : memref<1x128xi32, #tpu.memory_space<vmem>> -> memref<128xi32, #tpu.memory_space<vmem>>
      %dma_start3A_107 = arith.constant 0 : i32
      %dma_start3A_108 = arith.constant 0 : i32
      %dma_start3A_109 = tpu.memref_slice %arg11[%dma_start3A_107, %dma_start3A_108] : memref<10112x128xf32, #tpu.memory_space<vmem_shared>> -> memref<10112x128xf32, #tpu.memory_space<vmem_shared>>
      tpu.enqueue_indirect_dma source(%arg10 : memref<128x128xf32, #tpu.memory_space<vmem>>) target(%dma_start3A_109 : memref<10112x128xf32, #tpu.memory_space<vmem_shared>>) offsets(%dma_start3A_106 : memref<128xi32, #tpu.memory_space<vmem>>) semaphore(%arg16 : memref<!tpu.dma_semaphore, #tpu.memory_space<semaphore_mem>>) {add = true}
      %add3A_110 = arith.constant 2 : i32
      %add3A_111 = arith.addi %add3A_73, %add3A_110 : i32
      %lt3A = arith.constant 40 : i32
      %lt3A_112 = arith.cmpi slt, %add3A_111, %lt3A : i32
      %convert_element_type3A_113 = arith.extui %lt3A_112 : i1 to i32
      %cond3A_114 = arith.constant 0 : i32
      %cond3A_115 = arith.cmpi ne, %convert_element_type3A_113, %cond3A_114 : i32
      scf.if %cond3A_115 {
        %dma_wait3A_116 = arith.constant 0 : i32
        %dma_wait3A_117 = tpu.memref_slice %arg8[%add3A_73, %dma_wait3A_116] : memref<40x128xi32, #tpu.memory_space<vmem>> -> memref<1x128xi32, #tpu.memory_space<vmem>>
        %dma_wait3A_118 = tpu.memref_squeeze %dma_wait3A_117 : memref<1x128xi32, #tpu.memory_space<vmem>> -> memref<128xi32, #tpu.memory_space<vmem>>
        %dma_wait3A_119 = arith.constant 0 : i32
        %dma_wait3A_120 = arith.constant 0 : i32
        %dma_wait3A_121 = tpu.memref_slice %arg11[%dma_wait3A_119, %dma_wait3A_120] : memref<10112x128xf32, #tpu.memory_space<vmem_shared>> -> memref<10112x128xf32, #tpu.memory_space<vmem_shared>>
        tpu.wait_indirect_dma semaphore(%arg15 : memref<!tpu.dma_semaphore, #tpu.memory_space<semaphore_mem>>) src(%arg9 : memref<128x128xf32, #tpu.memory_space<vmem>>) dst(%dma_wait3A_121 : memref<10112x128xf32, #tpu.memory_space<vmem_shared>>)
        %add3A_122 = arith.constant 2 : i32
        %add3A_123 = arith.addi %add3A_73, %add3A_122 : i32
        %dma_start3A_124 = arith.constant 0 : i32
        %dma_start3A_125 = tpu.memref_slice %arg7[%add3A_123, %dma_start3A_124] : memref<40x128xi32, #tpu.memory_space<vmem>> -> memref<1x128xi32, #tpu.memory_space<vmem>>
        %dma_start3A_126 = tpu.memref_squeeze %dma_start3A_125 : memref<1x128xi32, #tpu.memory_space<vmem>> -> memref<128xi32, #tpu.memory_space<vmem>>
        %dma_start3A_127 = arith.constant 0 : i32
        %dma_start3A_128 = arith.constant 0 : i32
        %dma_start3A_129 = tpu.memref_slice %arg2[%dma_start3A_127, %dma_start3A_128] : memref<10000x128xf32, #tpu.memory_space<hbm>> -> memref<10000x128xf32, #tpu.memory_space<hbm>>
        tpu.enqueue_indirect_dma source(%dma_start3A_129 : memref<10000x128xf32, #tpu.memory_space<hbm>>) target(%arg9 : memref<128x128xf32, #tpu.memory_space<vmem>>) offsets(%dma_start3A_126 : memref<128xi32, #tpu.memory_space<vmem>>) semaphore(%arg13 : memref<!tpu.dma_semaphore, #tpu.memory_space<semaphore_mem>>)
      } else {
      }
    }
    %scan3A_53 = arith.constant 20 : i32
    %dma_wait3A_54 = arith.constant 0 : i32
    %dma_wait3A_55 = arith.constant 0 : i32
    %dma_wait3A_56 = tpu.memref_slice %arg8[%dma_wait3A_54, %dma_wait3A_55] : memref<40x128xi32, #tpu.memory_space<vmem>> -> memref<1x128xi32, #tpu.memory_space<vmem>>
    %dma_wait3A_57 = tpu.memref_squeeze %dma_wait3A_56 : memref<1x128xi32, #tpu.memory_space<vmem>> -> memref<128xi32, #tpu.memory_space<vmem>>
    %dma_wait3A_58 = arith.constant 0 : i32
    %dma_wait3A_59 = arith.constant 0 : i32
    %dma_wait3A_60 = tpu.memref_slice %arg11[%dma_wait3A_58, %dma_wait3A_59] : memref<10112x128xf32, #tpu.memory_space<vmem_shared>> -> memref<10112x128xf32, #tpu.memory_space<vmem_shared>>
    tpu.wait_indirect_dma semaphore(%arg15 : memref<!tpu.dma_semaphore, #tpu.memory_space<semaphore_mem>>) src(%arg9 : memref<128x128xf32, #tpu.memory_space<vmem>>) dst(%dma_wait3A_60 : memref<10112x128xf32, #tpu.memory_space<vmem_shared>>)
    %dma_wait3A_61 = arith.constant 0 : i32
    %dma_wait3A_62 = arith.constant 0 : i32
    %dma_wait3A_63 = tpu.memref_slice %arg8[%dma_wait3A_61, %dma_wait3A_62] : memref<40x128xi32, #tpu.memory_space<vmem>> -> memref<1x128xi32, #tpu.memory_space<vmem>>
    %dma_wait3A_64 = tpu.memref_squeeze %dma_wait3A_63 : memref<1x128xi32, #tpu.memory_space<vmem>> -> memref<128xi32, #tpu.memory_space<vmem>>
    %dma_wait3A_65 = arith.constant 0 : i32
    %dma_wait3A_66 = arith.constant 0 : i32
    %dma_wait3A_67 = tpu.memref_slice %arg11[%dma_wait3A_65, %dma_wait3A_66] : memref<10112x128xf32, #tpu.memory_space<vmem_shared>> -> memref<10112x128xf32, #tpu.memory_space<vmem_shared>>
    tpu.wait_indirect_dma semaphore(%arg16 : memref<!tpu.dma_semaphore, #tpu.memory_space<semaphore_mem>>) src(%arg10 : memref<128x128xf32, #tpu.memory_space<vmem>>) dst(%dma_wait3A_67 : memref<10112x128xf32, #tpu.memory_space<vmem_shared>>)
    %barrier3A_68 = arith.constant 0 : index
    tpu.barrier barrier_id(%barrier3A_68)
    "tpu.region"() ({
      %run_scoped3A = tpu.sem_alloc : memref<!tpu.dma_semaphore, #tpu.memory_space<semaphore_mem>>
      %dma_start3A_69 = arith.constant 0 : i32
      %dma_start3A_70 = tpu.memref_slice %arg6[%arg0, %mul3A_2, %dma_start3A_69] : memref<2x10112x128xf32, #tpu.memory_space<hbm>> -> memref<1x632x128xf32, #tpu.memory_space<hbm>>
      %dma_start3A_71 = tpu.memref_squeeze %dma_start3A_70 : memref<1x632x128xf32, #tpu.memory_space<hbm>> -> memref<632x128xf32, #tpu.memory_space<hbm>>
      %dma_start3A_72 = arith.constant 0 : i32
      %dma_start3A_73 = tpu.memref_slice %arg11[%mul3A_2, %dma_start3A_72] : memref<10112x128xf32, #tpu.memory_space<vmem_shared>> -> memref<632x128xf32, #tpu.memory_space<vmem_shared>>
      tpu.enqueue_dma source(%dma_start3A_73 : memref<632x128xf32, #tpu.memory_space<vmem_shared>>) target(%dma_start3A_71 : memref<632x128xf32, #tpu.memory_space<hbm>>) target_semaphore(%run_scoped3A : memref<!tpu.dma_semaphore, #tpu.memory_space<semaphore_mem>>)
      %dma_wait3A_74 = arith.constant 0 : i32
      %dma_wait3A_75 = tpu.memref_slice %arg6[%arg0, %mul3A_2, %dma_wait3A_74] : memref<2x10112x128xf32, #tpu.memory_space<hbm>> -> memref<1x632x128xf32, #tpu.memory_space<hbm>>
      %dma_wait3A_76 = tpu.memref_squeeze %dma_wait3A_75 : memref<1x632x128xf32, #tpu.memory_space<hbm>> -> memref<632x128xf32, #tpu.memory_space<hbm>>
      %dma_wait3A_77 = arith.constant 0 : i32
      %dma_wait3A_78 = tpu.memref_slice %arg11[%mul3A_2, %dma_wait3A_77] : memref<10112x128xf32, #tpu.memory_space<vmem_shared>> -> memref<632x128xf32, #tpu.memory_space<vmem_shared>>
      tpu.wait_dma2 semaphore(%run_scoped3A : memref<!tpu.dma_semaphore, #tpu.memory_space<semaphore_mem>>) src(%dma_wait3A_78 : memref<632x128xf32, #tpu.memory_space<vmem_shared>>) dst(%dma_wait3A_76 : memref<632x128xf32, #tpu.memory_space<hbm>>)
      tpu.yield
    }) : () -> ()
    return
  }
}

#map = affine_map<(d0, d1) -> (0, 0)>
#map1 = affine_map<(d0, d1) -> (0, 0, 0)>
module attributes {stable_mosaic.version = 14 : i64} {
  func.func @k(%arg0: i32, %arg1: i32, %arg2: memref<10000x128xf32, #tpu.memory_space<hbm>>, %arg3: memref<2560x128xi32, #tpu.memory_space<hbm>>, %arg4: memref<2560x128xi32, #tpu.memory_space<hbm>>, %arg5: memref<10112x128xf32, #tpu.memory_space<hbm>>, %arg6: memref<2x10112x128xf32, #tpu.memory_space<hbm>>, %arg7: memref<40x128xi32, #tpu.memory_space<vmem>>, %arg8: memref<40x128xi32, #tpu.memory_space<vmem>>, %arg9: memref<128x128xf32, #tpu.memory_space<vmem>>, %arg10: memref<128x128xf32, #tpu.memory_space<vmem>>, %arg11: memref<10112x128xf32, #tpu.memory_space<vmem_shared>>, %arg12: memref<!tpu.dma_semaphore, #tpu.memory_space<semaphore_mem>>, %arg13: memref<!tpu.dma_semaphore, #tpu.memory_space<semaphore_mem>>, %arg14: memref<!tpu.dma_semaphore, #tpu.memory_space<semaphore_mem>>, %arg15: memref<!tpu.dma_semaphore, #tpu.memory_space<semaphore_mem>>, %arg16: memref<!tpu.dma_semaphore, #tpu.memory_space<semaphore_mem>>) attributes {dimension_semantics = [#tpu.dimension_semantics<core_parallel>, #tpu.dimension_semantics<subcore_parallel>], iteration_bounds = array<i64: 2, 16>, scalar_prefetch = 0 : i64, scratch_operands = 10 : i64, tpu.core_type = #tpu.core_type<sc_vector_subcore>, window_params = [{transform_indices = #map}, {transform_indices = #map}, {transform_indices = #map}, {transform_indices = #map}, {transform_indices = #map1}]} {
    %mul3A = arith.constant 2 : i32
    %mul3A_0 = arith.muli %arg1, %mul3A : i32
    %add3A = arith.addi %mul3A_0, %arg0 : i32
    %mul3A_1 = arith.constant 632 : i32
    %mul3A_2 = arith.muli %arg1, %mul3A_1 : i32
    %dma_start3A = arith.constant 0 : i32
    %dma_start3A_3 = tpu.memref_slice %arg11[%mul3A_2, %dma_start3A] : memref<10112x128xf32, #tpu.memory_space<vmem_shared>> -> memref<632x128xf32, #tpu.memory_space<vmem_shared>>
    %dma_start3A_4 = arith.constant 0 : i32
    %dma_start3A_5 = tpu.memref_slice %arg5[%mul3A_2, %dma_start3A_4] : memref<10112x128xf32, #tpu.memory_space<hbm>> -> memref<632x128xf32, #tpu.memory_space<hbm>>
    tpu.enqueue_dma source(%dma_start3A_5 : memref<632x128xf32, #tpu.memory_space<hbm>>) target(%dma_start3A_3 : memref<632x128xf32, #tpu.memory_space<vmem_shared>>) target_semaphore(%arg12 : memref<!tpu.dma_semaphore, #tpu.memory_space<semaphore_mem>>)
    %mul3A_6 = arith.constant 80 : i32
    %mul3A_7 = arith.muli %add3A, %mul3A_6 : i32
    %add3A_8 = arith.constant 0 : i32
    %add3A_9 = arith.addi %mul3A_7, %add3A_8 : i32
    "tpu.region"() ({
      %run_scoped3A = tpu.sem_alloc : memref<!tpu.dma_semaphore, #tpu.memory_space<semaphore_mem>>
      %dma_start3A_69 = arith.constant 0 : i32
      %dma_start3A_70 = tpu.memref_slice %arg3[%add3A_9, %dma_start3A_69] : memref<2560x128xi32, #tpu.memory_space<hbm>> -> memref<40x128xi32, #tpu.memory_space<hbm>>
      %dma_start3A_71 = arith.constant 0 : i32
      %dma_start3A_72 = tpu.memref_slice %arg3[%add3A_9, %dma_start3A_71] : memref<2560x128xi32, #tpu.memory_space<hbm>> -> memref<40x128xi32, #tpu.memory_space<hbm>>
      tpu.enqueue_dma source(%dma_start3A_72 : memref<40x128xi32, #tpu.memory_space<hbm>>) target(%arg7 : memref<40x128xi32, #tpu.memory_space<vmem>>) target_semaphore(%run_scoped3A : memref<!tpu.dma_semaphore, #tpu.memory_space<semaphore_mem>>)
      %dma_wait3A_73 = arith.constant 0 : i32
      %dma_wait3A_74 = tpu.memref_slice %arg3[%add3A_9, %dma_wait3A_73] : memref<2560x128xi32, #tpu.memory_space<hbm>> -> memref<40x128xi32, #tpu.memory_space<hbm>>
      %dma_wait3A_75 = arith.constant 0 : i32
      %dma_wait3A_76 = tpu.memref_slice %arg3[%add3A_9, %dma_wait3A_75] : memref<2560x128xi32, #tpu.memory_space<hbm>> -> memref<40x128xi32, #tpu.memory_space<hbm>>
      tpu.wait_dma2 semaphore(%run_scoped3A : memref<!tpu.dma_semaphore, #tpu.memory_space<semaphore_mem>>) src(%dma_wait3A_76 : memref<40x128xi32, #tpu.memory_space<hbm>>) dst(%arg7 : memref<40x128xi32, #tpu.memory_space<vmem>>)
      tpu.yield
    }) : () -> ()
    "tpu.region"() ({
      %run_scoped3A = tpu.sem_alloc : memref<!tpu.dma_semaphore, #tpu.memory_space<semaphore_mem>>
      %dma_start3A_69 = arith.constant 0 : i32
      %dma_start3A_70 = tpu.memref_slice %arg4[%add3A_9, %dma_start3A_69] : memref<2560x128xi32, #tpu.memory_space<hbm>> -> memref<40x128xi32, #tpu.memory_space<hbm>>
      %dma_start3A_71 = arith.constant 0 : i32
      %dma_start3A_72 = tpu.memref_slice %arg4[%add3A_9, %dma_start3A_71] : memref<2560x128xi32, #tpu.memory_space<hbm>> -> memref<40x128xi32, #tpu.memory_space<hbm>>
      tpu.enqueue_dma source(%dma_start3A_72 : memref<40x128xi32, #tpu.memory_space<hbm>>) target(%arg8 : memref<40x128xi32, #tpu.memory_space<vmem>>) target_semaphore(%run_scoped3A : memref<!tpu.dma_semaphore, #tpu.memory_space<semaphore_mem>>)
      %dma_wait3A_73 = arith.constant 0 : i32
      %dma_wait3A_74 = tpu.memref_slice %arg4[%add3A_9, %dma_wait3A_73] : memref<2560x128xi32, #tpu.memory_space<hbm>> -> memref<40x128xi32, #tpu.memory_space<hbm>>
      %dma_wait3A_75 = arith.constant 0 : i32
      %dma_wait3A_76 = tpu.memref_slice %arg4[%add3A_9, %dma_wait3A_75] : memref<2560x128xi32, #tpu.memory_space<hbm>> -> memref<40x128xi32, #tpu.memory_space<hbm>>
      tpu.wait_dma2 semaphore(%run_scoped3A : memref<!tpu.dma_semaphore, #tpu.memory_space<semaphore_mem>>) src(%dma_wait3A_76 : memref<40x128xi32, #tpu.memory_space<hbm>>) dst(%arg8 : memref<40x128xi32, #tpu.memory_space<vmem>>)
      tpu.yield
    }) : () -> ()
    %dma_wait3A = arith.constant 0 : i32
    %dma_wait3A_10 = tpu.memref_slice %arg11[%mul3A_2, %dma_wait3A] : memref<10112x128xf32, #tpu.memory_space<vmem_shared>> -> memref<632x128xf32, #tpu.memory_space<vmem_shared>>
    %dma_wait3A_11 = arith.constant 0 : i32
    %dma_wait3A_12 = tpu.memref_slice %arg5[%mul3A_2, %dma_wait3A_11] : memref<10112x128xf32, #tpu.memory_space<hbm>> -> memref<632x128xf32, #tpu.memory_space<hbm>>
    tpu.wait_dma2 semaphore(%arg12 : memref<!tpu.dma_semaphore, #tpu.memory_space<semaphore_mem>>) src(%dma_wait3A_12 : memref<632x128xf32, #tpu.memory_space<hbm>>) dst(%dma_wait3A_10 : memref<632x128xf32, #tpu.memory_space<vmem_shared>>)
    %barrier3A = arith.constant 0 : index
    tpu.barrier barrier_id(%barrier3A)
    %dma_start3A_13 = arith.constant 0 : i32
    %dma_start3A_14 = arith.constant 0 : i32
    %dma_start3A_15 = tpu.memref_slice %arg7[%dma_start3A_13, %dma_start3A_14] : memref<40x128xi32, #tpu.memory_space<vmem>> -> memref<1x128xi32, #tpu.memory_space<vmem>>
    %dma_start3A_16 = tpu.memref_squeeze %dma_start3A_15 : memref<1x128xi32, #tpu.memory_space<vmem>> -> memref<128xi32, #tpu.memory_space<vmem>>
    %dma_start3A_17 = arith.constant 0 : i32
    %dma_start3A_18 = arith.constant 0 : i32
    %dma_start3A_19 = tpu.memref_slice %arg2[%dma_start3A_17, %dma_start3A_18] : memref<10000x128xf32, #tpu.memory_space<hbm>> -> memref<10000x128xf32, #tpu.memory_space<hbm>>
    tpu.enqueue_indirect_dma source(%dma_start3A_19 : memref<10000x128xf32, #tpu.memory_space<hbm>>) target(%arg9 : memref<128x128xf32, #tpu.memory_space<vmem>>) offsets(%dma_start3A_16 : memref<128xi32, #tpu.memory_space<vmem>>) semaphore(%arg13 : memref<!tpu.dma_semaphore, #tpu.memory_space<semaphore_mem>>)
    %scan3A = arith.constant 0 : i32
    %scan3A_20 = arith.constant 20 : i32
    %scan3A_21 = arith.addi %scan3A, %scan3A_20 : i32
    %scan3A_22 = arith.constant 1 : i32
    scf.for %scan3A_69 = %scan3A to %scan3A_21 step %scan3A_22  : i32 {
      %mul3A_70 = arith.constant 2 : i32
      %mul3A_71 = arith.muli %scan3A_69, %mul3A_70 : i32
      %add3A_72 = arith.constant 0 : i32
      %add3A_73 = arith.addi %add3A_72, %mul3A_71 : i32
      %dma_wait3A_74 = arith.constant 0 : i32
      %dma_wait3A_75 = tpu.memref_slice %arg7[%add3A_73, %dma_wait3A_74] : memref<40x128xi32, #tpu.memory_space<vmem>> -> memref<1x128xi32, #tpu.memory_space<vmem>>
      %dma_wait3A_76 = tpu.memref_squeeze %dma_wait3A_75 : memref<1x128xi32, #tpu.memory_space<vmem>> -> memref<128xi32, #tpu.memory_space<vmem>>
      %dma_wait3A_77 = arith.constant 0 : i32
      %dma_wait3A_78 = arith.constant 0 : i32
      %dma_wait3A_79 = tpu.memref_slice %arg2[%dma_wait3A_77, %dma_wait3A_78] : memref<10000x128xf32, #tpu.memory_space<hbm>> -> memref<10000x128xf32, #tpu.memory_space<hbm>>
      tpu.wait_indirect_dma semaphore(%arg13 : memref<!tpu.dma_semaphore, #tpu.memory_space<semaphore_mem>>) src(%dma_wait3A_79 : memref<10000x128xf32, #tpu.memory_space<hbm>>) dst(%arg9 : memref<128x128xf32, #tpu.memory_space<vmem>>)
      %gt3A = arith.constant 0 : i32
      %gt3A_80 = arith.cmpi sgt, %add3A_73, %gt3A : i32
      %convert_element_type3A = arith.extui %gt3A_80 : i1 to i32
      %cond3A = arith.constant 0 : i32
      %cond3A_81 = arith.cmpi ne, %convert_element_type3A, %cond3A : i32
      scf.if %cond3A_81 {
        %dma_wait3A_116 = arith.constant 0 : i32
        %dma_wait3A_117 = tpu.memref_slice %arg8[%add3A_73, %dma_wait3A_116] : memref<40x128xi32, #tpu.memory_space<vmem>> -> memref<1x128xi32, #tpu.memory_space<vmem>>
        %dma_wait3A_118 = tpu.memref_squeeze %dma_wait3A_117 : memref<1x128xi32, #tpu.memory_space<vmem>> -> memref<128xi32, #tpu.memory_space<vmem>>
        %dma_wait3A_119 = arith.constant 0 : i32
        %dma_wait3A_120 = arith.constant 0 : i32
        %dma_wait3A_121 = tpu.memref_slice %arg11[%dma_wait3A_119, %dma_wait3A_120] : memref<10112x128xf32, #tpu.memory_space<vmem_shared>> -> memref<10112x128xf32, #tpu.memory_space<vmem_shared>>
        tpu.wait_indirect_dma semaphore(%arg16 : memref<!tpu.dma_semaphore, #tpu.memory_space<semaphore_mem>>) src(%arg10 : memref<128x128xf32, #tpu.memory_space<vmem>>) dst(%dma_wait3A_121 : memref<10112x128xf32, #tpu.memory_space<vmem_shared>>)
      } else {
      }
      %add3A_82 = arith.constant 1 : i32
      %add3A_83 = arith.addi %add3A_73, %add3A_82 : i32
      %dma_start3A_84 = arith.constant 0 : i32
      %dma_start3A_85 = tpu.memref_slice %arg7[%add3A_83, %dma_start3A_84] : memref<40x128xi32, #tpu.memory_space<vmem>> -> memref<1x128xi32, #tpu.memory_space<vmem>>
      %dma_start3A_86 = tpu.memref_squeeze %dma_start3A_85 : memref<1x128xi32, #tpu.memory_space<vmem>> -> memref<128xi32, #tpu.memory_space<vmem>>
      %dma_start3A_87 = arith.constant 0 : i32
      %dma_start3A_88 = arith.constant 0 : i32
      %dma_start3A_89 = tpu.memref_slice %arg2[%dma_start3A_87, %dma_start3A_88] : memref<10000x128xf32, #tpu.memory_space<hbm>> -> memref<10000x128xf32, #tpu.memory_space<hbm>>
      tpu.enqueue_indirect_dma source(%dma_start3A_89 : memref<10000x128xf32, #tpu.memory_space<hbm>>) target(%arg10 : memref<128x128xf32, #tpu.memory_space<vmem>>) offsets(%dma_start3A_86 : memref<128xi32, #tpu.memory_space<vmem>>) semaphore(%arg14 : memref<!tpu.dma_semaphore, #tpu.memory_space<semaphore_mem>>)
      %dma_start3A_90 = arith.constant 0 : i32
      %dma_start3A_91 = tpu.memref_slice %arg8[%add3A_73, %dma_start3A_90] : memref<40x128xi32, #tpu.memory_space<vmem>> -> memref<1x128xi32, #tpu.memory_space<vmem>>
      %dma_start3A_92 = tpu.memref_squeeze %dma_start3A_91 : memref<1x128xi32, #tpu.memory_space<vmem>> -> memref<128xi32, #tpu.memory_space<vmem>>
      %dma_start3A_93 = arith.constant 0 : i32
      %dma_start3A_94 = arith.constant 0 : i32
      %dma_start3A_95 = tpu.memref_slice %arg11[%dma_start3A_93, %dma_start3A_94] : memref<10112x128xf32, #tpu.memory_space<vmem_shared>> -> memref<10112x128xf32, #tpu.memory_space<vmem_shared>>
      tpu.enqueue_indirect_dma source(%arg9 : memref<128x128xf32, #tpu.memory_space<vmem>>) target(%dma_start3A_95 : memref<10112x128xf32, #tpu.memory_space<vmem_shared>>) offsets(%dma_start3A_92 : memref<128xi32, #tpu.memory_space<vmem>>) semaphore(%arg15 : memref<!tpu.dma_semaphore, #tpu.memory_space<semaphore_mem>>) {add = true}
      %dma_wait3A_96 = arith.constant 0 : i32
      %dma_wait3A_97 = tpu.memref_slice %arg7[%add3A_83, %dma_wait3A_96] : memref<40x128xi32, #tpu.memory_space<vmem>> -> memref<1x128xi32, #tpu.memory_space<vmem>>
      %dma_wait3A_98 = tpu.memref_squeeze %dma_wait3A_97 : memref<1x128xi32, #tpu.memory_space<vmem>> -> memref<128xi32, #tpu.memory_space<vmem>>
      %dma_wait3A_99 = arith.constant 0 : i32
      %dma_wait3A_100 = arith.constant 0 : i32
      %dma_wait3A_101 = tpu.memref_slice %arg2[%dma_wait3A_99, %dma_wait3A_100] : memref<10000x128xf32, #tpu.memory_space<hbm>> -> memref<10000x128xf32, #tpu.memory_space<hbm>>
      tpu.wait_indirect_dma semaphore(%arg14 : memref<!tpu.dma_semaphore, #tpu.memory_space<semaphore_mem>>) src(%dma_wait3A_101 : memref<10000x128xf32, #tpu.memory_space<hbm>>) dst(%arg10 : memref<128x128xf32, #tpu.memory_space<vmem>>)
      %add3A_102 = arith.constant 1 : i32
      %add3A_103 = arith.addi %add3A_73, %add3A_102 : i32
      %dma_start3A_104 = arith.constant 0 : i32
      %dma_start3A_105 = tpu.memref_slice %arg8[%add3A_103, %dma_start3A_104] : memref<40x128xi32, #tpu.memory_space<vmem>> -> memref<1x128xi32, #tpu.memory_space<vmem>>
      %dma_start3A_106 = tpu.memref_squeeze %dma_start3A_105 : memref<1x128xi32, #tpu.memory_space<vmem>> -> memref<128xi32, #tpu.memory_space<vmem>>
      %dma_start3A_107 = arith.constant 0 : i32
      %dma_start3A_108 = arith.constant 0 : i32
      %dma_start3A_109 = tpu.memref_slice %arg11[%dma_start3A_107, %dma_start3A_108] : memref<10112x128xf32, #tpu.memory_space<vmem_shared>> -> memref<10112x128xf32, #tpu.memory_space<vmem_shared>>
      tpu.enqueue_indirect_dma source(%arg10 : memref<128x128xf32, #tpu.memory_space<vmem>>) target(%dma_start3A_109 : memref<10112x128xf32, #tpu.memory_space<vmem_shared>>) offsets(%dma_start3A_106 : memref<128xi32, #tpu.memory_space<vmem>>) semaphore(%arg16 : memref<!tpu.dma_semaphore, #tpu.memory_space<semaphore_mem>>) {add = true}
      %add3A_110 = arith.constant 2 : i32
      %add3A_111 = arith.addi %add3A_73, %add3A_110 : i32
      %lt3A = arith.constant 40 : i32
      %lt3A_112 = arith.cmpi slt, %add3A_111, %lt3A : i32
      %convert_element_type3A_113 = arith.extui %lt3A_112 : i1 to i32
      %cond3A_114 = arith.constant 0 : i32
      %cond3A_115 = arith.cmpi ne, %convert_element_type3A_113, %cond3A_114 : i32
      scf.if %cond3A_115 {
        %dma_wait3A_116 = arith.constant 0 : i32
        %dma_wait3A_117 = tpu.memref_slice %arg8[%add3A_73, %dma_wait3A_116] : memref<40x128xi32, #tpu.memory_space<vmem>> -> memref<1x128xi32, #tpu.memory_space<vmem>>
        %dma_wait3A_118 = tpu.memref_squeeze %dma_wait3A_117 : memref<1x128xi32, #tpu.memory_space<vmem>> -> memref<128xi32, #tpu.memory_space<vmem>>
        %dma_wait3A_119 = arith.constant 0 : i32
        %dma_wait3A_120 = arith.constant 0 : i32
        %dma_wait3A_121 = tpu.memref_slice %arg11[%dma_wait3A_119, %dma_wait3A_120] : memref<10112x128xf32, #tpu.memory_space<vmem_shared>> -> memref<10112x128xf32, #tpu.memory_space<vmem_shared>>
        tpu.wait_indirect_dma semaphore(%arg15 : memref<!tpu.dma_semaphore, #tpu.memory_space<semaphore_mem>>) src(%arg9 : memref<128x128xf32, #tpu.memory_space<vmem>>) dst(%dma_wait3A_121 : memref<10112x128xf32, #tpu.memory_space<vmem_shared>>)
        %add3A_122 = arith.constant 2 : i32
        %add3A_123 = arith.addi %add3A_73, %add3A_122 : i32
        %dma_start3A_124 = arith.constant 0 : i32
        %dma_start3A_125 = tpu.memref_slice %arg7[%add3A_123, %dma_start3A_124] : memref<40x128xi32, #tpu.memory_space<vmem>> -> memref<1x128xi32, #tpu.memory_space<vmem>>
        %dma_start3A_126 = tpu.memref_squeeze %dma_start3A_125 : memref<1x128xi32, #tpu.memory_space<vmem>> -> memref<128xi32, #tpu.memory_space<vmem>>
        %dma_start3A_127 = arith.constant 0 : i32
        %dma_start3A_128 = arith.constant 0 : i32
        %dma_start3A_129 = tpu.memref_slice %arg2[%dma_start3A_127, %dma_start3A_128] : memref<10000x128xf32, #tpu.memory_space<hbm>> -> memref<10000x128xf32, #tpu.memory_space<hbm>>
        tpu.enqueue_indirect_dma source(%dma_start3A_129 : memref<10000x128xf32, #tpu.memory_space<hbm>>) target(%arg9 : memref<128x128xf32, #tpu.memory_space<vmem>>) offsets(%dma_start3A_126 : memref<128xi32, #tpu.memory_space<vmem>>) semaphore(%arg13 : memref<!tpu.dma_semaphore, #tpu.memory_space<semaphore_mem>>)
      } else {
      }
    }
    %scan3A_23 = arith.constant 20 : i32
    %dma_wait3A_24 = arith.constant 0 : i32
    %dma_wait3A_25 = arith.constant 0 : i32
    %dma_wait3A_26 = tpu.memref_slice %arg8[%dma_wait3A_24, %dma_wait3A_25] : memref<40x128xi32, #tpu.memory_space<vmem>> -> memref<1x128xi32, #tpu.memory_space<vmem>>
    %dma_wait3A_27 = tpu.memref_squeeze %dma_wait3A_26 : memref<1x128xi32, #tpu.memory_space<vmem>> -> memref<128xi32, #tpu.memory_space<vmem>>
    %dma_wait3A_28 = arith.constant 0 : i32
    %dma_wait3A_29 = arith.constant 0 : i32
    %dma_wait3A_30 = tpu.memref_slice %arg11[%dma_wait3A_28, %dma_wait3A_29] : memref<10112x128xf32, #tpu.memory_space<vmem_shared>> -> memref<10112x128xf32, #tpu.memory_space<vmem_shared>>
    tpu.wait_indirect_dma semaphore(%arg15 : memref<!tpu.dma_semaphore, #tpu.memory_space<semaphore_mem>>) src(%arg9 : memref<128x128xf32, #tpu.memory_space<vmem>>) dst(%dma_wait3A_30 : memref<10112x128xf32, #tpu.memory_space<vmem_shared>>)
    %dma_wait3A_31 = arith.constant 0 : i32
    %dma_wait3A_32 = arith.constant 0 : i32
    %dma_wait3A_33 = tpu.memref_slice %arg8[%dma_wait3A_31, %dma_wait3A_32] : memref<40x128xi32, #tpu.memory_space<vmem>> -> memref<1x128xi32, #tpu.memory_space<vmem>>
    %dma_wait3A_34 = tpu.memref_squeeze %dma_wait3A_33 : memref<1x128xi32, #tpu.memory_space<vmem>> -> memref<128xi32, #tpu.memory_space<vmem>>
    %dma_wait3A_35 = arith.constant 0 : i32
    %dma_wait3A_36 = arith.constant 0 : i32
    %dma_wait3A_37 = tpu.memref_slice %arg11[%dma_wait3A_35, %dma_wait3A_36] : memref<10112x128xf32, #tpu.memory_space<vmem_shared>> -> memref<10112x128xf32, #tpu.memory_space<vmem_shared>>
    tpu.wait_indirect_dma semaphore(%arg16 : memref<!tpu.dma_semaphore, #tpu.memory_space<semaphore_mem>>) src(%arg10 : memref<128x128xf32, #tpu.memory_space<vmem>>) dst(%dma_wait3A_37 : memref<10112x128xf32, #tpu.memory_space<vmem_shared>>)
    %mul3A_38 = arith.constant 80 : i32
    %mul3A_39 = arith.muli %add3A, %mul3A_38 : i32
    %add3A_40 = arith.constant 40 : i32
    %add3A_41 = arith.addi %mul3A_39, %add3A_40 : i32
    "tpu.region"() ({
      %run_scoped3A = tpu.sem_alloc : memref<!tpu.dma_semaphore, #tpu.memory_space<semaphore_mem>>
      %dma_start3A_69 = arith.constant 0 : i32
      %dma_start3A_70 = tpu.memref_slice %arg3[%add3A_41, %dma_start3A_69] : memref<2560x128xi32, #tpu.memory_space<hbm>> -> memref<40x128xi32, #tpu.memory_space<hbm>>
      %dma_start3A_71 = arith.constant 0 : i32
      %dma_start3A_72 = tpu.memref_slice %arg3[%add3A_41, %dma_start3A_71] : memref<2560x128xi32, #tpu.memory_space<hbm>> -> memref<40x128xi32, #tpu.memory_space<hbm>>
      tpu.enqueue_dma source(%dma_start3A_72 : memref<40x128xi32, #tpu.memory_space<hbm>>) target(%arg7 : memref<40x128xi32, #tpu.memory_space<vmem>>) target_semaphore(%run_scoped3A : memref<!tpu.dma_semaphore, #tpu.memory_space<semaphore_mem>>)
      %dma_wait3A_73 = arith.constant 0 : i32
      %dma_wait3A_74 = tpu.memref_slice %arg3[%add3A_41, %dma_wait3A_73] : memref<2560x128xi32, #tpu.memory_space<hbm>> -> memref<40x128xi32, #tpu.memory_space<hbm>>
      %dma_wait3A_75 = arith.constant 0 : i32
      %dma_wait3A_76 = tpu.memref_slice %arg3[%add3A_41, %dma_wait3A_75] : memref<2560x128xi32, #tpu.memory_space<hbm>> -> memref<40x128xi32, #tpu.memory_space<hbm>>
      tpu.wait_dma2 semaphore(%run_scoped3A : memref<!tpu.dma_semaphore, #tpu.memory_space<semaphore_mem>>) src(%dma_wait3A_76 : memref<40x128xi32, #tpu.memory_space<hbm>>) dst(%arg7 : memref<40x128xi32, #tpu.memory_space<vmem>>)
      tpu.yield
    }) : () -> ()
    "tpu.region"() ({
      %run_scoped3A = tpu.sem_alloc : memref<!tpu.dma_semaphore, #tpu.memory_space<semaphore_mem>>
      %dma_start3A_69 = arith.constant 0 : i32
      %dma_start3A_70 = tpu.memref_slice %arg4[%add3A_41, %dma_start3A_69] : memref<2560x128xi32, #tpu.memory_space<hbm>> -> memref<40x128xi32, #tpu.memory_space<hbm>>
      %dma_start3A_71 = arith.constant 0 : i32
      %dma_start3A_72 = tpu.memref_slice %arg4[%add3A_41, %dma_start3A_71] : memref<2560x128xi32, #tpu.memory_space<hbm>> -> memref<40x128xi32, #tpu.memory_space<hbm>>
      tpu.enqueue_dma source(%dma_start3A_72 : memref<40x128xi32, #tpu.memory_space<hbm>>) target(%arg8 : memref<40x128xi32, #tpu.memory_space<vmem>>) target_semaphore(%run_scoped3A : memref<!tpu.dma_semaphore, #tpu.memory_space<semaphore_mem>>)
      %dma_wait3A_73 = arith.constant 0 : i32
      %dma_wait3A_74 = tpu.memref_slice %arg4[%add3A_41, %dma_wait3A_73] : memref<2560x128xi32, #tpu.memory_space<hbm>> -> memref<40x128xi32, #tpu.memory_space<hbm>>
      %dma_wait3A_75 = arith.constant 0 : i32
      %dma_wait3A_76 = tpu.memref_slice %arg4[%add3A_41, %dma_wait3A_75] : memref<2560x128xi32, #tpu.memory_space<hbm>> -> memref<40x128xi32, #tpu.memory_space<hbm>>
      tpu.wait_dma2 semaphore(%run_scoped3A : memref<!tpu.dma_semaphore, #tpu.memory_space<semaphore_mem>>) src(%dma_wait3A_76 : memref<40x128xi32, #tpu.memory_space<hbm>>) dst(%arg8 : memref<40x128xi32, #tpu.memory_space<vmem>>)
      tpu.yield
    }) : () -> ()
    %dma_start3A_42 = arith.constant 0 : i32
    %dma_start3A_43 = arith.constant 0 : i32
    %dma_start3A_44 = tpu.memref_slice %arg7[%dma_start3A_42, %dma_start3A_43] : memref<40x128xi32, #tpu.memory_space<vmem>> -> memref<1x128xi32, #tpu.memory_space<vmem>>
    %dma_start3A_45 = tpu.memref_squeeze %dma_start3A_44 : memref<1x128xi32, #tpu.memory_space<vmem>> -> memref<128xi32, #tpu.memory_space<vmem>>
    %dma_start3A_46 = arith.constant 0 : i32
    %dma_start3A_47 = arith.constant 0 : i32
    %dma_start3A_48 = tpu.memref_slice %arg2[%dma_start3A_46, %dma_start3A_47] : memref<10000x128xf32, #tpu.memory_space<hbm>> -> memref<10000x128xf32, #tpu.memory_space<hbm>>
    tpu.enqueue_indirect_dma source(%dma_start3A_48 : memref<10000x128xf32, #tpu.memory_space<hbm>>) target(%arg9 : memref<128x128xf32, #tpu.memory_space<vmem>>) offsets(%dma_start3A_45 : memref<128xi32, #tpu.memory_space<vmem>>) semaphore(%arg13 : memref<!tpu.dma_semaphore, #tpu.memory_space<semaphore_mem>>)
    %scan3A_49 = arith.constant 0 : i32
    %scan3A_50 = arith.constant 20 : i32
    %scan3A_51 = arith.addi %scan3A_49, %scan3A_50 : i32
    %scan3A_52 = arith.constant 1 : i32
    scf.for %scan3A_69 = %scan3A_49 to %scan3A_51 step %scan3A_52  : i32 {
      %mul3A_70 = arith.constant 2 : i32
      %mul3A_71 = arith.muli %scan3A_69, %mul3A_70 : i32
      %add3A_72 = arith.constant 0 : i32
      %add3A_73 = arith.addi %add3A_72, %mul3A_71 : i32
      %dma_wait3A_74 = arith.constant 0 : i32
      %dma_wait3A_75 = tpu.memref_slice %arg7[%add3A_73, %dma_wait3A_74] : memref<40x128xi32, #tpu.memory_space<vmem>> -> memref<1x128xi32, #tpu.memory_space<vmem>>
      %dma_wait3A_76 = tpu.memref_squeeze %dma_wait3A_75 : memref<1x128xi32, #tpu.memory_space<vmem>> -> memref<128xi32, #tpu.memory_space<vmem>>
      %dma_wait3A_77 = arith.constant 0 : i32
      %dma_wait3A_78 = arith.constant 0 : i32
      %dma_wait3A_79 = tpu.memref_slice %arg2[%dma_wait3A_77, %dma_wait3A_78] : memref<10000x128xf32, #tpu.memory_space<hbm>> -> memref<10000x128xf32, #tpu.memory_space<hbm>>
      tpu.wait_indirect_dma semaphore(%arg13 : memref<!tpu.dma_semaphore, #tpu.memory_space<semaphore_mem>>) src(%dma_wait3A_79 : memref<10000x128xf32, #tpu.memory_space<hbm>>) dst(%arg9 : memref<128x128xf32, #tpu.memory_space<vmem>>)
      %gt3A = arith.constant 0 : i32
      %gt3A_80 = arith.cmpi sgt, %add3A_73, %gt3A : i32
      %convert_element_type3A = arith.extui %gt3A_80 : i1 to i32
      %cond3A = arith.constant 0 : i32
      %cond3A_81 = arith.cmpi ne, %convert_element_type3A, %cond3A : i32
      scf.if %cond3A_81 {
        %dma_wait3A_116 = arith.constant 0 : i32
        %dma_wait3A_117 = tpu.memref_slice %arg8[%add3A_73, %dma_wait3A_116] : memref<40x128xi32, #tpu.memory_space<vmem>> -> memref<1x128xi32, #tpu.memory_space<vmem>>
        %dma_wait3A_118 = tpu.memref_squeeze %dma_wait3A_117 : memref<1x128xi32, #tpu.memory_space<vmem>> -> memref<128xi32, #tpu.memory_space<vmem>>
        %dma_wait3A_119 = arith.constant 0 : i32
        %dma_wait3A_120 = arith.constant 0 : i32
        %dma_wait3A_121 = tpu.memref_slice %arg11[%dma_wait3A_119, %dma_wait3A_120] : memref<10112x128xf32, #tpu.memory_space<vmem_shared>> -> memref<10112x128xf32, #tpu.memory_space<vmem_shared>>
        tpu.wait_indirect_dma semaphore(%arg16 : memref<!tpu.dma_semaphore, #tpu.memory_space<semaphore_mem>>) src(%arg10 : memref<128x128xf32, #tpu.memory_space<vmem>>) dst(%dma_wait3A_121 : memref<10112x128xf32, #tpu.memory_space<vmem_shared>>)
      } else {
      }
      %add3A_82 = arith.constant 1 : i32
      %add3A_83 = arith.addi %add3A_73, %add3A_82 : i32
      %dma_start3A_84 = arith.constant 0 : i32
      %dma_start3A_85 = tpu.memref_slice %arg7[%add3A_83, %dma_start3A_84] : memref<40x128xi32, #tpu.memory_space<vmem>> -> memref<1x128xi32, #tpu.memory_space<vmem>>
      %dma_start3A_86 = tpu.memref_squeeze %dma_start3A_85 : memref<1x128xi32, #tpu.memory_space<vmem>> -> memref<128xi32, #tpu.memory_space<vmem>>
      %dma_start3A_87 = arith.constant 0 : i32
      %dma_start3A_88 = arith.constant 0 : i32
      %dma_start3A_89 = tpu.memref_slice %arg2[%dma_start3A_87, %dma_start3A_88] : memref<10000x128xf32, #tpu.memory_space<hbm>> -> memref<10000x128xf32, #tpu.memory_space<hbm>>
      tpu.enqueue_indirect_dma source(%dma_start3A_89 : memref<10000x128xf32, #tpu.memory_space<hbm>>) target(%arg10 : memref<128x128xf32, #tpu.memory_space<vmem>>) offsets(%dma_start3A_86 : memref<128xi32, #tpu.memory_space<vmem>>) semaphore(%arg14 : memref<!tpu.dma_semaphore, #tpu.memory_space<semaphore_mem>>)
      %dma_start3A_90 = arith.constant 0 : i32
      %dma_start3A_91 = tpu.memref_slice %arg8[%add3A_73, %dma_start3A_90] : memref<40x128xi32, #tpu.memory_space<vmem>> -> memref<1x128xi32, #tpu.memory_space<vmem>>
      %dma_start3A_92 = tpu.memref_squeeze %dma_start3A_91 : memref<1x128xi32, #tpu.memory_space<vmem>> -> memref<128xi32, #tpu.memory_space<vmem>>
      %dma_start3A_93 = arith.constant 0 : i32
      %dma_start3A_94 = arith.constant 0 : i32
      %dma_start3A_95 = tpu.memref_slice %arg11[%dma_start3A_93, %dma_start3A_94] : memref<10112x128xf32, #tpu.memory_space<vmem_shared>> -> memref<10112x128xf32, #tpu.memory_space<vmem_shared>>
      tpu.enqueue_indirect_dma source(%arg9 : memref<128x128xf32, #tpu.memory_space<vmem>>) target(%dma_start3A_95 : memref<10112x128xf32, #tpu.memory_space<vmem_shared>>) offsets(%dma_start3A_92 : memref<128xi32, #tpu.memory_space<vmem>>) semaphore(%arg15 : memref<!tpu.dma_semaphore, #tpu.memory_space<semaphore_mem>>) {add = true}
      %dma_wait3A_96 = arith.constant 0 : i32
      %dma_wait3A_97 = tpu.memref_slice %arg7[%add3A_83, %dma_wait3A_96] : memref<40x128xi32, #tpu.memory_space<vmem>> -> memref<1x128xi32, #tpu.memory_space<vmem>>
      %dma_wait3A_98 = tpu.memref_squeeze %dma_wait3A_97 : memref<1x128xi32, #tpu.memory_space<vmem>> -> memref<128xi32, #tpu.memory_space<vmem>>
      %dma_wait3A_99 = arith.constant 0 : i32
      %dma_wait3A_100 = arith.constant 0 : i32
      %dma_wait3A_101 = tpu.memref_slice %arg2[%dma_wait3A_99, %dma_wait3A_100] : memref<10000x128xf32, #tpu.memory_space<hbm>> -> memref<10000x128xf32, #tpu.memory_space<hbm>>
      tpu.wait_indirect_dma semaphore(%arg14 : memref<!tpu.dma_semaphore, #tpu.memory_space<semaphore_mem>>) src(%dma_wait3A_101 : memref<10000x128xf32, #tpu.memory_space<hbm>>) dst(%arg10 : memref<128x128xf32, #tpu.memory_space<vmem>>)
      %add3A_102 = arith.constant 1 : i32
      %add3A_103 = arith.addi %add3A_73, %add3A_102 : i32
      %dma_start3A_104 = arith.constant 0 : i32
      %dma_start3A_105 = tpu.memref_slice %arg8[%add3A_103, %dma_start3A_104] : memref<40x128xi32, #tpu.memory_space<vmem>> -> memref<1x128xi32, #tpu.memory_space<vmem>>
      %dma_start3A_106 = tpu.memref_squeeze %dma_start3A_105 : memref<1x128xi32, #tpu.memory_space<vmem>> -> memref<128xi32, #tpu.memory_space<vmem>>
      %dma_start3A_107 = arith.constant 0 : i32
      %dma_start3A_108 = arith.constant 0 : i32
      %dma_start3A_109 = tpu.memref_slice %arg11[%dma_start3A_107, %dma_start3A_108] : memref<10112x128xf32, #tpu.memory_space<vmem_shared>> -> memref<10112x128xf32, #tpu.memory_space<vmem_shared>>
      tpu.enqueue_indirect_dma source(%arg10 : memref<128x128xf32, #tpu.memory_space<vmem>>) target(%dma_start3A_109 : memref<10112x128xf32, #tpu.memory_space<vmem_shared>>) offsets(%dma_start3A_106 : memref<128xi32, #tpu.memory_space<vmem>>) semaphore(%arg16 : memref<!tpu.dma_semaphore, #tpu.memory_space<semaphore_mem>>) {add = true}
      %add3A_110 = arith.constant 2 : i32
      %add3A_111 = arith.addi %add3A_73, %add3A_110 : i32
      %lt3A = arith.constant 40 : i32
      %lt3A_112 = arith.cmpi slt, %add3A_111, %lt3A : i32
      %convert_element_type3A_113 = arith.extui %lt3A_112 : i1 to i32
      %cond3A_114 = arith.constant 0 : i32
      %cond3A_115 = arith.cmpi ne, %convert_element_type3A_113, %cond3A_114 : i32
      scf.if %cond3A_115 {
        %dma_wait3A_116 = arith.constant 0 : i32
        %dma_wait3A_117 = tpu.memref_slice %arg8[%add3A_73, %dma_wait3A_116] : memref<40x128xi32, #tpu.memory_space<vmem>> -> memref<1x128xi32, #tpu.memory_space<vmem>>
        %dma_wait3A_118 = tpu.memref_squeeze %dma_wait3A_117 : memref<1x128xi32, #tpu.memory_space<vmem>> -> memref<128xi32, #tpu.memory_space<vmem>>
        %dma_wait3A_119 = arith.constant 0 : i32
        %dma_wait3A_120 = arith.constant 0 : i32
        %dma_wait3A_121 = tpu.memref_slice %arg11[%dma_wait3A_119, %dma_wait3A_120] : memref<10112x128xf32, #tpu.memory_space<vmem_shared>> -> memref<10112x128xf32, #tpu.memory_space<vmem_shared>>
        tpu.wait_indirect_dma semaphore(%arg15 : memref<!tpu.dma_semaphore, #tpu.memory_space<semaphore_mem>>) src(%arg9 : memref<128x128xf32, #tpu.memory_space<vmem>>) dst(%dma_wait3A_121 : memref<10112x128xf32, #tpu.memory_space<vmem_shared>>)
        %add3A_122 = arith.constant 2 : i32
        %add3A_123 = arith.addi %add3A_73, %add3A_122 : i32
        %dma_start3A_124 = arith.constant 0 : i32
        %dma_start3A_125 = tpu.memref_slice %arg7[%add3A_123, %dma_start3A_124] : memref<40x128xi32, #tpu.memory_space<vmem>> -> memref<1x128xi32, #tpu.memory_space<vmem>>
        %dma_start3A_126 = tpu.memref_squeeze %dma_start3A_125 : memref<1x128xi32, #tpu.memory_space<vmem>> -> memref<128xi32, #tpu.memory_space<vmem>>
        %dma_start3A_127 = arith.constant 0 : i32
        %dma_start3A_128 = arith.constant 0 : i32
        %dma_start3A_129 = tpu.memref_slice %arg2[%dma_start3A_127, %dma_start3A_128] : memref<10000x128xf32, #tpu.memory_space<hbm>> -> memref<10000x128xf32, #tpu.memory_space<hbm>>
        tpu.enqueue_indirect_dma source(%dma_start3A_129 : memref<10000x128xf32, #tpu.memory_space<hbm>>) target(%arg9 : memref<128x128xf32, #tpu.memory_space<vmem>>) offsets(%dma_start3A_126 : memref<128xi32, #tpu.memory_space<vmem>>) semaphore(%arg13 : memref<!tpu.dma_semaphore, #tpu.memory_space<semaphore_mem>>)
      } else {
      }
    }
    %scan3A_53 = arith.constant 20 : i32
    %dma_wait3A_54 = arith.constant 0 : i32
    %dma_wait3A_55 = arith.constant 0 : i32
    %dma_wait3A_56 = tpu.memref_slice %arg8[%dma_wait3A_54, %dma_wait3A_55] : memref<40x128xi32, #tpu.memory_space<vmem>> -> memref<1x128xi32, #tpu.memory_space<vmem>>
    %dma_wait3A_57 = tpu.memref_squeeze %dma_wait3A_56 : memref<1x128xi32, #tpu.memory_space<vmem>> -> memref<128xi32, #tpu.memory_space<vmem>>
    %dma_wait3A_58 = arith.constant 0 : i32
    %dma_wait3A_59 = arith.constant 0 : i32
    %dma_wait3A_60 = tpu.memref_slice %arg11[%dma_wait3A_58, %dma_wait3A_59] : memref<10112x128xf32, #tpu.memory_space<vmem_shared>> -> memref<10112x128xf32, #tpu.memory_space<vmem_shared>>
    tpu.wait_indirect_dma semaphore(%arg15 : memref<!tpu.dma_semaphore, #tpu.memory_space<semaphore_mem>>) src(%arg9 : memref<128x128xf32, #tpu.memory_space<vmem>>) dst(%dma_wait3A_60 : memref<10112x128xf32, #tpu.memory_space<vmem_shared>>)
    %dma_wait3A_61 = arith.constant 0 : i32
    %dma_wait3A_62 = arith.constant 0 : i32
    %dma_wait3A_63 = tpu.memref_slice %arg8[%dma_wait3A_61, %dma_wait3A_62] : memref<40x128xi32, #tpu.memory_space<vmem>> -> memref<1x128xi32, #tpu.memory_space<vmem>>
    %dma_wait3A_64 = tpu.memref_squeeze %dma_wait3A_63 : memref<1x128xi32, #tpu.memory_space<vmem>> -> memref<128xi32, #tpu.memory_space<vmem>>
    %dma_wait3A_65 = arith.constant 0 : i32
    %dma_wait3A_66 = arith.constant 0 : i32
    %dma_wait3A_67 = tpu.memref_slice %arg11[%dma_wait3A_65, %dma_wait3A_66] : memref<10112x128xf32, #tpu.memory_space<vmem_shared>> -> memref<10112x128xf32, #tpu.memory_space<vmem_shared>>
    tpu.wait_indirect_dma semaphore(%arg16 : memref<!tpu.dma_semaphore, #tpu.memory_space<semaphore_mem>>) src(%arg10 : memref<128x128xf32, #tpu.memory_space<vmem>>) dst(%dma_wait3A_67 : memref<10112x128xf32, #tpu.memory_space<vmem_shared>>)
    %barrier3A_68 = arith.constant 0 : index
    tpu.barrier barrier_id(%barrier3A_68)
    "tpu.region"() ({
      %run_scoped3A = tpu.sem_alloc : memref<!tpu.dma_semaphore, #tpu.memory_space<semaphore_mem>>
      %dma_start3A_69 = arith.constant 0 : i32
      %dma_start3A_70 = tpu.memref_slice %arg6[%arg0, %mul3A_2, %dma_start3A_69] : memref<2x10112x128xf32, #tpu.memory_space<hbm>> -> memref<1x632x128xf32, #tpu.memory_space<hbm>>
      %dma_start3A_71 = tpu.memref_squeeze %dma_start3A_70 : memref<1x632x128xf32, #tpu.memory_space<hbm>> -> memref<632x128xf32, #tpu.memory_space<hbm>>
      %dma_start3A_72 = arith.constant 0 : i32
      %dma_start3A_73 = tpu.memref_slice %arg11[%mul3A_2, %dma_start3A_72] : memref<10112x128xf32, #tpu.memory_space<vmem_shared>> -> memref<632x128xf32, #tpu.memory_space<vmem_shared>>
      tpu.enqueue_dma source(%dma_start3A_73 : memref<632x128xf32, #tpu.memory_space<vmem_shared>>) target(%dma_start3A_71 : memref<632x128xf32, #tpu.memory_space<hbm>>) target_semaphore(%run_scoped3A : memref<!tpu.dma_semaphore, #tpu.memory_space<semaphore_mem>>)
      %dma_wait3A_74 = arith.constant 0 : i32
      %dma_wait3A_75 = tpu.memref_slice %arg6[%arg0, %mul3A_2, %dma_wait3A_74] : memref<2x10112x128xf32, #tpu.memory_space<hbm>> -> memref<1x632x128xf32, #tpu.memory_space<hbm>>
      %dma_wait3A_76 = tpu.memref_squeeze %dma_wait3A_75 : memref<1x632x128xf32, #tpu.memory_space<hbm>> -> memref<632x128xf32, #tpu.memory_space<hbm>>
      %dma_wait3A_77 = arith.constant 0 : i32
      %dma_wait3A_78 = tpu.memref_slice %arg11[%mul3A_2, %dma_wait3A_77] : memref<10112x128xf32, #tpu.memory_space<vmem_shared>> -> memref<632x128xf32, #tpu.memory_space<vmem_shared>>
      tpu.wait_dma2 semaphore(%run_scoped3A : memref<!tpu.dma_semaphore, #tpu.memory_space<semaphore_mem>>) src(%dma_wait3A_78 : memref<632x128xf32, #tpu.memory_space<vmem_shared>>) dst(%dma_wait3A_76 : memref<632x128xf32, #tpu.memory_space<hbm>>)
      tpu.yield
    }) : () -> ()
    return
  }
}

#map = affine_map<(d0, d1) -> (0, 0)>
#map1 = affine_map<(d0, d1) -> (0, 0, 0)>
module attributes {stable_mosaic.version = 14 : i64} {
  func.func @k(%arg0: i32, %arg1: i32, %arg2: memref<10000x128xf32, #tpu.memory_space<hbm>>, %arg3: memref<2560x128xi32, #tpu.memory_space<hbm>>, %arg4: memref<2560x128xi32, #tpu.memory_space<hbm>>, %arg5: memref<10112x128xf32, #tpu.memory_space<hbm>>, %arg6: memref<2x10112x128xf32, #tpu.memory_space<hbm>>, %arg7: memref<40x128xi32, #tpu.memory_space<vmem>>, %arg8: memref<40x128xi32, #tpu.memory_space<vmem>>, %arg9: memref<128x128xf32, #tpu.memory_space<vmem>>, %arg10: memref<128x128xf32, #tpu.memory_space<vmem>>, %arg11: memref<10112x128xf32, #tpu.memory_space<vmem_shared>>, %arg12: memref<!tpu.dma_semaphore, #tpu.memory_space<semaphore_mem>>, %arg13: memref<!tpu.dma_semaphore, #tpu.memory_space<semaphore_mem>>, %arg14: memref<!tpu.dma_semaphore, #tpu.memory_space<semaphore_mem>>, %arg15: memref<!tpu.dma_semaphore, #tpu.memory_space<semaphore_mem>>, %arg16: memref<!tpu.dma_semaphore, #tpu.memory_space<semaphore_mem>>) attributes {dimension_semantics = [#tpu.dimension_semantics<core_parallel>, #tpu.dimension_semantics<subcore_parallel>], iteration_bounds = array<i64: 2, 16>, scalar_prefetch = 0 : i64, scratch_operands = 10 : i64, tpu.core_type = #tpu.core_type<sc_vector_subcore>, window_params = [{transform_indices = #map}, {transform_indices = #map}, {transform_indices = #map}, {transform_indices = #map}, {transform_indices = #map1}]} {
    %mul3A = arith.constant 2 : i32
    %mul3A_0 = arith.muli %arg1, %mul3A : i32
    %add3A = arith.addi %mul3A_0, %arg0 : i32
    %mul3A_1 = arith.constant 632 : i32
    %mul3A_2 = arith.muli %arg1, %mul3A_1 : i32
    %dma_start3A = arith.constant 0 : i32
    %dma_start3A_3 = tpu.memref_slice %arg11[%mul3A_2, %dma_start3A] : memref<10112x128xf32, #tpu.memory_space<vmem_shared>> -> memref<632x128xf32, #tpu.memory_space<vmem_shared>>
    %dma_start3A_4 = arith.constant 0 : i32
    %dma_start3A_5 = tpu.memref_slice %arg5[%mul3A_2, %dma_start3A_4] : memref<10112x128xf32, #tpu.memory_space<hbm>> -> memref<632x128xf32, #tpu.memory_space<hbm>>
    tpu.enqueue_dma source(%dma_start3A_5 : memref<632x128xf32, #tpu.memory_space<hbm>>) target(%dma_start3A_3 : memref<632x128xf32, #tpu.memory_space<vmem_shared>>) target_semaphore(%arg12 : memref<!tpu.dma_semaphore, #tpu.memory_space<semaphore_mem>>)
    %mul3A_6 = arith.constant 80 : i32
    %mul3A_7 = arith.muli %add3A, %mul3A_6 : i32
    %add3A_8 = arith.constant 0 : i32
    %add3A_9 = arith.addi %mul3A_7, %add3A_8 : i32
    "tpu.region"() ({
      %run_scoped3A = tpu.sem_alloc : memref<!tpu.dma_semaphore, #tpu.memory_space<semaphore_mem>>
      %dma_start3A_69 = arith.constant 0 : i32
      %dma_start3A_70 = tpu.memref_slice %arg3[%add3A_9, %dma_start3A_69] : memref<2560x128xi32, #tpu.memory_space<hbm>> -> memref<40x128xi32, #tpu.memory_space<hbm>>
      %dma_start3A_71 = arith.constant 0 : i32
      %dma_start3A_72 = tpu.memref_slice %arg3[%add3A_9, %dma_start3A_71] : memref<2560x128xi32, #tpu.memory_space<hbm>> -> memref<40x128xi32, #tpu.memory_space<hbm>>
      tpu.enqueue_dma source(%dma_start3A_72 : memref<40x128xi32, #tpu.memory_space<hbm>>) target(%arg7 : memref<40x128xi32, #tpu.memory_space<vmem>>) target_semaphore(%run_scoped3A : memref<!tpu.dma_semaphore, #tpu.memory_space<semaphore_mem>>)
      %dma_wait3A_73 = arith.constant 0 : i32
      %dma_wait3A_74 = tpu.memref_slice %arg3[%add3A_9, %dma_wait3A_73] : memref<2560x128xi32, #tpu.memory_space<hbm>> -> memref<40x128xi32, #tpu.memory_space<hbm>>
      %dma_wait3A_75 = arith.constant 0 : i32
      %dma_wait3A_76 = tpu.memref_slice %arg3[%add3A_9, %dma_wait3A_75] : memref<2560x128xi32, #tpu.memory_space<hbm>> -> memref<40x128xi32, #tpu.memory_space<hbm>>
      tpu.wait_dma2 semaphore(%run_scoped3A : memref<!tpu.dma_semaphore, #tpu.memory_space<semaphore_mem>>) src(%dma_wait3A_76 : memref<40x128xi32, #tpu.memory_space<hbm>>) dst(%arg7 : memref<40x128xi32, #tpu.memory_space<vmem>>)
      tpu.yield
    }) : () -> ()
    "tpu.region"() ({
      %run_scoped3A = tpu.sem_alloc : memref<!tpu.dma_semaphore, #tpu.memory_space<semaphore_mem>>
      %dma_start3A_69 = arith.constant 0 : i32
      %dma_start3A_70 = tpu.memref_slice %arg4[%add3A_9, %dma_start3A_69] : memref<2560x128xi32, #tpu.memory_space<hbm>> -> memref<40x128xi32, #tpu.memory_space<hbm>>
      %dma_start3A_71 = arith.constant 0 : i32
      %dma_start3A_72 = tpu.memref_slice %arg4[%add3A_9, %dma_start3A_71] : memref<2560x128xi32, #tpu.memory_space<hbm>> -> memref<40x128xi32, #tpu.memory_space<hbm>>
      tpu.enqueue_dma source(%dma_start3A_72 : memref<40x128xi32, #tpu.memory_space<hbm>>) target(%arg8 : memref<40x128xi32, #tpu.memory_space<vmem>>) target_semaphore(%run_scoped3A : memref<!tpu.dma_semaphore, #tpu.memory_space<semaphore_mem>>)
      %dma_wait3A_73 = arith.constant 0 : i32
      %dma_wait3A_74 = tpu.memref_slice %arg4[%add3A_9, %dma_wait3A_73] : memref<2560x128xi32, #tpu.memory_space<hbm>> -> memref<40x128xi32, #tpu.memory_space<hbm>>
      %dma_wait3A_75 = arith.constant 0 : i32
      %dma_wait3A_76 = tpu.memref_slice %arg4[%add3A_9, %dma_wait3A_75] : memref<2560x128xi32, #tpu.memory_space<hbm>> -> memref<40x128xi32, #tpu.memory_space<hbm>>
      tpu.wait_dma2 semaphore(%run_scoped3A : memref<!tpu.dma_semaphore, #tpu.memory_space<semaphore_mem>>) src(%dma_wait3A_76 : memref<40x128xi32, #tpu.memory_space<hbm>>) dst(%arg8 : memref<40x128xi32, #tpu.memory_space<vmem>>)
      tpu.yield
    }) : () -> ()
    %dma_wait3A = arith.constant 0 : i32
    %dma_wait3A_10 = tpu.memref_slice %arg11[%mul3A_2, %dma_wait3A] : memref<10112x128xf32, #tpu.memory_space<vmem_shared>> -> memref<632x128xf32, #tpu.memory_space<vmem_shared>>
    %dma_wait3A_11 = arith.constant 0 : i32
    %dma_wait3A_12 = tpu.memref_slice %arg5[%mul3A_2, %dma_wait3A_11] : memref<10112x128xf32, #tpu.memory_space<hbm>> -> memref<632x128xf32, #tpu.memory_space<hbm>>
    tpu.wait_dma2 semaphore(%arg12 : memref<!tpu.dma_semaphore, #tpu.memory_space<semaphore_mem>>) src(%dma_wait3A_12 : memref<632x128xf32, #tpu.memory_space<hbm>>) dst(%dma_wait3A_10 : memref<632x128xf32, #tpu.memory_space<vmem_shared>>)
    %barrier3A = arith.constant 0 : index
    tpu.barrier barrier_id(%barrier3A)
    %dma_start3A_13 = arith.constant 0 : i32
    %dma_start3A_14 = arith.constant 0 : i32
    %dma_start3A_15 = tpu.memref_slice %arg7[%dma_start3A_13, %dma_start3A_14] : memref<40x128xi32, #tpu.memory_space<vmem>> -> memref<1x128xi32, #tpu.memory_space<vmem>>
    %dma_start3A_16 = tpu.memref_squeeze %dma_start3A_15 : memref<1x128xi32, #tpu.memory_space<vmem>> -> memref<128xi32, #tpu.memory_space<vmem>>
    %dma_start3A_17 = arith.constant 0 : i32
    %dma_start3A_18 = arith.constant 0 : i32
    %dma_start3A_19 = tpu.memref_slice %arg2[%dma_start3A_17, %dma_start3A_18] : memref<10000x128xf32, #tpu.memory_space<hbm>> -> memref<10000x128xf32, #tpu.memory_space<hbm>>
    tpu.enqueue_indirect_dma source(%dma_start3A_19 : memref<10000x128xf32, #tpu.memory_space<hbm>>) target(%arg9 : memref<128x128xf32, #tpu.memory_space<vmem>>) offsets(%dma_start3A_16 : memref<128xi32, #tpu.memory_space<vmem>>) semaphore(%arg13 : memref<!tpu.dma_semaphore, #tpu.memory_space<semaphore_mem>>)
    %scan3A = arith.constant 0 : i32
    %scan3A_20 = arith.constant 20 : i32
    %scan3A_21 = arith.addi %scan3A, %scan3A_20 : i32
    %scan3A_22 = arith.constant 1 : i32
    scf.for %scan3A_69 = %scan3A to %scan3A_21 step %scan3A_22  : i32 {
      %mul3A_70 = arith.constant 2 : i32
      %mul3A_71 = arith.muli %scan3A_69, %mul3A_70 : i32
      %add3A_72 = arith.constant 0 : i32
      %add3A_73 = arith.addi %add3A_72, %mul3A_71 : i32
      %dma_wait3A_74 = arith.constant 0 : i32
      %dma_wait3A_75 = tpu.memref_slice %arg7[%add3A_73, %dma_wait3A_74] : memref<40x128xi32, #tpu.memory_space<vmem>> -> memref<1x128xi32, #tpu.memory_space<vmem>>
      %dma_wait3A_76 = tpu.memref_squeeze %dma_wait3A_75 : memref<1x128xi32, #tpu.memory_space<vmem>> -> memref<128xi32, #tpu.memory_space<vmem>>
      %dma_wait3A_77 = arith.constant 0 : i32
      %dma_wait3A_78 = arith.constant 0 : i32
      %dma_wait3A_79 = tpu.memref_slice %arg2[%dma_wait3A_77, %dma_wait3A_78] : memref<10000x128xf32, #tpu.memory_space<hbm>> -> memref<10000x128xf32, #tpu.memory_space<hbm>>
      tpu.wait_indirect_dma semaphore(%arg13 : memref<!tpu.dma_semaphore, #tpu.memory_space<semaphore_mem>>) src(%dma_wait3A_79 : memref<10000x128xf32, #tpu.memory_space<hbm>>) dst(%arg9 : memref<128x128xf32, #tpu.memory_space<vmem>>)
      %gt3A = arith.constant 0 : i32
      %gt3A_80 = arith.cmpi sgt, %add3A_73, %gt3A : i32
      %convert_element_type3A = arith.extui %gt3A_80 : i1 to i32
      %cond3A = arith.constant 0 : i32
      %cond3A_81 = arith.cmpi ne, %convert_element_type3A, %cond3A : i32
      scf.if %cond3A_81 {
        %dma_wait3A_116 = arith.constant 0 : i32
        %dma_wait3A_117 = tpu.memref_slice %arg8[%add3A_73, %dma_wait3A_116] : memref<40x128xi32, #tpu.memory_space<vmem>> -> memref<1x128xi32, #tpu.memory_space<vmem>>
        %dma_wait3A_118 = tpu.memref_squeeze %dma_wait3A_117 : memref<1x128xi32, #tpu.memory_space<vmem>> -> memref<128xi32, #tpu.memory_space<vmem>>
        %dma_wait3A_119 = arith.constant 0 : i32
        %dma_wait3A_120 = arith.constant 0 : i32
        %dma_wait3A_121 = tpu.memref_slice %arg11[%dma_wait3A_119, %dma_wait3A_120] : memref<10112x128xf32, #tpu.memory_space<vmem_shared>> -> memref<10112x128xf32, #tpu.memory_space<vmem_shared>>
        tpu.wait_indirect_dma semaphore(%arg16 : memref<!tpu.dma_semaphore, #tpu.memory_space<semaphore_mem>>) src(%arg10 : memref<128x128xf32, #tpu.memory_space<vmem>>) dst(%dma_wait3A_121 : memref<10112x128xf32, #tpu.memory_space<vmem_shared>>)
      } else {
      }
      %add3A_82 = arith.constant 1 : i32
      %add3A_83 = arith.addi %add3A_73, %add3A_82 : i32
      %dma_start3A_84 = arith.constant 0 : i32
      %dma_start3A_85 = tpu.memref_slice %arg7[%add3A_83, %dma_start3A_84] : memref<40x128xi32, #tpu.memory_space<vmem>> -> memref<1x128xi32, #tpu.memory_space<vmem>>
      %dma_start3A_86 = tpu.memref_squeeze %dma_start3A_85 : memref<1x128xi32, #tpu.memory_space<vmem>> -> memref<128xi32, #tpu.memory_space<vmem>>
      %dma_start3A_87 = arith.constant 0 : i32
      %dma_start3A_88 = arith.constant 0 : i32
      %dma_start3A_89 = tpu.memref_slice %arg2[%dma_start3A_87, %dma_start3A_88] : memref<10000x128xf32, #tpu.memory_space<hbm>> -> memref<10000x128xf32, #tpu.memory_space<hbm>>
      tpu.enqueue_indirect_dma source(%dma_start3A_89 : memref<10000x128xf32, #tpu.memory_space<hbm>>) target(%arg10 : memref<128x128xf32, #tpu.memory_space<vmem>>) offsets(%dma_start3A_86 : memref<128xi32, #tpu.memory_space<vmem>>) semaphore(%arg14 : memref<!tpu.dma_semaphore, #tpu.memory_space<semaphore_mem>>)
      %dma_start3A_90 = arith.constant 0 : i32
      %dma_start3A_91 = tpu.memref_slice %arg8[%add3A_73, %dma_start3A_90] : memref<40x128xi32, #tpu.memory_space<vmem>> -> memref<1x128xi32, #tpu.memory_space<vmem>>
      %dma_start3A_92 = tpu.memref_squeeze %dma_start3A_91 : memref<1x128xi32, #tpu.memory_space<vmem>> -> memref<128xi32, #tpu.memory_space<vmem>>
      %dma_start3A_93 = arith.constant 0 : i32
      %dma_start3A_94 = arith.constant 0 : i32
      %dma_start3A_95 = tpu.memref_slice %arg11[%dma_start3A_93, %dma_start3A_94] : memref<10112x128xf32, #tpu.memory_space<vmem_shared>> -> memref<10112x128xf32, #tpu.memory_space<vmem_shared>>
      tpu.enqueue_indirect_dma source(%arg9 : memref<128x128xf32, #tpu.memory_space<vmem>>) target(%dma_start3A_95 : memref<10112x128xf32, #tpu.memory_space<vmem_shared>>) offsets(%dma_start3A_92 : memref<128xi32, #tpu.memory_space<vmem>>) semaphore(%arg15 : memref<!tpu.dma_semaphore, #tpu.memory_space<semaphore_mem>>) {add = true}
      %dma_wait3A_96 = arith.constant 0 : i32
      %dma_wait3A_97 = tpu.memref_slice %arg7[%add3A_83, %dma_wait3A_96] : memref<40x128xi32, #tpu.memory_space<vmem>> -> memref<1x128xi32, #tpu.memory_space<vmem>>
      %dma_wait3A_98 = tpu.memref_squeeze %dma_wait3A_97 : memref<1x128xi32, #tpu.memory_space<vmem>> -> memref<128xi32, #tpu.memory_space<vmem>>
      %dma_wait3A_99 = arith.constant 0 : i32
      %dma_wait3A_100 = arith.constant 0 : i32
      %dma_wait3A_101 = tpu.memref_slice %arg2[%dma_wait3A_99, %dma_wait3A_100] : memref<10000x128xf32, #tpu.memory_space<hbm>> -> memref<10000x128xf32, #tpu.memory_space<hbm>>
      tpu.wait_indirect_dma semaphore(%arg14 : memref<!tpu.dma_semaphore, #tpu.memory_space<semaphore_mem>>) src(%dma_wait3A_101 : memref<10000x128xf32, #tpu.memory_space<hbm>>) dst(%arg10 : memref<128x128xf32, #tpu.memory_space<vmem>>)
      %add3A_102 = arith.constant 1 : i32
      %add3A_103 = arith.addi %add3A_73, %add3A_102 : i32
      %dma_start3A_104 = arith.constant 0 : i32
      %dma_start3A_105 = tpu.memref_slice %arg8[%add3A_103, %dma_start3A_104] : memref<40x128xi32, #tpu.memory_space<vmem>> -> memref<1x128xi32, #tpu.memory_space<vmem>>
      %dma_start3A_106 = tpu.memref_squeeze %dma_start3A_105 : memref<1x128xi32, #tpu.memory_space<vmem>> -> memref<128xi32, #tpu.memory_space<vmem>>
      %dma_start3A_107 = arith.constant 0 : i32
      %dma_start3A_108 = arith.constant 0 : i32
      %dma_start3A_109 = tpu.memref_slice %arg11[%dma_start3A_107, %dma_start3A_108] : memref<10112x128xf32, #tpu.memory_space<vmem_shared>> -> memref<10112x128xf32, #tpu.memory_space<vmem_shared>>
      tpu.enqueue_indirect_dma source(%arg10 : memref<128x128xf32, #tpu.memory_space<vmem>>) target(%dma_start3A_109 : memref<10112x128xf32, #tpu.memory_space<vmem_shared>>) offsets(%dma_start3A_106 : memref<128xi32, #tpu.memory_space<vmem>>) semaphore(%arg16 : memref<!tpu.dma_semaphore, #tpu.memory_space<semaphore_mem>>) {add = true}
      %add3A_110 = arith.constant 2 : i32
      %add3A_111 = arith.addi %add3A_73, %add3A_110 : i32
      %lt3A = arith.constant 40 : i32
      %lt3A_112 = arith.cmpi slt, %add3A_111, %lt3A : i32
      %convert_element_type3A_113 = arith.extui %lt3A_112 : i1 to i32
      %cond3A_114 = arith.constant 0 : i32
      %cond3A_115 = arith.cmpi ne, %convert_element_type3A_113, %cond3A_114 : i32
      scf.if %cond3A_115 {
        %dma_wait3A_116 = arith.constant 0 : i32
        %dma_wait3A_117 = tpu.memref_slice %arg8[%add3A_73, %dma_wait3A_116] : memref<40x128xi32, #tpu.memory_space<vmem>> -> memref<1x128xi32, #tpu.memory_space<vmem>>
        %dma_wait3A_118 = tpu.memref_squeeze %dma_wait3A_117 : memref<1x128xi32, #tpu.memory_space<vmem>> -> memref<128xi32, #tpu.memory_space<vmem>>
        %dma_wait3A_119 = arith.constant 0 : i32
        %dma_wait3A_120 = arith.constant 0 : i32
        %dma_wait3A_121 = tpu.memref_slice %arg11[%dma_wait3A_119, %dma_wait3A_120] : memref<10112x128xf32, #tpu.memory_space<vmem_shared>> -> memref<10112x128xf32, #tpu.memory_space<vmem_shared>>
        tpu.wait_indirect_dma semaphore(%arg15 : memref<!tpu.dma_semaphore, #tpu.memory_space<semaphore_mem>>) src(%arg9 : memref<128x128xf32, #tpu.memory_space<vmem>>) dst(%dma_wait3A_121 : memref<10112x128xf32, #tpu.memory_space<vmem_shared>>)
        %add3A_122 = arith.constant 2 : i32
        %add3A_123 = arith.addi %add3A_73, %add3A_122 : i32
        %dma_start3A_124 = arith.constant 0 : i32
        %dma_start3A_125 = tpu.memref_slice %arg7[%add3A_123, %dma_start3A_124] : memref<40x128xi32, #tpu.memory_space<vmem>> -> memref<1x128xi32, #tpu.memory_space<vmem>>
        %dma_start3A_126 = tpu.memref_squeeze %dma_start3A_125 : memref<1x128xi32, #tpu.memory_space<vmem>> -> memref<128xi32, #tpu.memory_space<vmem>>
        %dma_start3A_127 = arith.constant 0 : i32
        %dma_start3A_128 = arith.constant 0 : i32
        %dma_start3A_129 = tpu.memref_slice %arg2[%dma_start3A_127, %dma_start3A_128] : memref<10000x128xf32, #tpu.memory_space<hbm>> -> memref<10000x128xf32, #tpu.memory_space<hbm>>
        tpu.enqueue_indirect_dma source(%dma_start3A_129 : memref<10000x128xf32, #tpu.memory_space<hbm>>) target(%arg9 : memref<128x128xf32, #tpu.memory_space<vmem>>) offsets(%dma_start3A_126 : memref<128xi32, #tpu.memory_space<vmem>>) semaphore(%arg13 : memref<!tpu.dma_semaphore, #tpu.memory_space<semaphore_mem>>)
      } else {
      }
    }
    %scan3A_23 = arith.constant 20 : i32
    %dma_wait3A_24 = arith.constant 0 : i32
    %dma_wait3A_25 = arith.constant 0 : i32
    %dma_wait3A_26 = tpu.memref_slice %arg8[%dma_wait3A_24, %dma_wait3A_25] : memref<40x128xi32, #tpu.memory_space<vmem>> -> memref<1x128xi32, #tpu.memory_space<vmem>>
    %dma_wait3A_27 = tpu.memref_squeeze %dma_wait3A_26 : memref<1x128xi32, #tpu.memory_space<vmem>> -> memref<128xi32, #tpu.memory_space<vmem>>
    %dma_wait3A_28 = arith.constant 0 : i32
    %dma_wait3A_29 = arith.constant 0 : i32
    %dma_wait3A_30 = tpu.memref_slice %arg11[%dma_wait3A_28, %dma_wait3A_29] : memref<10112x128xf32, #tpu.memory_space<vmem_shared>> -> memref<10112x128xf32, #tpu.memory_space<vmem_shared>>
    tpu.wait_indirect_dma semaphore(%arg15 : memref<!tpu.dma_semaphore, #tpu.memory_space<semaphore_mem>>) src(%arg9 : memref<128x128xf32, #tpu.memory_space<vmem>>) dst(%dma_wait3A_30 : memref<10112x128xf32, #tpu.memory_space<vmem_shared>>)
    %dma_wait3A_31 = arith.constant 0 : i32
    %dma_wait3A_32 = arith.constant 0 : i32
    %dma_wait3A_33 = tpu.memref_slice %arg8[%dma_wait3A_31, %dma_wait3A_32] : memref<40x128xi32, #tpu.memory_space<vmem>> -> memref<1x128xi32, #tpu.memory_space<vmem>>
    %dma_wait3A_34 = tpu.memref_squeeze %dma_wait3A_33 : memref<1x128xi32, #tpu.memory_space<vmem>> -> memref<128xi32, #tpu.memory_space<vmem>>
    %dma_wait3A_35 = arith.constant 0 : i32
    %dma_wait3A_36 = arith.constant 0 : i32
    %dma_wait3A_37 = tpu.memref_slice %arg11[%dma_wait3A_35, %dma_wait3A_36] : memref<10112x128xf32, #tpu.memory_space<vmem_shared>> -> memref<10112x128xf32, #tpu.memory_space<vmem_shared>>
    tpu.wait_indirect_dma semaphore(%arg16 : memref<!tpu.dma_semaphore, #tpu.memory_space<semaphore_mem>>) src(%arg10 : memref<128x128xf32, #tpu.memory_space<vmem>>) dst(%dma_wait3A_37 : memref<10112x128xf32, #tpu.memory_space<vmem_shared>>)
    %mul3A_38 = arith.constant 80 : i32
    %mul3A_39 = arith.muli %add3A, %mul3A_38 : i32
    %add3A_40 = arith.constant 40 : i32
    %add3A_41 = arith.addi %mul3A_39, %add3A_40 : i32
    "tpu.region"() ({
      %run_scoped3A = tpu.sem_alloc : memref<!tpu.dma_semaphore, #tpu.memory_space<semaphore_mem>>
      %dma_start3A_69 = arith.constant 0 : i32
      %dma_start3A_70 = tpu.memref_slice %arg3[%add3A_41, %dma_start3A_69] : memref<2560x128xi32, #tpu.memory_space<hbm>> -> memref<40x128xi32, #tpu.memory_space<hbm>>
      %dma_start3A_71 = arith.constant 0 : i32
      %dma_start3A_72 = tpu.memref_slice %arg3[%add3A_41, %dma_start3A_71] : memref<2560x128xi32, #tpu.memory_space<hbm>> -> memref<40x128xi32, #tpu.memory_space<hbm>>
      tpu.enqueue_dma source(%dma_start3A_72 : memref<40x128xi32, #tpu.memory_space<hbm>>) target(%arg7 : memref<40x128xi32, #tpu.memory_space<vmem>>) target_semaphore(%run_scoped3A : memref<!tpu.dma_semaphore, #tpu.memory_space<semaphore_mem>>)
      %dma_wait3A_73 = arith.constant 0 : i32
      %dma_wait3A_74 = tpu.memref_slice %arg3[%add3A_41, %dma_wait3A_73] : memref<2560x128xi32, #tpu.memory_space<hbm>> -> memref<40x128xi32, #tpu.memory_space<hbm>>
      %dma_wait3A_75 = arith.constant 0 : i32
      %dma_wait3A_76 = tpu.memref_slice %arg3[%add3A_41, %dma_wait3A_75] : memref<2560x128xi32, #tpu.memory_space<hbm>> -> memref<40x128xi32, #tpu.memory_space<hbm>>
      tpu.wait_dma2 semaphore(%run_scoped3A : memref<!tpu.dma_semaphore, #tpu.memory_space<semaphore_mem>>) src(%dma_wait3A_76 : memref<40x128xi32, #tpu.memory_space<hbm>>) dst(%arg7 : memref<40x128xi32, #tpu.memory_space<vmem>>)
      tpu.yield
    }) : () -> ()
    "tpu.region"() ({
      %run_scoped3A = tpu.sem_alloc : memref<!tpu.dma_semaphore, #tpu.memory_space<semaphore_mem>>
      %dma_start3A_69 = arith.constant 0 : i32
      %dma_start3A_70 = tpu.memref_slice %arg4[%add3A_41, %dma_start3A_69] : memref<2560x128xi32, #tpu.memory_space<hbm>> -> memref<40x128xi32, #tpu.memory_space<hbm>>
      %dma_start3A_71 = arith.constant 0 : i32
      %dma_start3A_72 = tpu.memref_slice %arg4[%add3A_41, %dma_start3A_71] : memref<2560x128xi32, #tpu.memory_space<hbm>> -> memref<40x128xi32, #tpu.memory_space<hbm>>
      tpu.enqueue_dma source(%dma_start3A_72 : memref<40x128xi32, #tpu.memory_space<hbm>>) target(%arg8 : memref<40x128xi32, #tpu.memory_space<vmem>>) target_semaphore(%run_scoped3A : memref<!tpu.dma_semaphore, #tpu.memory_space<semaphore_mem>>)
      %dma_wait3A_73 = arith.constant 0 : i32
      %dma_wait3A_74 = tpu.memref_slice %arg4[%add3A_41, %dma_wait3A_73] : memref<2560x128xi32, #tpu.memory_space<hbm>> -> memref<40x128xi32, #tpu.memory_space<hbm>>
      %dma_wait3A_75 = arith.constant 0 : i32
      %dma_wait3A_76 = tpu.memref_slice %arg4[%add3A_41, %dma_wait3A_75] : memref<2560x128xi32, #tpu.memory_space<hbm>> -> memref<40x128xi32, #tpu.memory_space<hbm>>
      tpu.wait_dma2 semaphore(%run_scoped3A : memref<!tpu.dma_semaphore, #tpu.memory_space<semaphore_mem>>) src(%dma_wait3A_76 : memref<40x128xi32, #tpu.memory_space<hbm>>) dst(%arg8 : memref<40x128xi32, #tpu.memory_space<vmem>>)
      tpu.yield
    }) : () -> ()
    %dma_start3A_42 = arith.constant 0 : i32
    %dma_start3A_43 = arith.constant 0 : i32
    %dma_start3A_44 = tpu.memref_slice %arg7[%dma_start3A_42, %dma_start3A_43] : memref<40x128xi32, #tpu.memory_space<vmem>> -> memref<1x128xi32, #tpu.memory_space<vmem>>
    %dma_start3A_45 = tpu.memref_squeeze %dma_start3A_44 : memref<1x128xi32, #tpu.memory_space<vmem>> -> memref<128xi32, #tpu.memory_space<vmem>>
    %dma_start3A_46 = arith.constant 0 : i32
    %dma_start3A_47 = arith.constant 0 : i32
    %dma_start3A_48 = tpu.memref_slice %arg2[%dma_start3A_46, %dma_start3A_47] : memref<10000x128xf32, #tpu.memory_space<hbm>> -> memref<10000x128xf32, #tpu.memory_space<hbm>>
    tpu.enqueue_indirect_dma source(%dma_start3A_48 : memref<10000x128xf32, #tpu.memory_space<hbm>>) target(%arg9 : memref<128x128xf32, #tpu.memory_space<vmem>>) offsets(%dma_start3A_45 : memref<128xi32, #tpu.memory_space<vmem>>) semaphore(%arg13 : memref<!tpu.dma_semaphore, #tpu.memory_space<semaphore_mem>>)
    %scan3A_49 = arith.constant 0 : i32
    %scan3A_50 = arith.constant 20 : i32
    %scan3A_51 = arith.addi %scan3A_49, %scan3A_50 : i32
    %scan3A_52 = arith.constant 1 : i32
    scf.for %scan3A_69 = %scan3A_49 to %scan3A_51 step %scan3A_52  : i32 {
      %mul3A_70 = arith.constant 2 : i32
      %mul3A_71 = arith.muli %scan3A_69, %mul3A_70 : i32
      %add3A_72 = arith.constant 0 : i32
      %add3A_73 = arith.addi %add3A_72, %mul3A_71 : i32
      %dma_wait3A_74 = arith.constant 0 : i32
      %dma_wait3A_75 = tpu.memref_slice %arg7[%add3A_73, %dma_wait3A_74] : memref<40x128xi32, #tpu.memory_space<vmem>> -> memref<1x128xi32, #tpu.memory_space<vmem>>
      %dma_wait3A_76 = tpu.memref_squeeze %dma_wait3A_75 : memref<1x128xi32, #tpu.memory_space<vmem>> -> memref<128xi32, #tpu.memory_space<vmem>>
      %dma_wait3A_77 = arith.constant 0 : i32
      %dma_wait3A_78 = arith.constant 0 : i32
      %dma_wait3A_79 = tpu.memref_slice %arg2[%dma_wait3A_77, %dma_wait3A_78] : memref<10000x128xf32, #tpu.memory_space<hbm>> -> memref<10000x128xf32, #tpu.memory_space<hbm>>
      tpu.wait_indirect_dma semaphore(%arg13 : memref<!tpu.dma_semaphore, #tpu.memory_space<semaphore_mem>>) src(%dma_wait3A_79 : memref<10000x128xf32, #tpu.memory_space<hbm>>) dst(%arg9 : memref<128x128xf32, #tpu.memory_space<vmem>>)
      %gt3A = arith.constant 0 : i32
      %gt3A_80 = arith.cmpi sgt, %add3A_73, %gt3A : i32
      %convert_element_type3A = arith.extui %gt3A_80 : i1 to i32
      %cond3A = arith.constant 0 : i32
      %cond3A_81 = arith.cmpi ne, %convert_element_type3A, %cond3A : i32
      scf.if %cond3A_81 {
        %dma_wait3A_116 = arith.constant 0 : i32
        %dma_wait3A_117 = tpu.memref_slice %arg8[%add3A_73, %dma_wait3A_116] : memref<40x128xi32, #tpu.memory_space<vmem>> -> memref<1x128xi32, #tpu.memory_space<vmem>>
        %dma_wait3A_118 = tpu.memref_squeeze %dma_wait3A_117 : memref<1x128xi32, #tpu.memory_space<vmem>> -> memref<128xi32, #tpu.memory_space<vmem>>
        %dma_wait3A_119 = arith.constant 0 : i32
        %dma_wait3A_120 = arith.constant 0 : i32
        %dma_wait3A_121 = tpu.memref_slice %arg11[%dma_wait3A_119, %dma_wait3A_120] : memref<10112x128xf32, #tpu.memory_space<vmem_shared>> -> memref<10112x128xf32, #tpu.memory_space<vmem_shared>>
        tpu.wait_indirect_dma semaphore(%arg16 : memref<!tpu.dma_semaphore, #tpu.memory_space<semaphore_mem>>) src(%arg10 : memref<128x128xf32, #tpu.memory_space<vmem>>) dst(%dma_wait3A_121 : memref<10112x128xf32, #tpu.memory_space<vmem_shared>>)
      } else {
      }
      %add3A_82 = arith.constant 1 : i32
      %add3A_83 = arith.addi %add3A_73, %add3A_82 : i32
      %dma_start3A_84 = arith.constant 0 : i32
      %dma_start3A_85 = tpu.memref_slice %arg7[%add3A_83, %dma_start3A_84] : memref<40x128xi32, #tpu.memory_space<vmem>> -> memref<1x128xi32, #tpu.memory_space<vmem>>
      %dma_start3A_86 = tpu.memref_squeeze %dma_start3A_85 : memref<1x128xi32, #tpu.memory_space<vmem>> -> memref<128xi32, #tpu.memory_space<vmem>>
      %dma_start3A_87 = arith.constant 0 : i32
      %dma_start3A_88 = arith.constant 0 : i32
      %dma_start3A_89 = tpu.memref_slice %arg2[%dma_start3A_87, %dma_start3A_88] : memref<10000x128xf32, #tpu.memory_space<hbm>> -> memref<10000x128xf32, #tpu.memory_space<hbm>>
      tpu.enqueue_indirect_dma source(%dma_start3A_89 : memref<10000x128xf32, #tpu.memory_space<hbm>>) target(%arg10 : memref<128x128xf32, #tpu.memory_space<vmem>>) offsets(%dma_start3A_86 : memref<128xi32, #tpu.memory_space<vmem>>) semaphore(%arg14 : memref<!tpu.dma_semaphore, #tpu.memory_space<semaphore_mem>>)
      %dma_start3A_90 = arith.constant 0 : i32
      %dma_start3A_91 = tpu.memref_slice %arg8[%add3A_73, %dma_start3A_90] : memref<40x128xi32, #tpu.memory_space<vmem>> -> memref<1x128xi32, #tpu.memory_space<vmem>>
      %dma_start3A_92 = tpu.memref_squeeze %dma_start3A_91 : memref<1x128xi32, #tpu.memory_space<vmem>> -> memref<128xi32, #tpu.memory_space<vmem>>
      %dma_start3A_93 = arith.constant 0 : i32
      %dma_start3A_94 = arith.constant 0 : i32
      %dma_start3A_95 = tpu.memref_slice %arg11[%dma_start3A_93, %dma_start3A_94] : memref<10112x128xf32, #tpu.memory_space<vmem_shared>> -> memref<10112x128xf32, #tpu.memory_space<vmem_shared>>
      tpu.enqueue_indirect_dma source(%arg9 : memref<128x128xf32, #tpu.memory_space<vmem>>) target(%dma_start3A_95 : memref<10112x128xf32, #tpu.memory_space<vmem_shared>>) offsets(%dma_start3A_92 : memref<128xi32, #tpu.memory_space<vmem>>) semaphore(%arg15 : memref<!tpu.dma_semaphore, #tpu.memory_space<semaphore_mem>>) {add = true}
      %dma_wait3A_96 = arith.constant 0 : i32
      %dma_wait3A_97 = tpu.memref_slice %arg7[%add3A_83, %dma_wait3A_96] : memref<40x128xi32, #tpu.memory_space<vmem>> -> memref<1x128xi32, #tpu.memory_space<vmem>>
      %dma_wait3A_98 = tpu.memref_squeeze %dma_wait3A_97 : memref<1x128xi32, #tpu.memory_space<vmem>> -> memref<128xi32, #tpu.memory_space<vmem>>
      %dma_wait3A_99 = arith.constant 0 : i32
      %dma_wait3A_100 = arith.constant 0 : i32
      %dma_wait3A_101 = tpu.memref_slice %arg2[%dma_wait3A_99, %dma_wait3A_100] : memref<10000x128xf32, #tpu.memory_space<hbm>> -> memref<10000x128xf32, #tpu.memory_space<hbm>>
      tpu.wait_indirect_dma semaphore(%arg14 : memref<!tpu.dma_semaphore, #tpu.memory_space<semaphore_mem>>) src(%dma_wait3A_101 : memref<10000x128xf32, #tpu.memory_space<hbm>>) dst(%arg10 : memref<128x128xf32, #tpu.memory_space<vmem>>)
      %add3A_102 = arith.constant 1 : i32
      %add3A_103 = arith.addi %add3A_73, %add3A_102 : i32
      %dma_start3A_104 = arith.constant 0 : i32
      %dma_start3A_105 = tpu.memref_slice %arg8[%add3A_103, %dma_start3A_104] : memref<40x128xi32, #tpu.memory_space<vmem>> -> memref<1x128xi32, #tpu.memory_space<vmem>>
      %dma_start3A_106 = tpu.memref_squeeze %dma_start3A_105 : memref<1x128xi32, #tpu.memory_space<vmem>> -> memref<128xi32, #tpu.memory_space<vmem>>
      %dma_start3A_107 = arith.constant 0 : i32
      %dma_start3A_108 = arith.constant 0 : i32
      %dma_start3A_109 = tpu.memref_slice %arg11[%dma_start3A_107, %dma_start3A_108] : memref<10112x128xf32, #tpu.memory_space<vmem_shared>> -> memref<10112x128xf32, #tpu.memory_space<vmem_shared>>
      tpu.enqueue_indirect_dma source(%arg10 : memref<128x128xf32, #tpu.memory_space<vmem>>) target(%dma_start3A_109 : memref<10112x128xf32, #tpu.memory_space<vmem_shared>>) offsets(%dma_start3A_106 : memref<128xi32, #tpu.memory_space<vmem>>) semaphore(%arg16 : memref<!tpu.dma_semaphore, #tpu.memory_space<semaphore_mem>>) {add = true}
      %add3A_110 = arith.constant 2 : i32
      %add3A_111 = arith.addi %add3A_73, %add3A_110 : i32
      %lt3A = arith.constant 40 : i32
      %lt3A_112 = arith.cmpi slt, %add3A_111, %lt3A : i32
      %convert_element_type3A_113 = arith.extui %lt3A_112 : i1 to i32
      %cond3A_114 = arith.constant 0 : i32
      %cond3A_115 = arith.cmpi ne, %convert_element_type3A_113, %cond3A_114 : i32
      scf.if %cond3A_115 {
        %dma_wait3A_116 = arith.constant 0 : i32
        %dma_wait3A_117 = tpu.memref_slice %arg8[%add3A_73, %dma_wait3A_116] : memref<40x128xi32, #tpu.memory_space<vmem>> -> memref<1x128xi32, #tpu.memory_space<vmem>>
        %dma_wait3A_118 = tpu.memref_squeeze %dma_wait3A_117 : memref<1x128xi32, #tpu.memory_space<vmem>> -> memref<128xi32, #tpu.memory_space<vmem>>
        %dma_wait3A_119 = arith.constant 0 : i32
        %dma_wait3A_120 = arith.constant 0 : i32
        %dma_wait3A_121 = tpu.memref_slice %arg11[%dma_wait3A_119, %dma_wait3A_120] : memref<10112x128xf32, #tpu.memory_space<vmem_shared>> -> memref<10112x128xf32, #tpu.memory_space<vmem_shared>>
        tpu.wait_indirect_dma semaphore(%arg15 : memref<!tpu.dma_semaphore, #tpu.memory_space<semaphore_mem>>) src(%arg9 : memref<128x128xf32, #tpu.memory_space<vmem>>) dst(%dma_wait3A_121 : memref<10112x128xf32, #tpu.memory_space<vmem_shared>>)
        %add3A_122 = arith.constant 2 : i32
        %add3A_123 = arith.addi %add3A_73, %add3A_122 : i32
        %dma_start3A_124 = arith.constant 0 : i32
        %dma_start3A_125 = tpu.memref_slice %arg7[%add3A_123, %dma_start3A_124] : memref<40x128xi32, #tpu.memory_space<vmem>> -> memref<1x128xi32, #tpu.memory_space<vmem>>
        %dma_start3A_126 = tpu.memref_squeeze %dma_start3A_125 : memref<1x128xi32, #tpu.memory_space<vmem>> -> memref<128xi32, #tpu.memory_space<vmem>>
        %dma_start3A_127 = arith.constant 0 : i32
        %dma_start3A_128 = arith.constant 0 : i32
        %dma_start3A_129 = tpu.memref_slice %arg2[%dma_start3A_127, %dma_start3A_128] : memref<10000x128xf32, #tpu.memory_space<hbm>> -> memref<10000x128xf32, #tpu.memory_space<hbm>>
        tpu.enqueue_indirect_dma source(%dma_start3A_129 : memref<10000x128xf32, #tpu.memory_space<hbm>>) target(%arg9 : memref<128x128xf32, #tpu.memory_space<vmem>>) offsets(%dma_start3A_126 : memref<128xi32, #tpu.memory_space<vmem>>) semaphore(%arg13 : memref<!tpu.dma_semaphore, #tpu.memory_space<semaphore_mem>>)
      } else {
      }
    }
    %scan3A_53 = arith.constant 20 : i32
    %dma_wait3A_54 = arith.constant 0 : i32
    %dma_wait3A_55 = arith.constant 0 : i32
    %dma_wait3A_56 = tpu.memref_slice %arg8[%dma_wait3A_54, %dma_wait3A_55] : memref<40x128xi32, #tpu.memory_space<vmem>> -> memref<1x128xi32, #tpu.memory_space<vmem>>
    %dma_wait3A_57 = tpu.memref_squeeze %dma_wait3A_56 : memref<1x128xi32, #tpu.memory_space<vmem>> -> memref<128xi32, #tpu.memory_space<vmem>>
    %dma_wait3A_58 = arith.constant 0 : i32
    %dma_wait3A_59 = arith.constant 0 : i32
    %dma_wait3A_60 = tpu.memref_slice %arg11[%dma_wait3A_58, %dma_wait3A_59] : memref<10112x128xf32, #tpu.memory_space<vmem_shared>> -> memref<10112x128xf32, #tpu.memory_space<vmem_shared>>
    tpu.wait_indirect_dma semaphore(%arg15 : memref<!tpu.dma_semaphore, #tpu.memory_space<semaphore_mem>>) src(%arg9 : memref<128x128xf32, #tpu.memory_space<vmem>>) dst(%dma_wait3A_60 : memref<10112x128xf32, #tpu.memory_space<vmem_shared>>)
    %dma_wait3A_61 = arith.constant 0 : i32
    %dma_wait3A_62 = arith.constant 0 : i32
    %dma_wait3A_63 = tpu.memref_slice %arg8[%dma_wait3A_61, %dma_wait3A_62] : memref<40x128xi32, #tpu.memory_space<vmem>> -> memref<1x128xi32, #tpu.memory_space<vmem>>
    %dma_wait3A_64 = tpu.memref_squeeze %dma_wait3A_63 : memref<1x128xi32, #tpu.memory_space<vmem>> -> memref<128xi32, #tpu.memory_space<vmem>>
    %dma_wait3A_65 = arith.constant 0 : i32
    %dma_wait3A_66 = arith.constant 0 : i32
    %dma_wait3A_67 = tpu.memref_slice %arg11[%dma_wait3A_65, %dma_wait3A_66] : memref<10112x128xf32, #tpu.memory_space<vmem_shared>> -> memref<10112x128xf32, #tpu.memory_space<vmem_shared>>
    tpu.wait_indirect_dma semaphore(%arg16 : memref<!tpu.dma_semaphore, #tpu.memory_space<semaphore_mem>>) src(%arg10 : memref<128x128xf32, #tpu.memory_space<vmem>>) dst(%dma_wait3A_67 : memref<10112x128xf32, #tpu.memory_space<vmem_shared>>)
    %barrier3A_68 = arith.constant 0 : index
    tpu.barrier barrier_id(%barrier3A_68)
    "tpu.region"() ({
      %run_scoped3A = tpu.sem_alloc : memref<!tpu.dma_semaphore, #tpu.memory_space<semaphore_mem>>
      %dma_start3A_69 = arith.constant 0 : i32
      %dma_start3A_70 = tpu.memref_slice %arg6[%arg0, %mul3A_2, %dma_start3A_69] : memref<2x10112x128xf32, #tpu.memory_space<hbm>> -> memref<1x632x128xf32, #tpu.memory_space<hbm>>
      %dma_start3A_71 = tpu.memref_squeeze %dma_start3A_70 : memref<1x632x128xf32, #tpu.memory_space<hbm>> -> memref<632x128xf32, #tpu.memory_space<hbm>>
      %dma_start3A_72 = arith.constant 0 : i32
      %dma_start3A_73 = tpu.memref_slice %arg11[%mul3A_2, %dma_start3A_72] : memref<10112x128xf32, #tpu.memory_space<vmem_shared>> -> memref<632x128xf32, #tpu.memory_space<vmem_shared>>
      tpu.enqueue_dma source(%dma_start3A_73 : memref<632x128xf32, #tpu.memory_space<vmem_shared>>) target(%dma_start3A_71 : memref<632x128xf32, #tpu.memory_space<hbm>>) target_semaphore(%run_scoped3A : memref<!tpu.dma_semaphore, #tpu.memory_space<semaphore_mem>>)
      %dma_wait3A_74 = arith.constant 0 : i32
      %dma_wait3A_75 = tpu.memref_slice %arg6[%arg0, %mul3A_2, %dma_wait3A_74] : memref<2x10112x128xf32, #tpu.memory_space<hbm>> -> memref<1x632x128xf32, #tpu.memory_space<hbm>>
      %dma_wait3A_76 = tpu.memref_squeeze %dma_wait3A_75 : memref<1x632x128xf32, #tpu.memory_space<hbm>> -> memref<632x128xf32, #tpu.memory_space<hbm>>
      %dma_wait3A_77 = arith.constant 0 : i32
      %dma_wait3A_78 = tpu.memref_slice %arg11[%mul3A_2, %dma_wait3A_77] : memref<10112x128xf32, #tpu.memory_space<vmem_shared>> -> memref<632x128xf32, #tpu.memory_space<vmem_shared>>
      tpu.wait_dma2 semaphore(%run_scoped3A : memref<!tpu.dma_semaphore, #tpu.memory_space<semaphore_mem>>) src(%dma_wait3A_78 : memref<632x128xf32, #tpu.memory_space<vmem_shared>>) dst(%dma_wait3A_76 : memref<632x128xf32, #tpu.memory_space<hbm>>)
      tpu.yield
    }) : () -> ()
    return
  }
}

module attributes {stable_mosaic.version = 14 : i64} {
  func.func @_xw_body(%arg0: memref<10000x128xf32, #tpu.memory_space<vmem>>, %arg1: memref<128x128xf32, #tpu.memory_space<vmem>>, %arg2: memref<10000x128xf32, #tpu.memory_space<vmem>>) attributes {dimension_semantics = [], scalar_prefetch = 0 : i64, scratch_operands = 0 : i64, tpu.core_type = #tpu.core_type<tc>} {
    %get3A = arith.constant 0 : index
    %get3A_0 = arith.constant 0 : index
    %get3A_1 = vector.load %arg0[%get3A, %get3A_0] : memref<10000x128xf32, #tpu.memory_space<vmem>>, vector<10000x128xf32>
    %get3A_2 = arith.constant 0 : index
    %get3A_3 = arith.constant 0 : index
    %get3A_4 = vector.load %arg1[%get3A_2, %get3A_3] : memref<128x128xf32, #tpu.memory_space<vmem>>, vector<128x128xf32>
    %dot_general3A = arith.constant dense<0.000000e+00> : vector<10000x128xf32>
    %dot_general3A_5 = tpu.matmul %get3A_1, %get3A_4, %dot_general3A {dimension_numbers = #tpu.dot_dimension_numbers<[1], [0], [0], [1], [0, 0, 1, 1], [], []>, precision = #tpu.contract_precision<fp32>, transpose_lhs_hint = false} : vector<10000x128xf32>, vector<128x128xf32>, vector<10000x128xf32> -> vector<10000x128xf32>
    %swap3A = arith.constant 0 : index
    %swap3A_6 = arith.constant 0 : index
    %swap3A_7 = vector.load %arg2[%swap3A, %swap3A_6] : memref<10000x128xf32, #tpu.memory_space<vmem>>, vector<10000x128xf32>
    tpu.vector_store %arg2[%swap3A, %swap3A_6], %dot_general3A_5 {strides = array<i32>} : memref<10000x128xf32, #tpu.memory_space<vmem>>, vector<10000x128xf32>,
    return
  }
}

module attributes {stable_mosaic.version = 14 : i64} {
  func.func @_u_body(%arg0: memref<10000x128xf32, #tpu.memory_space<vmem>>, %arg1: memref<2x10112x128xf32, #tpu.memory_space<vmem>>, %arg2: memref<10000x128xf32, #tpu.memory_space<vmem>>) attributes {dimension_semantics = [], scalar_prefetch = 0 : i64, scratch_operands = 0 : i64, tpu.core_type = #tpu.core_type<tc>} {
    %get3A = arith.constant 0 : index
    %get3A_0 = arith.constant 0 : index
    %get3A_1 = arith.constant 0 : index
    %get3A_2 = vector.load %arg1[%get3A, %get3A_0, %get3A_1] : memref<2x10112x128xf32, #tpu.memory_space<vmem>>, vector<1x10000x1xf32>
    %get3A_3 = vector.shape_cast %get3A_2 : vector<1x10000x1xf32> to vector<10000xf32>
    %add3A = arith.constant 1.000000e+00 : f32
    %add3A_4 = vector.broadcast %add3A : f32 to vector<10000xf32>
    %add3A_5 = arith.addf %add3A_4, %get3A_3 : vector<10000xf32>
    %get3A_6 = arith.constant 1 : index
    %get3A_7 = arith.constant 0 : index
    %get3A_8 = arith.constant 0 : index
    %get3A_9 = vector.load %arg1[%get3A_6, %get3A_7, %get3A_8] : memref<2x10112x128xf32, #tpu.memory_space<vmem>>, vector<1x10000x1xf32>
    %get3A_10 = vector.shape_cast %get3A_9 : vector<1x10000x1xf32> to vector<10000xf32>
    %add3A_11 = arith.addf %add3A_5, %get3A_10 : vector<10000xf32>
    %rsqrt3A = math.rsqrt %add3A_11 : vector<10000xf32>
    %broadcast_in_dim3A = vector.shape_cast %rsqrt3A : vector<10000xf32> to vector<10000x1xf32>
    %get3A_12 = arith.constant 0 : index
    %get3A_13 = arith.constant 0 : index
    %get3A_14 = vector.load %arg0[%get3A_12, %get3A_13] : memref<10000x128xf32, #tpu.memory_space<vmem>>, vector<10000x128xf32>
    %mul3A = vector.broadcast %broadcast_in_dim3A : vector<10000x1xf32> to vector<10000x128xf32>
    %mul3A_15 = arith.mulf %mul3A, %get3A_14 : vector<10000x128xf32>
    %swap3A = arith.constant 0 : index
    %swap3A_16 = arith.constant 0 : index
    %swap3A_17 = vector.load %arg2[%swap3A, %swap3A_16] : memref<10000x128xf32, #tpu.memory_space<vmem>>, vector<10000x128xf32>
    tpu.vector_store %arg2[%swap3A, %swap3A_16], %mul3A_15 {strides = array<i32>} : memref<10000x128xf32, #tpu.memory_space<vmem>>, vector<10000x128xf32>,
    return
  }
}

module attributes {stable_mosaic.version = 14 : i64} {
  func.func @_z0_body(%arg0: memref<2x10112x128xf32, #tpu.memory_space<vmem>>, %arg1: memref<10000x128xf32, #tpu.memory_space<vmem>>, %arg2: memref<2x10112x128xf32, #tpu.memory_space<vmem>>, %arg3: memref<128xf32, #tpu.memory_space<vmem>>, %arg4: memref<10000x128xf32, #tpu.memory_space<vmem>>) attributes {dimension_semantics = [], scalar_prefetch = 0 : i64, scratch_operands = 0 : i64, tpu.core_type = #tpu.core_type<tc>} {
    %get3A = arith.constant 0 : index
    %get3A_0 = arith.constant 0 : index
    %get3A_1 = arith.constant 0 : index
    %get3A_2 = vector.load %arg2[%get3A, %get3A_0, %get3A_1] : memref<2x10112x128xf32, #tpu.memory_space<vmem>>, vector<1x10000x1xf32>
    %get3A_3 = vector.shape_cast %get3A_2 : vector<1x10000x1xf32> to vector<10000xf32>
    %add3A = arith.constant 1.000000e+00 : f32
    %add3A_4 = vector.broadcast %add3A : f32 to vector<10000xf32>
    %add3A_5 = arith.addf %add3A_4, %get3A_3 : vector<10000xf32>
    %get3A_6 = arith.constant 1 : index
    %get3A_7 = arith.constant 0 : index
    %get3A_8 = arith.constant 0 : index
    %get3A_9 = vector.load %arg2[%get3A_6, %get3A_7, %get3A_8] : memref<2x10112x128xf32, #tpu.memory_space<vmem>>, vector<1x10000x1xf32>
    %get3A_10 = vector.shape_cast %get3A_9 : vector<1x10000x1xf32> to vector<10000xf32>
    %add3A_11 = arith.addf %add3A_5, %get3A_10 : vector<10000xf32>
    %rsqrt3A = math.rsqrt %add3A_11 : vector<10000xf32>
    %get3A_12 = arith.constant 0 : index
    %get3A_13 = arith.constant 0 : index
    %get3A_14 = arith.constant 0 : index
    %get3A_15 = vector.load %arg0[%get3A_12, %get3A_13, %get3A_14] : memref<2x10112x128xf32, #tpu.memory_space<vmem>>, vector<1x10000x128xf32>
    %get3A_16 = vector.shape_cast %get3A_15 : vector<1x10000x128xf32> to vector<10000x128xf32>
    %get3A_17 = arith.constant 1 : index
    %get3A_18 = arith.constant 0 : index
    %get3A_19 = arith.constant 0 : index
    %get3A_20 = vector.load %arg0[%get3A_17, %get3A_18, %get3A_19] : memref<2x10112x128xf32, #tpu.memory_space<vmem>>, vector<1x10000x128xf32>
    %get3A_21 = vector.shape_cast %get3A_20 : vector<1x10000x128xf32> to vector<10000x128xf32>
    %add3A_22 = arith.addf %get3A_16, %get3A_21 : vector<10000x128xf32>
    %get3A_23 = arith.constant 0 : index
    %get3A_24 = arith.constant 0 : index
    %get3A_25 = vector.load %arg1[%get3A_23, %get3A_24] : memref<10000x128xf32, #tpu.memory_space<vmem>>, vector<10000x128xf32>
    %broadcast_in_dim3A = vector.shape_cast %rsqrt3A : vector<10000xf32> to vector<10000x1xf32>
    %mul3A = vector.broadcast %broadcast_in_dim3A : vector<10000x1xf32> to vector<10000x128xf32>
    %mul3A_26 = arith.mulf %mul3A, %add3A_22 : vector<10000x128xf32>
    %mul3A_27 = arith.mulf %rsqrt3A, %rsqrt3A : vector<10000xf32>
    %broadcast_in_dim3A_28 = vector.shape_cast %mul3A_27 : vector<10000xf32> to vector<10000x1xf32>
    %mul3A_29 = vector.broadcast %broadcast_in_dim3A_28 : vector<10000x1xf32> to vector<10000x128xf32>
    %mul3A_30 = arith.mulf %mul3A_29, %get3A_25 : vector<10000x128xf32>
    %add3A_31 = arith.addf %mul3A_26, %mul3A_30 : vector<10000x128xf32>
    %get3A_32 = arith.constant 0 : index
    %get3A_33 = vector.load %arg3[%get3A_32] : memref<128xf32, #tpu.memory_space<vmem>>, vector<128xf32>
    %broadcast_in_dim3A_34 = vector.shape_cast %get3A_33 : vector<128xf32> to vector<1x128xf32>
    %add3A_35 = vector.broadcast %broadcast_in_dim3A_34 : vector<1x128xf32> to vector<10000x128xf32>
    %add3A_36 = arith.addf %add3A_31, %add3A_35 : vector<10000x128xf32>
    %swap3A = arith.constant 0 : index
    %swap3A_37 = arith.constant 0 : index
    %swap3A_38 = vector.load %arg4[%swap3A, %swap3A_37] : memref<10000x128xf32, #tpu.memory_space<vmem>>, vector<10000x128xf32>
    tpu.vector_store %arg4[%swap3A, %swap3A_37], %add3A_36 {strides = array<i32>} : memref<10000x128xf32, #tpu.memory_space<vmem>>, vector<10000x128xf32>,
    return
  }
}

module attributes {stable_mosaic.version = 14 : i64} {
  func.func @_layer_body(%arg0: memref<2x10112x128xf32, #tpu.memory_space<vmem>>, %arg1: memref<10000x128xf32, #tpu.memory_space<vmem>>, %arg2: memref<128x128xf32, #tpu.memory_space<vmem>>, %arg3: memref<128xf32, #tpu.memory_space<vmem>>, %arg4: memref<128xf32, #tpu.memory_space<vmem>>, %arg5: memref<10000x128xf32, #tpu.memory_space<vmem>>) attributes {dimension_semantics = [], scalar_prefetch = 0 : i64, scratch_operands = 0 : i64, tpu.core_type = #tpu.core_type<tc>} {
    %get3A = arith.constant 0 : index
    %get3A_0 = arith.constant 0 : index
    %get3A_1 = arith.constant 0 : index
    %get3A_2 = vector.load %arg0[%get3A, %get3A_0, %get3A_1] : memref<2x10112x128xf32, #tpu.memory_space<vmem>>, vector<1x10000x128xf32>
    %get3A_3 = vector.shape_cast %get3A_2 : vector<1x10000x128xf32> to vector<10000x128xf32>
    %get3A_4 = arith.constant 1 : index
    %get3A_5 = arith.constant 0 : index
    %get3A_6 = arith.constant 0 : index
    %get3A_7 = vector.load %arg0[%get3A_4, %get3A_5, %get3A_6] : memref<2x10112x128xf32, #tpu.memory_space<vmem>>, vector<1x10000x128xf32>
    %get3A_8 = vector.shape_cast %get3A_7 : vector<1x10000x128xf32> to vector<10000x128xf32>
    %add3A = arith.addf %get3A_3, %get3A_8 : vector<10000x128xf32>
    %mul3A = arith.constant 0.899999976 : f32
    %mul3A_9 = vector.broadcast %mul3A : f32 to vector<10000x128xf32>
    %mul3A_10 = arith.mulf %mul3A_9, %add3A : vector<10000x128xf32>
    %get3A_11 = arith.constant 0 : index
    %get3A_12 = arith.constant 0 : index
    %get3A_13 = vector.load %arg1[%get3A_11, %get3A_12] : memref<10000x128xf32, #tpu.memory_space<vmem>>, vector<10000x128xf32>
    %mul3A_14 = arith.constant 1.000000e-01 : f32
    %mul3A_15 = vector.broadcast %mul3A_14 : f32 to vector<10000x128xf32>
    %mul3A_16 = arith.mulf %mul3A_15, %get3A_13 : vector<10000x128xf32>
    %add3A_17 = arith.addf %mul3A_10, %mul3A_16 : vector<10000x128xf32>
    %mul3A_18 = arith.constant 0.594534874 : f32
    %mul3A_19 = vector.broadcast %mul3A_18 : f32 to vector<10000x128xf32>
    %mul3A_20 = arith.mulf %mul3A_19, %add3A_17 : vector<10000x128xf32>
    %get3A_21 = arith.constant 0 : index
    %get3A_22 = arith.constant 0 : index
    %get3A_23 = vector.load %arg2[%get3A_21, %get3A_22] : memref<128x128xf32, #tpu.memory_space<vmem>>, vector<128x128xf32>
    %dot_general3A = arith.constant dense<0.000000e+00> : vector<10000x128xf32>
    %dot_general3A_24 = tpu.matmul %add3A_17, %get3A_23, %dot_general3A {dimension_numbers = #tpu.dot_dimension_numbers<[1], [0], [0], [1], [0, 0, 1, 1], [], []>, precision = #tpu.contract_precision<fp32>, transpose_lhs_hint = false} : vector<10000x128xf32>, vector<128x128xf32>, vector<10000x128xf32> -> vector<10000x128xf32>
    %mul3A_25 = arith.constant 0.405465096 : f32
    %mul3A_26 = vector.broadcast %mul3A_25 : f32 to vector<10000x128xf32>
    %mul3A_27 = arith.mulf %mul3A_26, %dot_general3A_24 : vector<10000x128xf32>
    %add3A_28 = arith.addf %mul3A_20, %mul3A_27 : vector<10000x128xf32>
    %reduce_sum3A = arith.constant dense<0.000000e+00> : vector<128xf32>
    %reduce_sum3A_29 = vector.multi_reduction <add>, %add3A_28, %reduce_sum3A [0] : vector<10000x128xf32> to vector<128xf32>
    %div3A = arith.constant 1.000000e+04 : f32
    %div3A_30 = vector.broadcast %div3A : f32 to vector<128xf32>
    %div3A_31 = arith.divf %reduce_sum3A_29, %div3A_30 : vector<128xf32>
    %mul3A_32 = arith.mulf %add3A_28, %add3A_28 : vector<10000x128xf32>
    %reduce_sum3A_33 = arith.constant dense<0.000000e+00> : vector<128xf32>
    %reduce_sum3A_34 = vector.multi_reduction <add>, %mul3A_32, %reduce_sum3A_33 [0] : vector<10000x128xf32> to vector<128xf32>
    %div3A_35 = arith.constant 1.000000e+04 : f32
    %div3A_36 = vector.broadcast %div3A_35 : f32 to vector<128xf32>
    %div3A_37 = arith.divf %reduce_sum3A_34, %div3A_36 : vector<128xf32>
    %mul3A_38 = arith.mulf %div3A_31, %div3A_31 : vector<128xf32>
    %sub3A = arith.subf %div3A_37, %mul3A_38 : vector<128xf32>
    %broadcast_in_dim3A = vector.shape_cast %div3A_31 : vector<128xf32> to vector<1x128xf32>
    %sub3A_39 = vector.broadcast %broadcast_in_dim3A : vector<1x128xf32> to vector<10000x128xf32>
    %sub3A_40 = arith.subf %add3A_28, %sub3A_39 : vector<10000x128xf32>
    %add3A_41 = arith.constant 9.99999974E-6 : f32
    %add3A_42 = vector.broadcast %add3A_41 : f32 to vector<128xf32>
    %add3A_43 = arith.addf %sub3A, %add3A_42 : vector<128xf32>
    %rsqrt3A = math.rsqrt %add3A_43 : vector<128xf32>
    %broadcast_in_dim3A_44 = vector.shape_cast %rsqrt3A : vector<128xf32> to vector<1x128xf32>
    %mul3A_45 = vector.broadcast %broadcast_in_dim3A_44 : vector<1x128xf32> to vector<10000x128xf32>
    %mul3A_46 = arith.mulf %sub3A_40, %mul3A_45 : vector<10000x128xf32>
    %get3A_47 = arith.constant 0 : index
    %get3A_48 = vector.load %arg3[%get3A_47] : memref<128xf32, #tpu.memory_space<vmem>>, vector<128xf32>
    %broadcast_in_dim3A_49 = vector.shape_cast %get3A_48 : vector<128xf32> to vector<1x128xf32>
    %mul3A_50 = vector.broadcast %broadcast_in_dim3A_49 : vector<1x128xf32> to vector<10000x128xf32>
    %mul3A_51 = arith.mulf %mul3A_46, %mul3A_50 : vector<10000x128xf32>
    %get3A_52 = arith.constant 0 : index
    %get3A_53 = vector.load %arg4[%get3A_52] : memref<128xf32, #tpu.memory_space<vmem>>, vector<128xf32>
    %broadcast_in_dim3A_54 = vector.shape_cast %get3A_53 : vector<128xf32> to vector<1x128xf32>
    %add3A_55 = vector.broadcast %broadcast_in_dim3A_54 : vector<1x128xf32> to vector<10000x128xf32>
    %add3A_56 = arith.addf %mul3A_51, %add3A_55 : vector<10000x128xf32>
    %max3A = arith.constant 0.000000e+00 : f32
    %max3A_57 = vector.broadcast %max3A : f32 to vector<10000x128xf32>
    %max3A_58 = arith.maximumf %add3A_56, %max3A_57 : vector<10000x128xf32>
    %swap3A = arith.constant 0 : index
    %swap3A_59 = arith.constant 0 : index
    %swap3A_60 = vector.load %arg5[%swap3A, %swap3A_59] : memref<10000x128xf32, #tpu.memory_space<vmem>>, vector<10000x128xf32>
    tpu.vector_store %arg5[%swap3A, %swap3A_59], %max3A_58 {strides = array<i32>} : memref<10000x128xf32, #tpu.memory_space<vmem>>, vector<10000x128xf32>,
    return
  }
}

module attributes {stable_mosaic.version = 14 : i64} {
  func.func @_layer_body(%arg0: memref<2x10112x128xf32, #tpu.memory_space<vmem>>, %arg1: memref<10000x128xf32, #tpu.memory_space<vmem>>, %arg2: memref<128x128xf32, #tpu.memory_space<vmem>>, %arg3: memref<128xf32, #tpu.memory_space<vmem>>, %arg4: memref<128xf32, #tpu.memory_space<vmem>>, %arg5: memref<10000x128xf32, #tpu.memory_space<vmem>>) attributes {dimension_semantics = [], scalar_prefetch = 0 : i64, scratch_operands = 0 : i64, tpu.core_type = #tpu.core_type<tc>} {
    %get3A = arith.constant 0 : index
    %get3A_0 = arith.constant 0 : index
    %get3A_1 = arith.constant 0 : index
    %get3A_2 = vector.load %arg0[%get3A, %get3A_0, %get3A_1] : memref<2x10112x128xf32, #tpu.memory_space<vmem>>, vector<1x10000x128xf32>
    %get3A_3 = vector.shape_cast %get3A_2 : vector<1x10000x128xf32> to vector<10000x128xf32>
    %get3A_4 = arith.constant 1 : index
    %get3A_5 = arith.constant 0 : index
    %get3A_6 = arith.constant 0 : index
    %get3A_7 = vector.load %arg0[%get3A_4, %get3A_5, %get3A_6] : memref<2x10112x128xf32, #tpu.memory_space<vmem>>, vector<1x10000x128xf32>
    %get3A_8 = vector.shape_cast %get3A_7 : vector<1x10000x128xf32> to vector<10000x128xf32>
    %add3A = arith.addf %get3A_3, %get3A_8 : vector<10000x128xf32>
    %mul3A = arith.constant 0.899999976 : f32
    %mul3A_9 = vector.broadcast %mul3A : f32 to vector<10000x128xf32>
    %mul3A_10 = arith.mulf %mul3A_9, %add3A : vector<10000x128xf32>
    %get3A_11 = arith.constant 0 : index
    %get3A_12 = arith.constant 0 : index
    %get3A_13 = vector.load %arg1[%get3A_11, %get3A_12] : memref<10000x128xf32, #tpu.memory_space<vmem>>, vector<10000x128xf32>
    %mul3A_14 = arith.constant 1.000000e-01 : f32
    %mul3A_15 = vector.broadcast %mul3A_14 : f32 to vector<10000x128xf32>
    %mul3A_16 = arith.mulf %mul3A_15, %get3A_13 : vector<10000x128xf32>
    %add3A_17 = arith.addf %mul3A_10, %mul3A_16 : vector<10000x128xf32>
    %mul3A_18 = arith.constant 0.776856422 : f32
    %mul3A_19 = vector.broadcast %mul3A_18 : f32 to vector<10000x128xf32>
    %mul3A_20 = arith.mulf %mul3A_19, %add3A_17 : vector<10000x128xf32>
    %get3A_21 = arith.constant 0 : index
    %get3A_22 = arith.constant 0 : index
    %get3A_23 = vector.load %arg2[%get3A_21, %get3A_22] : memref<128x128xf32, #tpu.memory_space<vmem>>, vector<128x128xf32>
    %dot_general3A = arith.constant dense<0.000000e+00> : vector<10000x128xf32>
    %dot_general3A_24 = tpu.matmul %add3A_17, %get3A_23, %dot_general3A {dimension_numbers = #tpu.dot_dimension_numbers<[1], [0], [0], [1], [0, 0, 1, 1], [], []>, precision = #tpu.contract_precision<fp32>, transpose_lhs_hint = false} : vector<10000x128xf32>, vector<128x128xf32>, vector<10000x128xf32> -> vector<10000x128xf32>
    %mul3A_25 = arith.constant 0.223143548 : f32
    %mul3A_26 = vector.broadcast %mul3A_25 : f32 to vector<10000x128xf32>
    %mul3A_27 = arith.mulf %mul3A_26, %dot_general3A_24 : vector<10000x128xf32>
    %add3A_28 = arith.addf %mul3A_20, %mul3A_27 : vector<10000x128xf32>
    %reduce_sum3A = arith.constant dense<0.000000e+00> : vector<128xf32>
    %reduce_sum3A_29 = vector.multi_reduction <add>, %add3A_28, %reduce_sum3A [0] : vector<10000x128xf32> to vector<128xf32>
    %div3A = arith.constant 1.000000e+04 : f32
    %div3A_30 = vector.broadcast %div3A : f32 to vector<128xf32>
    %div3A_31 = arith.divf %reduce_sum3A_29, %div3A_30 : vector<128xf32>
    %mul3A_32 = arith.mulf %add3A_28, %add3A_28 : vector<10000x128xf32>
    %reduce_sum3A_33 = arith.constant dense<0.000000e+00> : vector<128xf32>
    %reduce_sum3A_34 = vector.multi_reduction <add>, %mul3A_32, %reduce_sum3A_33 [0] : vector<10000x128xf32> to vector<128xf32>
    %div3A_35 = arith.constant 1.000000e+04 : f32
    %div3A_36 = vector.broadcast %div3A_35 : f32 to vector<128xf32>
    %div3A_37 = arith.divf %reduce_sum3A_34, %div3A_36 : vector<128xf32>
    %mul3A_38 = arith.mulf %div3A_31, %div3A_31 : vector<128xf32>
    %sub3A = arith.subf %div3A_37, %mul3A_38 : vector<128xf32>
    %broadcast_in_dim3A = vector.shape_cast %div3A_31 : vector<128xf32> to vector<1x128xf32>
    %sub3A_39 = vector.broadcast %broadcast_in_dim3A : vector<1x128xf32> to vector<10000x128xf32>
    %sub3A_40 = arith.subf %add3A_28, %sub3A_39 : vector<10000x128xf32>
    %add3A_41 = arith.constant 9.99999974E-6 : f32
    %add3A_42 = vector.broadcast %add3A_41 : f32 to vector<128xf32>
    %add3A_43 = arith.addf %sub3A, %add3A_42 : vector<128xf32>
    %rsqrt3A = math.rsqrt %add3A_43 : vector<128xf32>
    %broadcast_in_dim3A_44 = vector.shape_cast %rsqrt3A : vector<128xf32> to vector<1x128xf32>
    %mul3A_45 = vector.broadcast %broadcast_in_dim3A_44 : vector<1x128xf32> to vector<10000x128xf32>
    %mul3A_46 = arith.mulf %sub3A_40, %mul3A_45 : vector<10000x128xf32>
    %get3A_47 = arith.constant 0 : index
    %get3A_48 = vector.load %arg3[%get3A_47] : memref<128xf32, #tpu.memory_space<vmem>>, vector<128xf32>
    %broadcast_in_dim3A_49 = vector.shape_cast %get3A_48 : vector<128xf32> to vector<1x128xf32>
    %mul3A_50 = vector.broadcast %broadcast_in_dim3A_49 : vector<1x128xf32> to vector<10000x128xf32>
    %mul3A_51 = arith.mulf %mul3A_46, %mul3A_50 : vector<10000x128xf32>
    %get3A_52 = arith.constant 0 : index
    %get3A_53 = vector.load %arg4[%get3A_52] : memref<128xf32, #tpu.memory_space<vmem>>, vector<128xf32>
    %broadcast_in_dim3A_54 = vector.shape_cast %get3A_53 : vector<128xf32> to vector<1x128xf32>
    %add3A_55 = vector.broadcast %broadcast_in_dim3A_54 : vector<1x128xf32> to vector<10000x128xf32>
    %add3A_56 = arith.addf %mul3A_51, %add3A_55 : vector<10000x128xf32>
    %max3A = arith.constant 0.000000e+00 : f32
    %max3A_57 = vector.broadcast %max3A : f32 to vector<10000x128xf32>
    %max3A_58 = arith.maximumf %add3A_56, %max3A_57 : vector<10000x128xf32>
    %swap3A = arith.constant 0 : index
    %swap3A_59 = arith.constant 0 : index
    %swap3A_60 = vector.load %arg5[%swap3A, %swap3A_59] : memref<10000x128xf32, #tpu.memory_space<vmem>>, vector<10000x128xf32>
    tpu.vector_store %arg5[%swap3A, %swap3A_59], %max3A_58 {strides = array<i32>} : memref<10000x128xf32, #tpu.memory_space<vmem>>, vector<10000x128xf32>,
    return
  }
}

module attributes {stable_mosaic.version = 14 : i64} {
  func.func @_layer_body(%arg0: memref<2x10112x128xf32, #tpu.memory_space<vmem>>, %arg1: memref<10000x128xf32, #tpu.memory_space<vmem>>, %arg2: memref<128x128xf32, #tpu.memory_space<vmem>>, %arg3: memref<128xf32, #tpu.memory_space<vmem>>, %arg4: memref<128xf32, #tpu.memory_space<vmem>>, %arg5: memref<10000x128xf32, #tpu.memory_space<vmem>>) attributes {dimension_semantics = [], scalar_prefetch = 0 : i64, scratch_operands = 0 : i64, tpu.core_type = #tpu.core_type<tc>} {
    %get3A = arith.constant 0 : index
    %get3A_0 = arith.constant 0 : index
    %get3A_1 = arith.constant 0 : index
    %get3A_2 = vector.load %arg0[%get3A, %get3A_0, %get3A_1] : memref<2x10112x128xf32, #tpu.memory_space<vmem>>, vector<1x10000x128xf32>
    %get3A_3 = vector.shape_cast %get3A_2 : vector<1x10000x128xf32> to vector<10000x128xf32>
    %get3A_4 = arith.constant 1 : index
    %get3A_5 = arith.constant 0 : index
    %get3A_6 = arith.constant 0 : index
    %get3A_7 = vector.load %arg0[%get3A_4, %get3A_5, %get3A_6] : memref<2x10112x128xf32, #tpu.memory_space<vmem>>, vector<1x10000x128xf32>
    %get3A_8 = vector.shape_cast %get3A_7 : vector<1x10000x128xf32> to vector<10000x128xf32>
    %add3A = arith.addf %get3A_3, %get3A_8 : vector<10000x128xf32>
    %mul3A = arith.constant 0.899999976 : f32
    %mul3A_9 = vector.broadcast %mul3A : f32 to vector<10000x128xf32>
    %mul3A_10 = arith.mulf %mul3A_9, %add3A : vector<10000x128xf32>
    %get3A_11 = arith.constant 0 : index
    %get3A_12 = arith.constant 0 : index
    %get3A_13 = vector.load %arg1[%get3A_11, %get3A_12] : memref<10000x128xf32, #tpu.memory_space<vmem>>, vector<10000x128xf32>
    %mul3A_14 = arith.constant 1.000000e-01 : f32
    %mul3A_15 = vector.broadcast %mul3A_14 : f32 to vector<10000x128xf32>
    %mul3A_16 = arith.mulf %mul3A_15, %get3A_13 : vector<10000x128xf32>
    %add3A_17 = arith.addf %mul3A_10, %mul3A_16 : vector<10000x128xf32>
    %mul3A_18 = arith.constant 0.845849335 : f32
    %mul3A_19 = vector.broadcast %mul3A_18 : f32 to vector<10000x128xf32>
    %mul3A_20 = arith.mulf %mul3A_19, %add3A_17 : vector<10000x128xf32>
    %get3A_21 = arith.constant 0 : index
    %get3A_22 = arith.constant 0 : index
    %get3A_23 = vector.load %arg2[%get3A_21, %get3A_22] : memref<128x128xf32, #tpu.memory_space<vmem>>, vector<128x128xf32>
    %dot_general3A = arith.constant dense<0.000000e+00> : vector<10000x128xf32>
    %dot_general3A_24 = tpu.matmul %add3A_17, %get3A_23, %dot_general3A {dimension_numbers = #tpu.dot_dimension_numbers<[1], [0], [0], [1], [0, 0, 1, 1], [], []>, precision = #tpu.contract_precision<fp32>, transpose_lhs_hint = false} : vector<10000x128xf32>, vector<128x128xf32>, vector<10000x128xf32> -> vector<10000x128xf32>
    %mul3A_25 = arith.constant 0.15415068 : f32
    %mul3A_26 = vector.broadcast %mul3A_25 : f32 to vector<10000x128xf32>
    %mul3A_27 = arith.mulf %mul3A_26, %dot_general3A_24 : vector<10000x128xf32>
    %add3A_28 = arith.addf %mul3A_20, %mul3A_27 : vector<10000x128xf32>
    %swap3A = arith.constant 0 : index
    %swap3A_29 = arith.constant 0 : index
    %swap3A_30 = vector.load %arg5[%swap3A, %swap3A_29] : memref<10000x128xf32, #tpu.memory_space<vmem>>, vector<10000x128xf32>
    tpu.vector_store %arg5[%swap3A, %swap3A_29], %add3A_28 {strides = array<i32>} : memref<10000x128xf32, #tpu.memory_space<vmem>>, vector<10000x128xf32>,
    return
  }
}

</mosaic_0001>

<sc_bundles>
// kernel: kernel.13.cloned.1.call-start
scs
__scs_entry_jumppad:
0x0: {  	(pc) =	sbr.rel $0x88, $3  }
0x1: {  	(tag) =	ssettag $0x0;
	lr =	simm.s32 $0x1  }
0x2: {  	[smem:$0x3F96] =	sst lr;
	_ =	strace $0xD0000000  }
0x3: {  	_ = 	snop  }
0x4: {  	_ = 	snop  }
0x5: {  	_ = 	snop  }
0x6: {  	_ = 	snop  }
0x7: {  	_ = 	snop  }
__scs_overlays_trampoline_lowered:
0x8: {  	[smem:$0x3FA5] =	sst s0  }
0x9: {  	[smem:$0x3FA6] =	sst s1  }
0xa: {  	[smem:$0x3FA7] =	sst s2  }
0xb: {  	[smem:$0x3FA8] =	sst s3  }
0xc: {  	[smem:$0x3FA9] =	sst s4  }
0xd: {  	[smem:$0x3FAA] =	sst s5  }
0xe: {  	[smem:$0x3FAB] =	sst s6  }
0xf: {  	[smem:$0x3FAC] =	sst s7  }
0x10: {  	[smem:$0x3FAD] =	sst s8  }
0x11: {  	[smem:$0x3FAE] =	sst s9;
	s0 =	simm.s32 @!p0 $0x0  }
0x12: {  	s1 =	sld [smem:$0x3F94];
	s0 =	simm.s32 @p0 $0x1  }
0x13: {  	[smem:$0x3FAF] =	sst s0;
	s0 =	simm.s32 @!p1 $0x0  }
0x14: {  	s2 =	sld [smem:$0x3F93];
	s0 =	simm.s32 @p1 $0x1  }
0x15: {  	[smem:$0x3FB0] =	sst s0;
	s0 =	simm.s32 @!p2 $0x0  }
0x16: {  	s3 =	sld [smem:$0x3FDB];
	s0 =	simm.s32 @p2 $0x1  }
0x17: {  	s4 =	simm.s32 $0x1BF5;
	[smem:$0x3FB2] =	sst s0  }
0x18: {  	s0 =	sld [smem:$0x3F95];
	_ =	swait.ge [sflag:s4], $0x0  }
0x19: {  	s7 =	sld [smem:$0x3F96]  }
0x1a: {  	s8 =	sadd.s32 $0xFFFFE003, lr  }
0x1b: {  	s9 =	sadd.s32 $0xFFFFFEF7, lr;
	s5 =	simm.s32 $0xFFFFFFFF;
	p2 =	slt.u32 s8, $0xFFFFF086  }
0x1c: {  	p1 =	slt.u32 s9, $0xF7A;
	s5 =	simm.s32 @!p2 $0x0  }
0x1d: {  	s5 =	simm.s32 @p1 $0x1;
	p0 =	seq.s32 s7, s2  }
0x1e: {  	s7 =	smul.u32 @!p0 $0xF7A, s2;
	p2 =	seq.s32 @!p0 s5, $0x0  }
0x1f: {  	s9 =	smul.u32 $0xF7A, s1;
	s8 =	simm.s32 @!p0 $0x1BF5;
	p2 =	por !p2, p0  }
0x20: {  	[sflag:s8] =	ssyncset.s32 @!p0 $0xFFFFF086;
	s6 =	sadd.s32 @!p0 s3, s7;
	s7 =	simm.s32 @!p0 $0x108  }
0x21: {  	s3 =	sadd.s32 s3, s9;
	s6 =	sadd.s32 @!p0 $0x88, s6;
	s7 =	simm.s32 @p2 $0x1082  }
0x22: {  	[simem:s7], [sflag:s8] =	dma.local @!p0 [hbm:s6], $0xF7A  }
0x23: {  	s9 =	sor.u32 $0xD0000000, s2;
	s6 =	simm.s32 $0x108;
	_ =	swait.ge @!p0 [sflag:s8], $0x0  }
0x24: {  	s3 =	sadd.s32 $0x88, s3;
	s6 =	simm.s32 @!p1 $0x1082;
	[sflag:s4] =	ssyncset.s32 $0xFFFFF086  }
0x25: {  	[simem:s6], [sflag:s4] =	dma.local [hbm:s3], $0xF7A  }
0x26: {  	[smem:$0x3F96] =	sst s1;
	(tag) =	ssettag s2;
	_ =	strace s9  }
0x27: {  	s1 =	sld [smem:$0x3FA6]  }
0x28: {  	s2 =	sld [smem:$0x3FA7]  }
0x29: {  	s4 =	sld [smem:$0x3FA9]  }
0x2a: {  	p0 =	seq.s32 s5, $0x0;
	s5 =	sld [smem:$0x3FAA]  }
0x2b: {  	s6 =	sld [smem:$0x3FAB]  }
0x2c: {  	s7 =	sld [smem:$0x3FAC]  }
0x2d: {  	s3 =	simm.s32 $0x108;
	s8 =	sld [smem:$0x3FAD]  }
0x2e: {  	s3 =	simm.s32 @!p0 $0x1082;
	s9 =	sld [smem:$0x3FAE]  }
0x2f: {  	lr =	sadd.s32 s0, s3;
	s0 =	sld [smem:$0x3FA5]  }
0x30: {  	s3 =	sld [smem:$0x3FA8]  }
0x31: {  	[smem:$0x3FB1] =	sst s10  }
0x32: {  	s10 =	sld [smem:$0x3FAF];
	_ =	sdelay $0x3  }
0x33: {  	p0 =	seq.s32 s10, $0x1;
	s10 =	sld [smem:$0x3FB1];
	_ =	sdelay $0x3  }
0x34: {  	[smem:$0x3FB1] =	sst s10  }
0x35: {  	s10 =	sld [smem:$0x3FB0];
	_ =	sdelay $0x3  }
0x36: {  	p1 =	seq.s32 s10, $0x1;
	s10 =	sld [smem:$0x3FB1];
	_ =	sdelay $0x3  }
0x37: {  	[smem:$0x3FB1] =	sst s10  }
0x38: {  	s10 =	sld [smem:$0x3FB2]  }
0x39: {  	_ = 	snop;
	(pc) =	sbr.ind lr, $3  }
0x3a: {  	_ = 	snop  }
0x3b: {  	_ = 	snop  }
0x3c: {  	p2 =	seq.s32 s10, $0x1;
	s10 =	sld [smem:$0x3FB1]  }
0x3d: {  	_ =	shalt  }
0x3e: {  	_ =	shalt  }
0x3f: {  	_ =	shalt  }
0x40: {  	_ =	shalt  }
0x41: {  	_ =	shalt  }
0x42: {  	_ =	shalt  }
0x43: {  	_ =	shalt  }
0x44: {  	_ =	shalt  }
0x45: {  	_ =	shalt  }
0x46: {  	_ =	shalt  }
0x47: {  	_ =	shalt  }
0x48: {  	_ =	shalt  }
0x49: {  	_ =	shalt  }
0x4a: {  	_ =	shalt  }
0x4b: {  	_ =	shalt  }
0x4c: {  	_ =	shalt  }
0x4d: {  	_ =	shalt  }
0x4e: {  	_ =	shalt  }
0x4f: {  	_ =	shalt  }
0x50: {  	_ =	shalt  }
0x51: {  	_ =	shalt  }
0x52: {  	_ =	shalt  }
0x53: {  	_ =	shalt  }
0x54: {  	_ =	shalt  }
0x55: {  	_ =	shalt  }
0x56: {  	_ =	shalt  }
0x57: {  	_ =	shalt  }
0x58: {  	_ =	shalt  }
0x59: {  	_ =	shalt  }
0x5a: {  	_ =	shalt  }
0x5b: {  	_ =	shalt  }
0x5c: {  	_ =	shalt  }
0x5d: {  	_ =	shalt  }
0x5e: {  	_ =	shalt  }
0x5f: {  	_ =	shalt  }
0x60: {  	_ =	shalt  }
0x61: {  	_ =	shalt  }
0x62: {  	_ =	shalt  }
0x63: {  	_ =	shalt  }
0x64: {  	_ =	shalt  }
0x65: {  	_ =	shalt  }
0x66: {  	_ =	shalt  }
0x67: {  	_ =	shalt  }
0x68: {  	_ =	shalt  }
0x69: {  	_ =	shalt  }
0x6a: {  	_ =	shalt  }
0x6b: {  	_ =	shalt  }
0x6c: {  	_ =	shalt  }
0x6d: {  	_ =	shalt  }
0x6e: {  	_ =	shalt  }
0x6f: {  	_ =	shalt  }
0x70: {  	_ =	shalt  }
0x71: {  	_ =	shalt  }
0x72: {  	_ =	shalt  }
0x73: {  	_ =	shalt  }
0x74: {  	_ =	shalt  }
0x75: {  	_ =	shalt  }
0x76: {  	_ =	shalt  }
0x77: {  	_ =	shalt  }
0x78: {  	_ =	shalt  }
0x79: {  	_ =	shalt  }
0x7a: {  	_ =	shalt  }
0x7b: {  	_ =	shalt  }
0x7c: {  	_ =	shalt  }
0x7d: {  	_ =	shalt  }
0x7e: {  	_ =	shalt  }
0x7f: {  	_ =	shalt  }
0x80: {  	_ =	shalt  }
0x81: {  	_ =	shalt  }
0x82: {  	_ =	shalt  }
0x83: {  	_ =	shalt  }
0x84: {  	_ =	shalt  }
0x85: {  	_ =	shalt  }
0x86: {  	_ =	shalt  }
0x87: {  	_ =	shalt  }
.Lfunc_end0:
.L_simem_size_0:
called_computation_lowered:
.L_overlay_start_0:
0x88: {  	s2 =	sld [smem:$0x3FD9]  }
0x89: {  	s3 =	sld [smem:$0x3FFE];
	_ =	sdelay $0x1  }
0x8a: {  	s1 =	srdreg.scid  }
0x8b: {  	s0 =	sand.u32 $0x1, s1  }
0x8c: {  	s17 =	sshll.u32 s0, $0xA;
	s2 =	sadd.s32 s3, s2  }
0x8d: {  	s2 =	sadd.s32 s2, s17  }
0x8e: {  	[smem:$0x3FBD] =	sst s2  }
0x8f: {  	_ = 	snop  }
0x90: {  	s2 =	sld [smem:$0x3FD0];
	(tm) =	ssettm $0x1  }
0x91: {  	s18 =	sld [smem:$0x3FFB];
	_ =	sdelay $0x3  }
0x92: {  	_ =	strace s18  }
0x93: {  	s3 =	sld [smem:$0x3FFC];
	_ =	sdelay $0x3  }
0x94: {  	_ =	strace s3  }
0x95: {  	s3 =	sld [smem:$0x3FFD];
	_ =	sdelay $0x3  }
0x96: {  	_ =	strace s3  }
0x97: {  	_ =	strace $0x8FFFFFFF  }
0x98: {  	s19 =	sld [smem:$0x3FDB];
	_ =	sdelay $0x1  }
0x99: {  	s4 =	simm.s32 $_scs_section_size  }
0x9a: {  	s5 =	simm.s32 $_size__tile_overlayer_lowered;
	s6 =	simm.s32 $_tile_overlayer_lowered  }
0x9b: {  	s22 =	simm.s32 $0x1BFF;
	s21 =	sshll.u32 s6, $0x1;
	s3 =	sadd.s32 s4, s19  }
0x9c: {  	s7 =	simm.s32 $0x0;
	s20 =	sshll.u32 s5, $0x1;
	s5 =	sadd.s32 s21, s3  }
0x9d: {  	[timem:s7], [sflag:s22] =	dma.local [hbm:s5], s20  }
0x9e: {  	_ =	swait.ge [sflag:s22], s20  }
0x9f: {  	s4 =	ssub.s32 $0x0, s20;
	[sflag:s22] =	ssyncset.done $0x0  }
0xa0: {  	[sflag:s22] =	ssyncadd.s32 s4;
	_ =	sdelay $0x1  }
0xa1: {  	s23 =	simm.s32 $0x1B8B  }
0xa2: {  	_ =	swait.ge [sflag:s23], $0x1  }
0xa3: {  	[sflag:s23] =	ssyncset.done $0x0  }
0xa4: {  	s25 =	simm.s32 $0x1B8E;
	s24 =	sld [smem:$0x3FFE];
	[sflag:s23] =	ssyncadd.s32 $0xFFFFFFFF  }
0xa5: {  	s26 =	simm.s32 $execute0_lowered;
	[smem:$0x3FD2] =	sst s25  }
0xa6: {  	s5 =	sshll.u32 s26, $0x1;
	_ =	strace $0x80000046;
	[dreg:$0x1] =	wrdreg $0xFFFFFFFF  }
0xa7: {  	s28 =	simm.s32 $_size_execute0_lowered;
	s3 =	sadd.s32 s3, s5;
	[dreg:$0x0] =	wrdreg $0x0  }
0xa8: {  	s5 =	sshll.u32 s28, $0x1;
	[dreg:$0x2] =	wrdreg s3  }
0xa9: {  	[dreg:$0x3] =	wrdreg s5  }
0xaa: {  	[dreg:$0x4] =	wrdreg $0xC0  }
0xab: {  	_ =	task [dreg:s7], $0x5FFFF  }
0xac: {  	[dreg:$0x1] =	wrdreg $0xFFFFFFFF  }
0xad: {  	[dreg:$0x0] =	wrdreg $0x60  }
0xae: {  	[dreg:$0x2] =	wrdreg s24  }
0xaf: {  	[dreg:$0x3] =	wrdreg s2  }
0xb0: {  	[dreg:$0x4] =	wrdreg $0x68000  }
0xb1: {  	[dreg:$0x5] =	wrdreg $0x9  }
0xb2: {  	_ =	task.clear_ibuf [dreg:s7], $0x6FFFF;
	_ =	strace $0x90000046  }
0xb3: {  	s29 =	simm.s32 $0x9;
	_ =	strace $0x80000048  }
0xb4: {  	_ =	swait.ge [sflag:s29], $0x1  }
0xb5: {  	[sflag:s29] =	ssyncadd.s32 $0xFFFFFFFF  }
0xb6: {  	_ =	strace $0x90000048  }
0xb7: {  	_ =	sfence  }
0xb8: {  	s30 =	sld [smem:$0x0];
	_ =	sdelay $0x2  }
0xb9: {  	s31 =	sshll.u32 s1, $0xD;
	s1 =	sshrl.u32 s1, $0x2  }
0xba: {  	s3 =	sand.u32 $0x4000, s31;
	s1 =	sadd.s32 s1, s30  }
0xbb: {  	s0 =	sor.u32 s3, s0;
	s1 =	sshll.u32 s1, $0x11  }
0xbc: {  	s0 =	sor.u32 s1, s0  }
0xbd: {  	s0 =	sadd.s32 $0x8F2B, s0  }
0xbe: {  	[sflag:s0] =	ssyncadd.remote.s32 $0x1  }
0xbf: {  	_ =	sfence.sel $0xFFFF  }
0xc0: {  	[dreg:$0x0] =	wrdreg $0xFFFFFFFF;
	(pc) =	sbr.abs _section_cstart, $3  }
0xc1: {  	[dreg:$0x1] =	wrdreg $0xFFFFFFFF  }
0xc2: {  	_ =	task.clear_ibuf [dreg:s7], $0x2FFFF;
	_ =	strace $0x9FFFFFFF  }
0xc3: {  	(tm) =	ssettm $0x7FFFFFFF  }
tec
execute0_lowered:
.L_overlay_start_1:
0x0: {  	(tag) =	ssettag $0x1  }
0x1: {  	s5 =	rddreg [dreg:$0x0]  }
0x2: {  	s1 =	srdreg.scid;
	s2 =	rddreg [dreg:$0x1]  }
0x3: {  	s0 =	stileid.u32;
	s3 =	rddreg [dreg:$0x2];
	s4 =	simm.s32 $0x0  }
0x4: {  	s13 =	simm.s32 $0x1;
	s14 =	simm.s32 $0x80;
	s15 =	simm.s32 $0x2  }
0x5: {  	s16 =	simm.s32 $0x3;
	s18 =	simm.s32 $0x0;
	s8 =	smul.u32 $0x13C00, s0  }
0x6: {  	s6 =	sand.u32 $0x1, s1;
	s28 =	sshll.u32 s0, $0x1;
	s29 =	smul.u32 $0x4F000, s0  }
0x7: {  	[smem:$0x7FF] =	sst s4;
	s1 =	sor.u32 s6, s28;
	s9 =	smul.u32 $0x13C000, s6  }
0x8: {  	s17 =	sshll.u32 s0, $0x6;
	s6 =	ssub.s32 $0x2, s6;
	s7 =	smul.u32 $0x500, s1  }
0x9: {  	s1 =	rddreg [dreg:$0x3];
	_ =	strace $0x80000047;
	s10 =	sshrl.u32 s8, $0x3  }
0xa: {  	s30 =	sshrl.u32 s6, $0x1;
	s31 =	sshrl.u32 s29, $0x2;
	s8 =	sadd.s32 s8, s9  }
0xb: {  	s10 =	sadd.s32 s10, s5;
	s11 =	ssub.s32 s6, s30;
	s12 =	sadd.s32 s31, s3  }
0xc: {  	s6 =	sor.u32 $0x1C01, s17;
	s17 =	sor.u32 $0x1C04, s17;
	s7 =	sadd.s32 s7, s5  }
0xd: {  	s8 =	sshrl.u32 s8, $0x3;
	s9 =	smax.u32 s11, $0x1;
	s11 =	simm.s32 $0x2800  }
0xe: {  	s8 =	sadd.s32 s8, s5;
	s5 =	sadd.s32 $0x17C00, s10;
	s7 =	sadd.s32 $0x3C00, s7  }
0xf: {  	s10 =	sshrl.u32 s12, $0x3;
	s12 =	simm.s32 $0x4;
	s8 =	sadd.s32 $0x3F400, s8  }
.LBB2_1:
0x10: {  	[spmem:s10], [sflag:s6] =	dma.local [hbm:s5], $0x2780  }
0x11: {  	[tilespmem:s11], [sflag:$0x4] =	stream.linear.gather [hbm4b:s2+s4], $0x4000, $0x38;
	[tilespmem:$0x1A400] =	vst v63  }
0x12: {  	_ =	swait.ge [sflag:s12], $0x4000  }
0x13: {  	[sflag:s12] =	ssyncset.done $0x0  }
0x14: {  	[sflag:s12] =	ssyncadd.s32 $0xFFFFC000  }
0x15: {  	[tilespmem:s4], [sflag:$0x4] =	stream.linear.gather [hbm4b:s7+s4], $0x2800, $0x38;
	[tilespmem:$0x1A400] =	vst v63  }
0x16: {  	_ =	swait.ge [sflag:s12], $0x2800  }
0x17: {  	[sflag:s12] =	ssyncset.done $0x0  }
0x18: {  	[sflag:s12] =	ssyncadd.s32 $0xFFFFD800  }
0x19: {  	_ =	swait.ge [sflag:s13], $0x2780  }
0x1a: {  	[sflag:s13] =	ssyncset.done $0x0  }
0x1b: {  	[sflag:s13] =	ssyncadd.s32 $0xFFFFD880  }
0x1c: {  	s19 =	simm.s32 $0x0;
	[bflag:$0x0] =	sbarrier.arrive $0xFFFF  }
0x1d: {  	[spmem:s3] =	stream.indirect.scatter.add.f32 [tilespmem:s11], [sflag:$0x2], $0x80, s19, s14, $0xb8;
	[tilespmem:$0x1A400] =	vst v63  }
0x1e: {  	s31 =	simm.s32 $0x80  }
0x1f: {  	[spmem:s3] =	stream.indirect.scatter.add.f32 [tilespmem:s11], [sflag:$0x3], $0x80, s31, s14, $0xb8;
	[tilespmem:$0x1A400] =	vst v63  }
0x20: {  	_ =	swait.ge [sflag:s15], $0x4000  }
0x21: {  	[sflag:s15] =	ssyncset.done $0x0  }
0x22: {  	[sflag:s15] =	ssyncadd.s32 $0xFFFFC000  }
0x23: {  	_ =	swait.ge [sflag:s16], $0x4000  }
0x24: {  	s20 =	simm.s32 $0x800;
	s19 =	simm.s32 $0x400;
	[sflag:s16] =	ssyncset.done $0x0  }
.LBB2_2:
0x25: {  	s21 =	sshra.s32 s19, $0x2  }
0x26: {  	[sflag:s16] =	ssyncadd.s32 $0xFFFFC000;
	s19 =	smov.u32 s20;
	s22 =	sadd.s32 $0x400, s20  }
0x27: {  	[spmem:s3] =	stream.indirect.scatter.add.f32 [tilespmem:s11], [sflag:$0x2], $0x80, s21, s14, $0xb8;
	[tilespmem:$0x1A400] =	vst v63  }
0x28: {  	p0 =	sne.s32 s20, $0x9C00;
	s20 =	sadd.s32 $0x80, s21  }
0x29: {  	[spmem:s3] =	stream.indirect.scatter.add.f32 [tilespmem:s11], [sflag:$0x3], $0x80, s20, s14, $0xb8;
	[tilespmem:$0x1A400] =	vst v63  }
.Ltmp0:
0x2a: {  	_ =	swait.ge [sflag:s15], $0x4000;
	(pc) =	sbr.rel @p0 .LBB2_2-.Ltmp0, $4  }
0x2b: {  	[sflag:s15] =	ssyncset.done $0x0  }
0x2c: {  	[sflag:s15] =	ssyncadd.s32 $0xFFFFC000  }
0x2d: {  	_ =	swait.ge [sflag:s16], $0x4000  }
0x2e: {  	s20 =	smov.u32 s22;
	[sflag:s16] =	ssyncset.done $0x0  }
0x2f: {  	s19 =	sshra.s32 s19, $0x2;
	[sflag:s16] =	ssyncadd.s32 $0xFFFFC000  }
0x30: {  	[spmem:s3] =	stream.indirect.scatter.add.f32 [tilespmem:s11], [sflag:$0x2], $0x80, s19, s14, $0xb8;
	[tilespmem:$0x1A400] =	vst v63  }
0x31: {  	s19 =	sadd.s32 $0x80, s19  }
0x32: {  	[spmem:s3] =	stream.indirect.scatter.add.f32 [tilespmem:s11], [sflag:$0x3], $0x80, s19, s14, $0xb8;
	[tilespmem:$0x1A400] =	vst v63  }
0x33: {  	_ =	swait.ge [sflag:s15], $0x4000  }
0x34: {  	[sflag:s15] =	ssyncset.done $0x0  }
0x35: {  	[sflag:s15] =	ssyncadd.s32 $0xFFFFC000  }
0x36: {  	_ =	swait.ge [sflag:s16], $0x4000  }
0x37: {  	s18 =	sadd.s32 $0x1, s18;
	[sflag:s16] =	ssyncset.done $0x0  }
0x38: {  	p0 =	sne.s32 s18, s9;
	[sflag:s16] =	ssyncadd.s32 $0xFFFFC000  }
.Ltmp1:
0x39: {  	[bflag:$0x0] =	sbarrier.arrive $0xFFFF;
	(pc) =	sbr.rel @p0 .LBB2_1-.Ltmp1, $4  }
0x3a: {  	[hbm:s8], [sflag:s17] =	dma.local [spmem:s10], $0x2780  }
0x3b: {  	_ =	swait.ge [sflag:s12], $0x2780  }
0x3c: {  	[sflag:s12] =	ssyncset.done $0x0  }
0x3d: {  	[sflag:s12] =	ssyncadd.s32 $0xFFFFD880  }
0x3e: {  	_ =	sfence.sel $0x180000  }
0x3f: {  	[bflag:$0x0] =	sbarrier.arrive $0xFFFF  }
0x40: {  	p0 =	sne.s32 s0, $0x0;
	_ =	strace $0x90000047  }
0x41: {  	s0 =	sadd.s32 @!p0 $0x100000, s1;
	[bflag:$0x2] =	sbarrier.arrive $0xFFFF  }
0x42: {  	[sflag:s0] =	ssyncadd.tile.s32 @!p0 $0x1;
	_ =	shalt  }
.Lfunc_end2:
_tile_overlayer_lowered:
.L_overlay_start_2:
0x43: {  	(tag) =	ssettag $0x2  }
0x44: {  	s0 =	rddreg [dreg:$0x0];
	s2 =	stileid.u32  }
0x45: {  	s1 =	rddreg [dreg:$0x1];
	p0 =	sne.s32 s2, $0x0  }
0x46: {  	s3 =	rddreg [dreg:$0x2];
	[bflag:$0x3] =	sbarrier.arrive $0xFFFF;
	s2 =	simm.s32 @!p0 $0x1C04  }
0x47: {  	[timem:s3], [sflag:s2] =	dma.local @!p0 [hbm:s0], s1  }
0x48: {  	s0 =	simm.s32 @!p0 $0x4  }
0x49: {  	_ =	swait.ge @!p0 [sflag:s0], s1  }
0x4a: {  	s1 =	ssub.s32 @!p0 $0x0, s1;
	[sflag:s0] =	ssyncset.done @!p0 $0x0  }
0x4b: {  	[sflag:s0] =	ssyncadd.s32 @!p0 s1  }
0x4c: {  	[bflag:$0x3] =	sbarrier.arrive $0xFFFF  }
0x4d: {  	_ =	shalt  }

// kernel: kernel.16.cloned.1.call-start
scs
__scs_entry_jumppad:
0x0: {  	(pc) =	sbr.rel $0x88, $3  }
0x1: {  	(tag) =	ssettag $0x0;
	lr =	simm.s32 $0x1  }
0x2: {  	[smem:$0x3F96] =	sst lr;
	_ =	strace $0xD0000000  }
0x3: {  	_ = 	snop  }
0x4: {  	_ = 	snop  }
0x5: {  	_ = 	snop  }
0x6: {  	_ = 	snop  }
0x7: {  	_ = 	snop  }
__scs_overlays_trampoline_lowered:
0x8: {  	[smem:$0x3FA5] =	sst s0  }
0x9: {  	[smem:$0x3FA6] =	sst s1  }
0xa: {  	[smem:$0x3FA7] =	sst s2  }
0xb: {  	[smem:$0x3FA8] =	sst s3  }
0xc: {  	[smem:$0x3FA9] =	sst s4  }
0xd: {  	[smem:$0x3FAA] =	sst s5  }
0xe: {  	[smem:$0x3FAB] =	sst s6  }
0xf: {  	[smem:$0x3FAC] =	sst s7  }
0x10: {  	[smem:$0x3FAD] =	sst s8  }
0x11: {  	[smem:$0x3FAE] =	sst s9;
	s0 =	simm.s32 @!p0 $0x0  }
0x12: {  	s1 =	sld [smem:$0x3F94];
	s0 =	simm.s32 @p0 $0x1  }
0x13: {  	[smem:$0x3FAF] =	sst s0;
	s0 =	simm.s32 @!p1 $0x0  }
0x14: {  	s2 =	sld [smem:$0x3F93];
	s0 =	simm.s32 @p1 $0x1  }
0x15: {  	[smem:$0x3FB0] =	sst s0;
	s0 =	simm.s32 @!p2 $0x0  }
0x16: {  	s3 =	sld [smem:$0x3FDB];
	s0 =	simm.s32 @p2 $0x1  }
0x17: {  	s4 =	simm.s32 $0x1BF5;
	[smem:$0x3FB2] =	sst s0  }
0x18: {  	s0 =	sld [smem:$0x3F95];
	_ =	swait.ge [sflag:s4], $0x0  }
0x19: {  	s7 =	sld [smem:$0x3F96]  }
0x1a: {  	s8 =	sadd.s32 $0xFFFFE003, lr  }
0x1b: {  	s9 =	sadd.s32 $0xFFFFFEF7, lr;
	s5 =	simm.s32 $0xFFFFFFFF;
	p2 =	slt.u32 s8, $0xFFFFF086  }
0x1c: {  	p1 =	slt.u32 s9, $0xF7A;
	s5 =	simm.s32 @!p2 $0x0  }
0x1d: {  	s5 =	simm.s32 @p1 $0x1;
	p0 =	seq.s32 s7, s2  }
0x1e: {  	s7 =	smul.u32 @!p0 $0xF7A, s2;
	p2 =	seq.s32 @!p0 s5, $0x0  }
0x1f: {  	s9 =	smul.u32 $0xF7A, s1;
	s8 =	simm.s32 @!p0 $0x1BF5;
	p2 =	por !p2, p0  }
0x20: {  	[sflag:s8] =	ssyncset.s32 @!p0 $0xFFFFF086;
	s6 =	sadd.s32 @!p0 s3, s7;
	s7 =	simm.s32 @!p0 $0x108  }
0x21: {  	s3 =	sadd.s32 s3, s9;
	s6 =	sadd.s32 @!p0 $0x88, s6;
	s7 =	simm.s32 @p2 $0x1082  }
0x22: {  	[simem:s7], [sflag:s8] =	dma.local @!p0 [hbm:s6], $0xF7A  }
0x23: {  	s9 =	sor.u32 $0xD0000000, s2;
	s6 =	simm.s32 $0x108;
	_ =	swait.ge @!p0 [sflag:s8], $0x0  }
0x24: {  	s3 =	sadd.s32 $0x88, s3;
	s6 =	simm.s32 @!p1 $0x1082;
	[sflag:s4] =	ssyncset.s32 $0xFFFFF086  }
0x25: {  	[simem:s6], [sflag:s4] =	dma.local [hbm:s3], $0xF7A  }
0x26: {  	[smem:$0x3F96] =	sst s1;
	(tag) =	ssettag s2;
	_ =	strace s9  }
0x27: {  	s1 =	sld [smem:$0x3FA6]  }
0x28: {  	s2 =	sld [smem:$0x3FA7]  }
0x29: {  	s4 =	sld [smem:$0x3FA9]  }
0x2a: {  	p0 =	seq.s32 s5, $0x0;
	s5 =	sld [smem:$0x3FAA]  }
0x2b: {  	s6 =	sld [smem:$0x3FAB]  }
0x2c: {  	s7 =	sld [smem:$0x3FAC]  }
0x2d: {  	s3 =	simm.s32 $0x108;
	s8 =	sld [smem:$0x3FAD]  }
0x2e: {  	s3 =	simm.s32 @!p0 $0x1082;
	s9 =	sld [smem:$0x3FAE]  }
0x2f: {  	lr =	sadd.s32 s0, s3;
	s0 =	sld [smem:$0x3FA5]  }
0x30: {  	s3 =	sld [smem:$0x3FA8]  }
0x31: {  	[smem:$0x3FB1] =	sst s10  }
0x32: {  	s10 =	sld [smem:$0x3FAF];
	_ =	sdelay $0x3  }
0x33: {  	p0 =	seq.s32 s10, $0x1;
	s10 =	sld [smem:$0x3FB1];
	_ =	sdelay $0x3  }
0x34: {  	[smem:$0x3FB1] =	sst s10  }
0x35: {  	s10 =	sld [smem:$0x3FB0];
	_ =	sdelay $0x3  }
0x36: {  	p1 =	seq.s32 s10, $0x1;
	s10 =	sld [smem:$0x3FB1];
	_ =	sdelay $0x3  }
0x37: {  	[smem:$0x3FB1] =	sst s10  }
0x38: {  	s10 =	sld [smem:$0x3FB2]  }
0x39: {  	_ = 	snop;
	(pc) =	sbr.ind lr, $3  }
0x3a: {  	_ = 	snop  }
0x3b: {  	_ = 	snop  }
0x3c: {  	p2 =	seq.s32 s10, $0x1;
	s10 =	sld [smem:$0x3FB1]  }
0x3d: {  	_ =	shalt  }
0x3e: {  	_ =	shalt  }
0x3f: {  	_ =	shalt  }
0x40: {  	_ =	shalt  }
0x41: {  	_ =	shalt  }
0x42: {  	_ =	shalt  }
0x43: {  	_ =	shalt  }
0x44: {  	_ =	shalt  }
0x45: {  	_ =	shalt  }
0x46: {  	_ =	shalt  }
0x47: {  	_ =	shalt  }
0x48: {  	_ =	shalt  }
0x49: {  	_ =	shalt  }
0x4a: {  	_ =	shalt  }
0x4b: {  	_ =	shalt  }
0x4c: {  	_ =	shalt  }
0x4d: {  	_ =	shalt  }
0x4e: {  	_ =	shalt  }
0x4f: {  	_ =	shalt  }
0x50: {  	_ =	shalt  }
0x51: {  	_ =	shalt  }
0x52: {  	_ =	shalt  }
0x53: {  	_ =	shalt  }
0x54: {  	_ =	shalt  }
0x55: {  	_ =	shalt  }
0x56: {  	_ =	shalt  }
0x57: {  	_ =	shalt  }
0x58: {  	_ =	shalt  }
0x59: {  	_ =	shalt  }
0x5a: {  	_ =	shalt  }
0x5b: {  	_ =	shalt  }
0x5c: {  	_ =	shalt  }
0x5d: {  	_ =	shalt  }
0x5e: {  	_ =	shalt  }
0x5f: {  	_ =	shalt  }
0x60: {  	_ =	shalt  }
0x61: {  	_ =	shalt  }
0x62: {  	_ =	shalt  }
0x63: {  	_ =	shalt  }
0x64: {  	_ =	shalt  }
0x65: {  	_ =	shalt  }
0x66: {  	_ =	shalt  }
0x67: {  	_ =	shalt  }
0x68: {  	_ =	shalt  }
0x69: {  	_ =	shalt  }
0x6a: {  	_ =	shalt  }
0x6b: {  	_ =	shalt  }
0x6c: {  	_ =	shalt  }
0x6d: {  	_ =	shalt  }
0x6e: {  	_ =	shalt  }
0x6f: {  	_ =	shalt  }
0x70: {  	_ =	shalt  }
0x71: {  	_ =	shalt  }
0x72: {  	_ =	shalt  }
0x73: {  	_ =	shalt  }
0x74: {  	_ =	shalt  }
0x75: {  	_ =	shalt  }
0x76: {  	_ =	shalt  }
0x77: {  	_ =	shalt  }
0x78: {  	_ =	shalt  }
0x79: {  	_ =	shalt  }
0x7a: {  	_ =	shalt  }
0x7b: {  	_ =	shalt  }
0x7c: {  	_ =	shalt  }
0x7d: {  	_ =	shalt  }
0x7e: {  	_ =	shalt  }
0x7f: {  	_ =	shalt  }
0x80: {  	_ =	shalt  }
0x81: {  	_ =	shalt  }
0x82: {  	_ =	shalt  }
0x83: {  	_ =	shalt  }
0x84: {  	_ =	shalt  }
0x85: {  	_ =	shalt  }
0x86: {  	_ =	shalt  }
0x87: {  	_ =	shalt  }
.Lfunc_end0:
.L_simem_size_0:
called_computation.1_lowered:
.L_overlay_start_0:
0x88: {  	s2 =	sld [smem:$0x3FD9]  }
0x89: {  	s3 =	sld [smem:$0x3FFE];
	_ =	sdelay $0x1  }
0x8a: {  	s1 =	srdreg.scid  }
0x8b: {  	s0 =	sand.u32 $0x1, s1  }
0x8c: {  	s17 =	sshll.u32 s0, $0xA;
	s2 =	sadd.s32 s3, s2  }
0x8d: {  	s2 =	sadd.s32 s2, s17  }
0x8e: {  	[smem:$0x3FBD] =	sst s2  }
0x8f: {  	_ = 	snop  }
0x90: {  	s2 =	sld [smem:$0x3FD0];
	(tm) =	ssettm $0x1  }
0x91: {  	s18 =	sld [smem:$0x3FFB];
	_ =	sdelay $0x3  }
0x92: {  	_ =	strace s18  }
0x93: {  	s3 =	sld [smem:$0x3FFC];
	_ =	sdelay $0x3  }
0x94: {  	_ =	strace s3  }
0x95: {  	s3 =	sld [smem:$0x3FFD];
	_ =	sdelay $0x3  }
0x96: {  	_ =	strace s3  }
0x97: {  	_ =	strace $0x8FFFFFFF  }
0x98: {  	s19 =	sld [smem:$0x3FDB];
	_ =	sdelay $0x1  }
0x99: {  	s4 =	simm.s32 $_scs_section_size  }
0x9a: {  	s5 =	simm.s32 $_size__tile_overlayer_lowered;
	s6 =	simm.s32 $_tile_overlayer_lowered  }
0x9b: {  	s22 =	simm.s32 $0x1BFF;
	s21 =	sshll.u32 s6, $0x1;
	s3 =	sadd.s32 s4, s19  }
0x9c: {  	s7 =	simm.s32 $0x0;
	s20 =	sshll.u32 s5, $0x1;
	s5 =	sadd.s32 s21, s3  }
0x9d: {  	[timem:s7], [sflag:s22] =	dma.local [hbm:s5], s20  }
0x9e: {  	_ =	swait.ge [sflag:s22], s20  }
0x9f: {  	s4 =	ssub.s32 $0x0, s20;
	[sflag:s22] =	ssyncset.done $0x0  }
0xa0: {  	[sflag:s22] =	ssyncadd.s32 s4;
	_ =	sdelay $0x1  }
0xa1: {  	s23 =	simm.s32 $0x1B8B  }
0xa2: {  	_ =	swait.ge [sflag:s23], $0x1  }
0xa3: {  	[sflag:s23] =	ssyncset.done $0x0  }
0xa4: {  	s25 =	simm.s32 $0x1B8E;
	s24 =	sld [smem:$0x3FFE];
	[sflag:s23] =	ssyncadd.s32 $0xFFFFFFFF  }
0xa5: {  	s26 =	simm.s32 $execute0_lowered;
	[smem:$0x3FD2] =	sst s25  }
0xa6: {  	s5 =	sshll.u32 s26, $0x1;
	_ =	strace $0x80000049;
	[dreg:$0x1] =	wrdreg $0xFFFFFFFF  }
0xa7: {  	s28 =	simm.s32 $_size_execute0_lowered;
	s3 =	sadd.s32 s3, s5;
	[dreg:$0x0] =	wrdreg $0x0  }
0xa8: {  	s5 =	sshll.u32 s28, $0x1;
	[dreg:$0x2] =	wrdreg s3  }
0xa9: {  	[dreg:$0x3] =	wrdreg s5  }
0xaa: {  	[dreg:$0x4] =	wrdreg $0xC0  }
0xab: {  	_ =	task [dreg:s7], $0x5FFFF  }
0xac: {  	[dreg:$0x1] =	wrdreg $0xFFFFFFFF  }
0xad: {  	[dreg:$0x0] =	wrdreg $0x60  }
0xae: {  	[dreg:$0x2] =	wrdreg s2  }
0xaf: {  	[dreg:$0x3] =	wrdreg s24  }
0xb0: {  	[dreg:$0x4] =	wrdreg $0xA8000  }
0xb1: {  	[dreg:$0x5] =	wrdreg $0x9  }
0xb2: {  	_ =	task.clear_ibuf [dreg:s7], $0x6FFFF;
	_ =	strace $0x90000049  }
0xb3: {  	s29 =	simm.s32 $0x9;
	_ =	strace $0x8000004B  }
0xb4: {  	_ =	swait.ge [sflag:s29], $0x1  }
0xb5: {  	[sflag:s29] =	ssyncadd.s32 $0xFFFFFFFF  }
0xb6: {  	_ =	strace $0x9000004B  }
0xb7: {  	_ =	sfence  }
0xb8: {  	s30 =	sld [smem:$0x0];
	_ =	sdelay $0x2  }
0xb9: {  	s31 =	sshll.u32 s1, $0xD;
	s1 =	sshrl.u32 s1, $0x2  }
0xba: {  	s3 =	sand.u32 $0x4000, s31;
	s1 =	sadd.s32 s1, s30  }
0xbb: {  	s0 =	sor.u32 s3, s0;
	s1 =	sshll.u32 s1, $0x11  }
0xbc: {  	s0 =	sor.u32 s1, s0  }
0xbd: {  	s0 =	sadd.s32 $0x8F2B, s0  }
0xbe: {  	[sflag:s0] =	ssyncadd.remote.s32 $0x1  }
0xbf: {  	_ =	sfence.sel $0xFFFF  }
0xc0: {  	[dreg:$0x0] =	wrdreg $0xFFFFFFFF;
	(pc) =	sbr.abs _section_cstart, $3  }
0xc1: {  	[dreg:$0x1] =	wrdreg $0xFFFFFFFF  }
0xc2: {  	_ =	task.clear_ibuf [dreg:s7], $0x2FFFF;
	_ =	strace $0x9FFFFFFF  }
0xc3: {  	(tm) =	ssettm $0x7FFFFFFF  }
tec
execute0_lowered:
.L_overlay_start_1:
0x0: {  	(tag) =	ssettag $0x1  }
0x1: {  	s2 =	rddreg [dreg:$0x0]  }
0x2: {  	s5 =	rddreg [dreg:$0x1]  }
0x3: {  	s3 =	rddreg [dreg:$0x2]  }
0x4: {  	s0 =	rddreg [dreg:$0x3]  }
0x5: {  	s1 =	stileid.u32;
	s6 =	srdreg.scid;
	s4 =	simm.s32 $0x0  }
0x6: {  	s17 =	simm.s32 $0x1;
	s18 =	simm.s32 $0x80;
	s19 =	simm.s32 $0x2800  }
0x7: {  	s20 =	simm.s32 $0x2;
	s21 =	simm.s32 $0x6800;
	s22 =	simm.s32 $0x3  }
0x8: {  	s28 =	simm.s32 $0x0;
	s7 =	smul.u32 $0x13C00, s1;
	s6 =	sand.u32 $0x1, s6  }
0x9: {  	[smem:$0x7FF] =	sst s4;
	s10 =	sadd.s32 $0xDC00, s5;
	s13 =	smul.u32 $0x4F000, s1  }
0xa: {  	s11 =	sadd.s32 $0x3C00, s5;
	s12 =	sshll.u32 s1, $0x1;
	s8 =	smul.u32 $0x13C000, s6  }
0xb: {  	_ =	strace $0x8000004A;
	s24 =	ssub.s32 $0x2, s6;
	s6 =	sor.u32 s6, s12  }
0xc: {  	s9 =	sshrl.u32 s7, $0x3;
	s25 =	sshrl.u32 s24, $0x1;
	s29 =	smul.u32 $0x2800, s6  }
0xd: {  	s26 =	sshrl.u32 s13, $0x2;
	s12 =	smul.u32 $0x500, s6;
	s7 =	sadd.s32 s7, s8  }
0xe: {  	s23 =	sadd.s32 s9, s5;
	s15 =	ssub.s32 s24, s25;
	s16 =	sadd.s32 s26, s3  }
0xf: {  	s24 =	simm.s32 $0x4;
	s25 =	simm.s32 $0x100;
	s26 =	simm.s32 $0x5  }
0x10: {  	s7 =	sshrl.u32 s7, $0x3;
	s6 =	sadd.s32 $0x17C00, s23;
	s30 =	sshrl.u32 s29, $0x3  }
.Ltmp0:
0x11: {  	s8 =	sadd.s32 s10, s12;
	s9 =	sadd.s32 s11, s12;
	(pc) =	sbr.rel .LBB2_1-.Ltmp0, $4  }
0x12: {  	s13 =	smax.u32 s15, $0x1;
	s15 =	simm.s32 $0x6;
	s23 =	simm.s32 $0x1480  }
0x13: {  	s14 =	sadd.s32 s7, s5;
	s5 =	sshll.u32 s1, $0x6;
	s31 =	sadd.s32 $0x280, s30  }
0x14: {  	s7 =	sor.u32 $0x1C01, s5;
	s10 =	sadd.s32 s10, s31;
	s11 =	sadd.s32 s11, s31  }
0x15: {  	s12 =	sadd.s32 $0x8E400, s14;
	s14 =	sshrl.u32 s16, $0x3;
	s16 =	simm.s32 $0x1400  }
.LBB2_7:
0x16: {  	_ =	swait.ge [sflag:s26], $0x4000  }
0x17: {  	s28 =	sadd.s32 $0x1, s28;
	[sflag:s26] =	ssyncset.done $0x0  }
0x18: {  	p0 =	sne.s32 s28, s13;
	[sflag:s26] =	ssyncadd.s32 $0xFFFFC000  }
.Ltmp1:
0x19: {  	s29 =	sor.u32 $0x1C06, s5;
	[bflag:$0x0] =	sbarrier.arrive $0xFFFF;
	(pc) =	sbr.rel @!p0 .LBB2_8-.Ltmp1, $4  }
0x1a: {  	[hbm:s12], [sflag:s29] =	dma.local [spmem:s14], $0x2780  }
0x1b: {  	_ =	swait.ge [sflag:s15], $0x2780  }
0x1c: {  	[sflag:s15] =	ssyncset.done $0x0  }
0x1d: {  	[sflag:s15] =	ssyncadd.s32 $0xFFFFD880  }
.LBB2_1:
0x1e: {  	[spmem:s14], [sflag:s7] =	dma.local [hbm:s6], $0x2780  }
0x1f: {  	[tilespmem:s4], [sflag:$0x6] =	stream.linear.gather [hbm4b:s8+s4], $0x1400, $0x38;
	[tilespmem:$0x1E400] =	vst v63  }
0x20: {  	_ =	swait.ge [sflag:s15], $0x1400  }
0x21: {  	[sflag:s15] =	ssyncset.done $0x0  }
0x22: {  	[sflag:s15] =	ssyncadd.s32 $0xFFFFEC00  }
0x23: {  	[tilespmem:s16], [sflag:$0x6] =	stream.linear.gather [hbm4b:s9+s4], $0x1400, $0x38;
	[tilespmem:$0x1E400] =	vst v63  }
0x24: {  	_ =	swait.ge [sflag:s15], $0x1400  }
0x25: {  	[sflag:s15] =	ssyncset.done $0x0  }
0x26: {  	[sflag:s15] =	ssyncadd.s32 $0xFFFFEC00  }
0x27: {  	_ =	swait.ge [sflag:s17], $0x2780  }
0x28: {  	[sflag:s17] =	ssyncset.done $0x0  }
0x29: {  	[sflag:s17] =	ssyncadd.s32 $0xFFFFD880  }
0x2a: {  	[bflag:$0x0] =	sbarrier.arrive $0xFFFF  }
0x2b: {  	[tilespmem:s19], [sflag:$0x2] =	stream.indirect.gather [hbm4b:s2+s18], $0x80, s4, s18, $0xb8;
	[tilespmem:$0x1E400] =	vst v63  }
0x2c: {  	_ =	swait.ge [sflag:s20], $0x4000  }
0x2d: {  	[sflag:s20] =	ssyncset.done $0x0  }
0x2e: {  	[sflag:s20] =	ssyncadd.s32 $0xFFFFC000  }
0x2f: {  	[tilespmem:s21], [sflag:$0x3] =	stream.indirect.gather [hbm4b:s2+s18], $0x80, s18, s18, $0xb8;
	[tilespmem:$0x1E400] =	vst v63  }
0x30: {  	_ = 	snop  }
0x31: {  	[spmem:s3] =	stream.indirect.scatter.add.f32 [tilespmem:s19], [sflag:$0x4], $0x80, s16, s18, $0xb8;
	[tilespmem:$0x1E400] =	vst v63  }
0x32: {  	_ =	swait.ge [sflag:s22], $0x4000  }
0x33: {  	[sflag:s22] =	ssyncset.done $0x0  }
0x34: {  	[sflag:s22] =	ssyncadd.s32 $0xFFFFC000  }
0x35: {  	[spmem:s3] =	stream.indirect.scatter.add.f32 [tilespmem:s21], [sflag:$0x5], $0x80, s23, s18, $0xb8;
	[tilespmem:$0x1E400] =	vst v63  }
0x36: {  	_ =	swait.ge [sflag:s24], $0x4000  }
0x37: {  	[sflag:s24] =	ssyncset.done $0x0  }
0x38: {  	s29 =	simm.s32 $0xFFFFB800;
	[sflag:s24] =	ssyncadd.s32 $0xFFFFC000  }
0x39: {  	[tilespmem:s19], [sflag:$0x2] =	stream.indirect.gather [hbm4b:s2+s18], $0x80, s25, s18, $0xb8;
	[tilespmem:$0x1E400] =	vst v63  }
.LBB2_2:
0x3a: {  	_ =	swait.ge [sflag:s20], $0x4000  }
0x3b: {  	[sflag:s20] =	ssyncset.done $0x0  }
0x3c: {  	[sflag:s20] =	ssyncadd.s32 $0xFFFFC000  }
0x3d: {  	_ =	swait.ge [sflag:s26], $0x4000  }
0x3e: {  	s30 =	sshra.s32 s29, $0x2;
	[sflag:s26] =	ssyncset.done $0x0  }
0x3f: {  	s31 =	sadd.s32 $0x1380, s30;
	[sflag:s26] =	ssyncadd.s32 $0xFFFFC000  }
0x40: {  	[tilespmem:s21], [sflag:$0x3] =	stream.indirect.gather [hbm4b:s2+s18], $0x80, s31, s18, $0xb8;
	[tilespmem:$0x1E400] =	vst v63  }
0x41: {  	s31 =	sadd.s32 $0x2700, s30  }
0x42: {  	[spmem:s3] =	stream.indirect.scatter.add.f32 [tilespmem:s19], [sflag:$0x4], $0x80, s31, s18, $0xb8;
	[tilespmem:$0x1E400] =	vst v63  }
0x43: {  	_ =	swait.ge [sflag:s22], $0x4000  }
0x44: {  	p0 =	seq.s32 s29, $0x0;
	[sflag:s22] =	ssyncset.done $0x0  }
.Ltmp2:
0x45: {  	s31 =	sadd.s32 $0x2780, s30;
	[sflag:s22] =	ssyncadd.s32 $0xFFFFC000;
	(pc) =	sbr.rel @p0 .LBB2_4-.Ltmp2, $4  }
0x46: {  	[spmem:s3] =	stream.indirect.scatter.add.f32 [tilespmem:s21], [sflag:$0x5], $0x80, s31, s18, $0xb8;
	[tilespmem:$0x1E400] =	vst v63  }
0x47: {  	_ =	swait.ge [sflag:s24], $0x4000  }
0x48: {  	[sflag:s24] =	ssyncset.done $0x0  }
0x49: {  	[sflag:s24] =	ssyncadd.s32 $0xFFFFC000  }
.Ltmp3:
0x4a: {  	(pc) =	sbr.rel .LBB2_2-.Ltmp3, $3  }
0x4b: {  	_ =	sdelay $0x1  }
0x4c: {  	s30 =	sadd.s32 $0x1400, s30;
	s29 =	sadd.s32 $0x400, s29  }
0x4d: {  	[tilespmem:s19], [sflag:$0x2] =	stream.indirect.gather [hbm4b:s2+s18], $0x80, s30, s18, $0xb8;
	[tilespmem:$0x1E400] =	vst v63  }
.LBB2_4:
0x4e: {  	_ =	swait.ge [sflag:s26], $0x4000  }
0x4f: {  	[sflag:s26] =	ssyncset.done $0x0  }
0x50: {  	[sflag:s26] =	ssyncadd.s32 $0xFFFFC000  }
0x51: {  	[tilespmem:s4], [sflag:$0x6] =	stream.linear.gather [hbm4b:s10+s4], $0x1400, $0x38;
	[tilespmem:$0x1E400] =	vst v63  }
0x52: {  	_ =	swait.ge [sflag:s15], $0x1400  }
0x53: {  	[sflag:s15] =	ssyncset.done $0x0  }
0x54: {  	[sflag:s15] =	ssyncadd.s32 $0xFFFFEC00  }
0x55: {  	[tilespmem:s16], [sflag:$0x6] =	stream.linear.gather [hbm4b:s11+s4], $0x1400, $0x38;
	[tilespmem:$0x1E400] =	vst v63  }
0x56: {  	_ =	swait.ge [sflag:s15], $0x1400  }
0x57: {  	[sflag:s15] =	ssyncset.done $0x0  }
0x58: {  	[sflag:s15] =	ssyncadd.s32 $0xFFFFEC00  }
0x59: {  	[tilespmem:s19], [sflag:$0x2] =	stream.indirect.gather [hbm4b:s2+s18], $0x80, s4, s18, $0xb8;
	[tilespmem:$0x1E400] =	vst v63  }
0x5a: {  	_ =	swait.ge [sflag:s20], $0x4000  }
0x5b: {  	[sflag:s20] =	ssyncset.done $0x0  }
0x5c: {  	[sflag:s20] =	ssyncadd.s32 $0xFFFFC000  }
0x5d: {  	[tilespmem:s21], [sflag:$0x3] =	stream.indirect.gather [hbm4b:s2+s18], $0x80, s18, s18, $0xb8;
	[tilespmem:$0x1E400] =	vst v63  }
0x5e: {  	_ = 	snop  }
0x5f: {  	[spmem:s3] =	stream.indirect.scatter.add.f32 [tilespmem:s19], [sflag:$0x4], $0x80, s16, s18, $0xb8;
	[tilespmem:$0x1E400] =	vst v63  }
0x60: {  	_ =	swait.ge [sflag:s22], $0x4000  }
0x61: {  	[sflag:s22] =	ssyncset.done $0x0  }
0x62: {  	[sflag:s22] =	ssyncadd.s32 $0xFFFFC000  }
0x63: {  	[spmem:s3] =	stream.indirect.scatter.add.f32 [tilespmem:s21], [sflag:$0x5], $0x80, s23, s18, $0xb8;
	[tilespmem:$0x1E400] =	vst v63  }
0x64: {  	_ =	swait.ge [sflag:s24], $0x4000  }
0x65: {  	[sflag:s24] =	ssyncset.done $0x0  }
0x66: {  	s29 =	simm.s32 $0xFFFFB800;
	[sflag:s24] =	ssyncadd.s32 $0xFFFFC000  }
0x67: {  	[tilespmem:s19], [sflag:$0x2] =	stream.indirect.gather [hbm4b:s2+s18], $0x80, s25, s18, $0xb8;
	[tilespmem:$0x1E400] =	vst v63  }
.LBB2_5:
0x68: {  	_ =	swait.ge [sflag:s20], $0x4000  }
0x69: {  	[sflag:s20] =	ssyncset.done $0x0  }
0x6a: {  	[sflag:s20] =	ssyncadd.s32 $0xFFFFC000  }
0x6b: {  	_ =	swait.ge [sflag:s26], $0x4000  }
0x6c: {  	s30 =	sshra.s32 s29, $0x2;
	[sflag:s26] =	ssyncset.done $0x0  }
0x6d: {  	s31 =	sadd.s32 $0x1380, s30;
	[sflag:s26] =	ssyncadd.s32 $0xFFFFC000  }
0x6e: {  	[tilespmem:s21], [sflag:$0x3] =	stream.indirect.gather [hbm4b:s2+s18], $0x80, s31, s18, $0xb8;
	[tilespmem:$0x1E400] =	vst v63  }
0x6f: {  	s31 =	sadd.s32 $0x2700, s30  }
0x70: {  	[spmem:s3] =	stream.indirect.scatter.add.f32 [tilespmem:s19], [sflag:$0x4], $0x80, s31, s18, $0xb8;
	[tilespmem:$0x1E400] =	vst v63  }
0x71: {  	_ =	swait.ge [sflag:s22], $0x4000  }
0x72: {  	p0 =	seq.s32 s29, $0x0;
	[sflag:s22] =	ssyncset.done $0x0  }
.Ltmp4:
0x73: {  	s31 =	sadd.s32 $0x2780, s30;
	[sflag:s22] =	ssyncadd.s32 $0xFFFFC000;
	(pc) =	sbr.rel @p0 .LBB2_7-.Ltmp4, $4  }
0x74: {  	[spmem:s3] =	stream.indirect.scatter.add.f32 [tilespmem:s21], [sflag:$0x5], $0x80, s31, s18, $0xb8;
	[tilespmem:$0x1E400] =	vst v63  }
0x75: {  	_ =	swait.ge [sflag:s24], $0x4000  }
0x76: {  	[sflag:s24] =	ssyncset.done $0x0  }
0x77: {  	[sflag:s24] =	ssyncadd.s32 $0xFFFFC000  }
.Ltmp5:
0x78: {  	(pc) =	sbr.rel .LBB2_5-.Ltmp5, $3  }
0x79: {  	_ =	sdelay $0x1  }
0x7a: {  	s30 =	sadd.s32 $0x1400, s30;
	s29 =	sadd.s32 $0x400, s29  }
0x7b: {  	[tilespmem:s19], [sflag:$0x2] =	stream.indirect.gather [hbm4b:s2+s18], $0x80, s30, s18, $0xb8;
	[tilespmem:$0x1E400] =	vst v63  }
.LBB2_8:
0x7c: {  	_ =	sfence.sel $0x180000  }
0x7d: {  	[bflag:$0x0] =	sbarrier.arrive $0xFFFF  }
0x7e: {  	p0 =	sne.s32 s1, $0x0;
	_ =	strace $0x9000004A  }
0x7f: {  	s0 =	sadd.s32 @!p0 $0x100000, s0;
	[bflag:$0x2] =	sbarrier.arrive $0xFFFF  }
0x80: {  	[sflag:s0] =	ssyncadd.tile.s32 @!p0 $0x1;
	_ =	shalt  }
.Lfunc_end2:
_tile_overlayer_lowered:
.L_overlay_start_2:
0x81: {  	(tag) =	ssettag $0x2  }
0x82: {  	s0 =	rddreg [dreg:$0x0];
	s2 =	stileid.u32  }
0x83: {  	s1 =	rddreg [dreg:$0x1];
	p0 =	sne.s32 s2, $0x0  }
0x84: {  	s3 =	rddreg [dreg:$0x2];
	[bflag:$0x3] =	sbarrier.arrive $0xFFFF;
	s2 =	simm.s32 @!p0 $0x1C06  }
0x85: {  	[timem:s3], [sflag:s2] =	dma.local @!p0 [hbm:s0], s1  }
0x86: {  	s0 =	simm.s32 @!p0 $0x6  }
0x87: {  	_ =	swait.ge @!p0 [sflag:s0], s1  }
0x88: {  	s1 =	ssub.s32 @!p0 $0x0, s1;
	[sflag:s0] =	ssyncset.done @!p0 $0x0  }
0x89: {  	[sflag:s0] =	ssyncadd.s32 @!p0 s1  }
0x8a: {  	[bflag:$0x3] =	sbarrier.arrive $0xFFFF  }
0x8b: {  	_ =	shalt  }

// kernel: kernel.19.cloned.1.call-start
scs
__scs_entry_jumppad:
0x0: {  	(pc) =	sbr.rel $0x88, $3  }
0x1: {  	(tag) =	ssettag $0x0;
	lr =	simm.s32 $0x1  }
0x2: {  	[smem:$0x3F96] =	sst lr;
	_ =	strace $0xD0000000  }
0x3: {  	_ = 	snop  }
0x4: {  	_ = 	snop  }
0x5: {  	_ = 	snop  }
0x6: {  	_ = 	snop  }
0x7: {  	_ = 	snop  }
__scs_overlays_trampoline_lowered:
0x8: {  	[smem:$0x3FA5] =	sst s0  }
0x9: {  	[smem:$0x3FA6] =	sst s1  }
0xa: {  	[smem:$0x3FA7] =	sst s2  }
0xb: {  	[smem:$0x3FA8] =	sst s3  }
0xc: {  	[smem:$0x3FA9] =	sst s4  }
0xd: {  	[smem:$0x3FAA] =	sst s5  }
0xe: {  	[smem:$0x3FAB] =	sst s6  }
0xf: {  	[smem:$0x3FAC] =	sst s7  }
0x10: {  	[smem:$0x3FAD] =	sst s8  }
0x11: {  	[smem:$0x3FAE] =	sst s9;
	s0 =	simm.s32 @!p0 $0x0  }
0x12: {  	s1 =	sld [smem:$0x3F94];
	s0 =	simm.s32 @p0 $0x1  }
0x13: {  	[smem:$0x3FAF] =	sst s0;
	s0 =	simm.s32 @!p1 $0x0  }
0x14: {  	s2 =	sld [smem:$0x3F93];
	s0 =	simm.s32 @p1 $0x1  }
0x15: {  	[smem:$0x3FB0] =	sst s0;
	s0 =	simm.s32 @!p2 $0x0  }
0x16: {  	s3 =	sld [smem:$0x3FDB];
	s0 =	simm.s32 @p2 $0x1  }
0x17: {  	s4 =	simm.s32 $0x1BF5;
	[smem:$0x3FB2] =	sst s0  }
0x18: {  	s0 =	sld [smem:$0x3F95];
	_ =	swait.ge [sflag:s4], $0x0  }
0x19: {  	s7 =	sld [smem:$0x3F96]  }
0x1a: {  	s8 =	sadd.s32 $0xFFFFE003, lr  }
0x1b: {  	s9 =	sadd.s32 $0xFFFFFEF7, lr;
	s5 =	simm.s32 $0xFFFFFFFF;
	p2 =	slt.u32 s8, $0xFFFFF086  }
0x1c: {  	p1 =	slt.u32 s9, $0xF7A;
	s5 =	simm.s32 @!p2 $0x0  }
0x1d: {  	s5 =	simm.s32 @p1 $0x1;
	p0 =	seq.s32 s7, s2  }
0x1e: {  	s7 =	smul.u32 @!p0 $0xF7A, s2;
	p2 =	seq.s32 @!p0 s5, $0x0  }
0x1f: {  	s9 =	smul.u32 $0xF7A, s1;
	s8 =	simm.s32 @!p0 $0x1BF5;
	p2 =	por !p2, p0  }
0x20: {  	[sflag:s8] =	ssyncset.s32 @!p0 $0xFFFFF086;
	s6 =	sadd.s32 @!p0 s3, s7;
	s7 =	simm.s32 @!p0 $0x108  }
0x21: {  	s3 =	sadd.s32 s3, s9;
	s6 =	sadd.s32 @!p0 $0x88, s6;
	s7 =	simm.s32 @p2 $0x1082  }
0x22: {  	[simem:s7], [sflag:s8] =	dma.local @!p0 [hbm:s6], $0xF7A  }
0x23: {  	s9 =	sor.u32 $0xD0000000, s2;
	s6 =	simm.s32 $0x108;
	_ =	swait.ge @!p0 [sflag:s8], $0x0  }
0x24: {  	s3 =	sadd.s32 $0x88, s3;
	s6 =	simm.s32 @!p1 $0x1082;
	[sflag:s4] =	ssyncset.s32 $0xFFFFF086  }
0x25: {  	[simem:s6], [sflag:s4] =	dma.local [hbm:s3], $0xF7A  }
0x26: {  	[smem:$0x3F96] =	sst s1;
	(tag) =	ssettag s2;
	_ =	strace s9  }
0x27: {  	s1 =	sld [smem:$0x3FA6]  }
0x28: {  	s2 =	sld [smem:$0x3FA7]  }
0x29: {  	s4 =	sld [smem:$0x3FA9]  }
0x2a: {  	p0 =	seq.s32 s5, $0x0;
	s5 =	sld [smem:$0x3FAA]  }
0x2b: {  	s6 =	sld [smem:$0x3FAB]  }
0x2c: {  	s7 =	sld [smem:$0x3FAC]  }
0x2d: {  	s3 =	simm.s32 $0x108;
	s8 =	sld [smem:$0x3FAD]  }
0x2e: {  	s3 =	simm.s32 @!p0 $0x1082;
	s9 =	sld [smem:$0x3FAE]  }
0x2f: {  	lr =	sadd.s32 s0, s3;
	s0 =	sld [smem:$0x3FA5]  }
0x30: {  	s3 =	sld [smem:$0x3FA8]  }
0x31: {  	[smem:$0x3FB1] =	sst s10  }
0x32: {  	s10 =	sld [smem:$0x3FAF];
	_ =	sdelay $0x3  }
0x33: {  	p0 =	seq.s32 s10, $0x1;
	s10 =	sld [smem:$0x3FB1];
	_ =	sdelay $0x3  }
0x34: {  	[smem:$0x3FB1] =	sst s10  }
0x35: {  	s10 =	sld [smem:$0x3FB0];
	_ =	sdelay $0x3  }
0x36: {  	p1 =	seq.s32 s10, $0x1;
	s10 =	sld [smem:$0x3FB1];
	_ =	sdelay $0x3  }
0x37: {  	[smem:$0x3FB1] =	sst s10  }
0x38: {  	s10 =	sld [smem:$0x3FB2]  }
0x39: {  	_ = 	snop;
	(pc) =	sbr.ind lr, $3  }
0x3a: {  	_ = 	snop  }
0x3b: {  	_ = 	snop  }
0x3c: {  	p2 =	seq.s32 s10, $0x1;
	s10 =	sld [smem:$0x3FB1]  }
0x3d: {  	_ =	shalt  }
0x3e: {  	_ =	shalt  }
0x3f: {  	_ =	shalt  }
0x40: {  	_ =	shalt  }
0x41: {  	_ =	shalt  }
0x42: {  	_ =	shalt  }
0x43: {  	_ =	shalt  }
0x44: {  	_ =	shalt  }
0x45: {  	_ =	shalt  }
0x46: {  	_ =	shalt  }
0x47: {  	_ =	shalt  }
0x48: {  	_ =	shalt  }
0x49: {  	_ =	shalt  }
0x4a: {  	_ =	shalt  }
0x4b: {  	_ =	shalt  }
0x4c: {  	_ =	shalt  }
0x4d: {  	_ =	shalt  }
0x4e: {  	_ =	shalt  }
0x4f: {  	_ =	shalt  }
0x50: {  	_ =	shalt  }
0x51: {  	_ =	shalt  }
0x52: {  	_ =	shalt  }
0x53: {  	_ =	shalt  }
0x54: {  	_ =	shalt  }
0x55: {  	_ =	shalt  }
0x56: {  	_ =	shalt  }
0x57: {  	_ =	shalt  }
0x58: {  	_ =	shalt  }
0x59: {  	_ =	shalt  }
0x5a: {  	_ =	shalt  }
0x5b: {  	_ =	shalt  }
0x5c: {  	_ =	shalt  }
0x5d: {  	_ =	shalt  }
0x5e: {  	_ =	shalt  }
0x5f: {  	_ =	shalt  }
0x60: {  	_ =	shalt  }
0x61: {  	_ =	shalt  }
0x62: {  	_ =	shalt  }
0x63: {  	_ =	shalt  }
0x64: {  	_ =	shalt  }
0x65: {  	_ =	shalt  }
0x66: {  	_ =	shalt  }
0x67: {  	_ =	shalt  }
0x68: {  	_ =	shalt  }
0x69: {  	_ =	shalt  }
0x6a: {  	_ =	shalt  }
0x6b: {  	_ =	shalt  }
0x6c: {  	_ =	shalt  }
0x6d: {  	_ =	shalt  }
0x6e: {  	_ =	shalt  }
0x6f: {  	_ =	shalt  }
0x70: {  	_ =	shalt  }
0x71: {  	_ =	shalt  }
0x72: {  	_ =	shalt  }
0x73: {  	_ =	shalt  }
0x74: {  	_ =	shalt  }
0x75: {  	_ =	shalt  }
0x76: {  	_ =	shalt  }
0x77: {  	_ =	shalt  }
0x78: {  	_ =	shalt  }
0x79: {  	_ =	shalt  }
0x7a: {  	_ =	shalt  }
0x7b: {  	_ =	shalt  }
0x7c: {  	_ =	shalt  }
0x7d: {  	_ =	shalt  }
0x7e: {  	_ =	shalt  }
0x7f: {  	_ =	shalt  }
0x80: {  	_ =	shalt  }
0x81: {  	_ =	shalt  }
0x82: {  	_ =	shalt  }
0x83: {  	_ =	shalt  }
0x84: {  	_ =	shalt  }
0x85: {  	_ =	shalt  }
0x86: {  	_ =	shalt  }
0x87: {  	_ =	shalt  }
.Lfunc_end0:
.L_simem_size_0:
called_computation.2_lowered:
.L_overlay_start_0:
0x88: {  	s2 =	sld [smem:$0x3FD9]  }
0x89: {  	s3 =	sld [smem:$0x3FFE];
	_ =	sdelay $0x1  }
0x8a: {  	s1 =	srdreg.scid  }
0x8b: {  	s0 =	sand.u32 $0x1, s1  }
0x8c: {  	s17 =	sshll.u32 s0, $0xA;
	s2 =	sadd.s32 s3, s2  }
0x8d: {  	s2 =	sadd.s32 s2, s17  }
0x8e: {  	[smem:$0x3FBD] =	sst s2  }
0x8f: {  	_ = 	snop  }
0x90: {  	s2 =	sld [smem:$0x3FD0];
	(tm) =	ssettm $0x1  }
0x91: {  	s18 =	sld [smem:$0x3FFB];
	_ =	sdelay $0x3  }
0x92: {  	_ =	strace s18  }
0x93: {  	s3 =	sld [smem:$0x3FFC];
	_ =	sdelay $0x3  }
0x94: {  	_ =	strace s3  }
0x95: {  	s3 =	sld [smem:$0x3FFD];
	_ =	sdelay $0x3  }
0x96: {  	_ =	strace s3  }
0x97: {  	_ =	strace $0x8FFFFFFF  }
0x98: {  	s19 =	sld [smem:$0x3FDB];
	_ =	sdelay $0x1  }
0x99: {  	s4 =	simm.s32 $_scs_section_size  }
0x9a: {  	s5 =	simm.s32 $_size__tile_overlayer_lowered;
	s6 =	simm.s32 $_tile_overlayer_lowered  }
0x9b: {  	s22 =	simm.s32 $0x1BFF;
	s21 =	sshll.u32 s6, $0x1;
	s3 =	sadd.s32 s4, s19  }
0x9c: {  	s7 =	simm.s32 $0x0;
	s20 =	sshll.u32 s5, $0x1;
	s5 =	sadd.s32 s21, s3  }
0x9d: {  	[timem:s7], [sflag:s22] =	dma.local [hbm:s5], s20  }
0x9e: {  	_ =	swait.ge [sflag:s22], s20  }
0x9f: {  	s4 =	ssub.s32 $0x0, s20;
	[sflag:s22] =	ssyncset.done $0x0  }
0xa0: {  	[sflag:s22] =	ssyncadd.s32 s4;
	_ =	sdelay $0x1  }
0xa1: {  	s23 =	simm.s32 $0x1B8B  }
0xa2: {  	_ =	swait.ge [sflag:s23], $0x1  }
0xa3: {  	[sflag:s23] =	ssyncset.done $0x0  }
0xa4: {  	s25 =	simm.s32 $0x1B8E;
	s24 =	sld [smem:$0x3FFE];
	[sflag:s23] =	ssyncadd.s32 $0xFFFFFFFF  }
0xa5: {  	s26 =	simm.s32 $execute0_lowered;
	[smem:$0x3FD2] =	sst s25  }
0xa6: {  	s5 =	sshll.u32 s26, $0x1;
	_ =	strace $0x8000004C;
	[dreg:$0x1] =	wrdreg $0xFFFFFFFF  }
0xa7: {  	s28 =	simm.s32 $_size_execute0_lowered;
	s3 =	sadd.s32 s3, s5;
	[dreg:$0x0] =	wrdreg $0x0  }
0xa8: {  	s5 =	sshll.u32 s28, $0x1;
	[dreg:$0x2] =	wrdreg s3  }
0xa9: {  	[dreg:$0x3] =	wrdreg s5  }
0xaa: {  	[dreg:$0x4] =	wrdreg $0xC0  }
0xab: {  	_ =	task [dreg:s7], $0x5FFFF  }
0xac: {  	[dreg:$0x1] =	wrdreg $0xFFFFFFFF  }
0xad: {  	[dreg:$0x0] =	wrdreg $0x60  }
0xae: {  	[dreg:$0x2] =	wrdreg s2  }
0xaf: {  	[dreg:$0x3] =	wrdreg s24  }
0xb0: {  	[dreg:$0x4] =	wrdreg $0xA8000  }
0xb1: {  	[dreg:$0x5] =	wrdreg $0x9  }
0xb2: {  	_ =	task.clear_ibuf [dreg:s7], $0x6FFFF;
	_ =	strace $0x9000004C  }
0xb3: {  	s29 =	simm.s32 $0x9;
	_ =	strace $0x8000004E  }
0xb4: {  	_ =	swait.ge [sflag:s29], $0x1  }
0xb5: {  	[sflag:s29] =	ssyncadd.s32 $0xFFFFFFFF  }
0xb6: {  	_ =	strace $0x9000004E  }
0xb7: {  	_ =	sfence  }
0xb8: {  	s30 =	sld [smem:$0x0];
	_ =	sdelay $0x2  }
0xb9: {  	s31 =	sshll.u32 s1, $0xD;
	s1 =	sshrl.u32 s1, $0x2  }
0xba: {  	s3 =	sand.u32 $0x4000, s31;
	s1 =	sadd.s32 s1, s30  }
0xbb: {  	s0 =	sor.u32 s3, s0;
	s1 =	sshll.u32 s1, $0x11  }
0xbc: {  	s0 =	sor.u32 s1, s0  }
0xbd: {  	s0 =	sadd.s32 $0x8F2B, s0  }
0xbe: {  	[sflag:s0] =	ssyncadd.remote.s32 $0x1  }
0xbf: {  	_ =	sfence.sel $0xFFFF  }
0xc0: {  	[dreg:$0x0] =	wrdreg $0xFFFFFFFF;
	(pc) =	sbr.abs _section_cstart, $3  }
0xc1: {  	[dreg:$0x1] =	wrdreg $0xFFFFFFFF  }
0xc2: {  	_ =	task.clear_ibuf [dreg:s7], $0x2FFFF;
	_ =	strace $0x9FFFFFFF  }
0xc3: {  	(tm) =	ssettm $0x7FFFFFFF  }
tec
execute0_lowered:
.L_overlay_start_1:
0x0: {  	(tag) =	ssettag $0x1  }
0x1: {  	s2 =	rddreg [dreg:$0x0]  }
0x2: {  	s5 =	rddreg [dreg:$0x1]  }
0x3: {  	s3 =	rddreg [dreg:$0x2]  }
0x4: {  	s0 =	rddreg [dreg:$0x3]  }
0x5: {  	s1 =	stileid.u32;
	s6 =	srdreg.scid;
	s4 =	simm.s32 $0x0  }
0x6: {  	s17 =	simm.s32 $0x1;
	s18 =	simm.s32 $0x80;
	s19 =	simm.s32 $0x2800  }
0x7: {  	s20 =	simm.s32 $0x2;
	s21 =	simm.s32 $0x6800;
	s22 =	simm.s32 $0x3  }
0x8: {  	s28 =	simm.s32 $0x0;
	s7 =	smul.u32 $0x13C00, s1;
	s6 =	sand.u32 $0x1, s6  }
0x9: {  	[smem:$0x7FF] =	sst s4;
	s10 =	sadd.s32 $0xDC00, s5;
	s13 =	smul.u32 $0x4F000, s1  }
0xa: {  	s11 =	sadd.s32 $0x3C00, s5;
	s12 =	sshll.u32 s1, $0x1;
	s8 =	smul.u32 $0x13C000, s6  }
0xb: {  	_ =	strace $0x8000004D;
	s24 =	ssub.s32 $0x2, s6;
	s6 =	sor.u32 s6, s12  }
0xc: {  	s9 =	sshrl.u32 s7, $0x3;
	s25 =	sshrl.u32 s24, $0x1;
	s29 =	smul.u32 $0x2800, s6  }
0xd: {  	s26 =	sshrl.u32 s13, $0x2;
	s12 =	smul.u32 $0x500, s6;
	s7 =	sadd.s32 s7, s8  }
0xe: {  	s23 =	sadd.s32 s9, s5;
	s15 =	ssub.s32 s24, s25;
	s16 =	sadd.s32 s26, s3  }
0xf: {  	s24 =	simm.s32 $0x4;
	s25 =	simm.s32 $0x100;
	s26 =	simm.s32 $0x5  }
0x10: {  	s7 =	sshrl.u32 s7, $0x3;
	s6 =	sadd.s32 $0x17C00, s23;
	s30 =	sshrl.u32 s29, $0x3  }
.Ltmp0:
0x11: {  	s8 =	sadd.s32 s10, s12;
	s9 =	sadd.s32 s11, s12;
	(pc) =	sbr.rel .LBB2_1-.Ltmp0, $4  }
0x12: {  	s13 =	smax.u32 s15, $0x1;
	s15 =	simm.s32 $0x6;
	s23 =	simm.s32 $0x1480  }
0x13: {  	s14 =	sadd.s32 s7, s5;
	s5 =	sshll.u32 s1, $0x6;
	s31 =	sadd.s32 $0x280, s30  }
0x14: {  	s7 =	sor.u32 $0x1C01, s5;
	s10 =	sadd.s32 s10, s31;
	s11 =	sadd.s32 s11, s31  }
0x15: {  	s12 =	sadd.s32 $0x3F400, s14;
	s14 =	sshrl.u32 s16, $0x3;
	s16 =	simm.s32 $0x1400  }
.LBB2_7:
0x16: {  	_ =	swait.ge [sflag:s26], $0x4000  }
0x17: {  	s28 =	sadd.s32 $0x1, s28;
	[sflag:s26] =	ssyncset.done $0x0  }
0x18: {  	p0 =	sne.s32 s28, s13;
	[sflag:s26] =	ssyncadd.s32 $0xFFFFC000  }
.Ltmp1:
0x19: {  	s29 =	sor.u32 $0x1C06, s5;
	[bflag:$0x0] =	sbarrier.arrive $0xFFFF;
	(pc) =	sbr.rel @!p0 .LBB2_8-.Ltmp1, $4  }
0x1a: {  	[hbm:s12], [sflag:s29] =	dma.local [spmem:s14], $0x2780  }
0x1b: {  	_ =	swait.ge [sflag:s15], $0x2780  }
0x1c: {  	[sflag:s15] =	ssyncset.done $0x0  }
0x1d: {  	[sflag:s15] =	ssyncadd.s32 $0xFFFFD880  }
.LBB2_1:
0x1e: {  	[spmem:s14], [sflag:s7] =	dma.local [hbm:s6], $0x2780  }
0x1f: {  	[tilespmem:s4], [sflag:$0x6] =	stream.linear.gather [hbm4b:s8+s4], $0x1400, $0x38;
	[tilespmem:$0x1E400] =	vst v63  }
0x20: {  	_ =	swait.ge [sflag:s15], $0x1400  }
0x21: {  	[sflag:s15] =	ssyncset.done $0x0  }
0x22: {  	[sflag:s15] =	ssyncadd.s32 $0xFFFFEC00  }
0x23: {  	[tilespmem:s16], [sflag:$0x6] =	stream.linear.gather [hbm4b:s9+s4], $0x1400, $0x38;
	[tilespmem:$0x1E400] =	vst v63  }
0x24: {  	_ =	swait.ge [sflag:s15], $0x1400  }
0x25: {  	[sflag:s15] =	ssyncset.done $0x0  }
0x26: {  	[sflag:s15] =	ssyncadd.s32 $0xFFFFEC00  }
0x27: {  	_ =	swait.ge [sflag:s17], $0x2780  }
0x28: {  	[sflag:s17] =	ssyncset.done $0x0  }
0x29: {  	[sflag:s17] =	ssyncadd.s32 $0xFFFFD880  }
0x2a: {  	[bflag:$0x0] =	sbarrier.arrive $0xFFFF  }
0x2b: {  	[tilespmem:s19], [sflag:$0x2] =	stream.indirect.gather [hbm4b:s2+s18], $0x80, s4, s18, $0xb8;
	[tilespmem:$0x1E400] =	vst v63  }
0x2c: {  	_ =	swait.ge [sflag:s20], $0x4000  }
0x2d: {  	[sflag:s20] =	ssyncset.done $0x0  }
0x2e: {  	[sflag:s20] =	ssyncadd.s32 $0xFFFFC000  }
0x2f: {  	[tilespmem:s21], [sflag:$0x3] =	stream.indirect.gather [hbm4b:s2+s18], $0x80, s18, s18, $0xb8;
	[tilespmem:$0x1E400] =	vst v63  }
0x30: {  	_ = 	snop  }
0x31: {  	[spmem:s3] =	stream.indirect.scatter.add.f32 [tilespmem:s19], [sflag:$0x4], $0x80, s16, s18, $0xb8;
	[tilespmem:$0x1E400] =	vst v63  }
0x32: {  	_ =	swait.ge [sflag:s22], $0x4000  }
0x33: {  	[sflag:s22] =	ssyncset.done $0x0  }
0x34: {  	[sflag:s22] =	ssyncadd.s32 $0xFFFFC000  }
0x35: {  	[spmem:s3] =	stream.indirect.scatter.add.f32 [tilespmem:s21], [sflag:$0x5], $0x80, s23, s18, $0xb8;
	[tilespmem:$0x1E400] =	vst v63  }
0x36: {  	_ =	swait.ge [sflag:s24], $0x4000  }
0x37: {  	[sflag:s24] =	ssyncset.done $0x0  }
0x38: {  	s29 =	simm.s32 $0xFFFFB800;
	[sflag:s24] =	ssyncadd.s32 $0xFFFFC000  }
0x39: {  	[tilespmem:s19], [sflag:$0x2] =	stream.indirect.gather [hbm4b:s2+s18], $0x80, s25, s18, $0xb8;
	[tilespmem:$0x1E400] =	vst v63  }
.LBB2_2:
0x3a: {  	_ =	swait.ge [sflag:s20], $0x4000  }
0x3b: {  	[sflag:s20] =	ssyncset.done $0x0  }
0x3c: {  	[sflag:s20] =	ssyncadd.s32 $0xFFFFC000  }
0x3d: {  	_ =	swait.ge [sflag:s26], $0x4000  }
0x3e: {  	s30 =	sshra.s32 s29, $0x2;
	[sflag:s26] =	ssyncset.done $0x0  }
0x3f: {  	s31 =	sadd.s32 $0x1380, s30;
	[sflag:s26] =	ssyncadd.s32 $0xFFFFC000  }
0x40: {  	[tilespmem:s21], [sflag:$0x3] =	stream.indirect.gather [hbm4b:s2+s18], $0x80, s31, s18, $0xb8;
	[tilespmem:$0x1E400] =	vst v63  }
0x41: {  	s31 =	sadd.s32 $0x2700, s30  }
0x42: {  	[spmem:s3] =	stream.indirect.scatter.add.f32 [tilespmem:s19], [sflag:$0x4], $0x80, s31, s18, $0xb8;
	[tilespmem:$0x1E400] =	vst v63  }
0x43: {  	_ =	swait.ge [sflag:s22], $0x4000  }
0x44: {  	p0 =	seq.s32 s29, $0x0;
	[sflag:s22] =	ssyncset.done $0x0  }
.Ltmp2:
0x45: {  	s31 =	sadd.s32 $0x2780, s30;
	[sflag:s22] =	ssyncadd.s32 $0xFFFFC000;
	(pc) =	sbr.rel @p0 .LBB2_4-.Ltmp2, $4  }
0x46: {  	[spmem:s3] =	stream.indirect.scatter.add.f32 [tilespmem:s21], [sflag:$0x5], $0x80, s31, s18, $0xb8;
	[tilespmem:$0x1E400] =	vst v63  }
0x47: {  	_ =	swait.ge [sflag:s24], $0x4000  }
0x48: {  	[sflag:s24] =	ssyncset.done $0x0  }
0x49: {  	[sflag:s24] =	ssyncadd.s32 $0xFFFFC000  }
.Ltmp3:
0x4a: {  	(pc) =	sbr.rel .LBB2_2-.Ltmp3, $3  }
0x4b: {  	_ =	sdelay $0x1  }
0x4c: {  	s30 =	sadd.s32 $0x1400, s30;
	s29 =	sadd.s32 $0x400, s29  }
0x4d: {  	[tilespmem:s19], [sflag:$0x2] =	stream.indirect.gather [hbm4b:s2+s18], $0x80, s30, s18, $0xb8;
	[tilespmem:$0x1E400] =	vst v63  }
.LBB2_4:
0x4e: {  	_ =	swait.ge [sflag:s26], $0x4000  }
0x4f: {  	[sflag:s26] =	ssyncset.done $0x0  }
0x50: {  	[sflag:s26] =	ssyncadd.s32 $0xFFFFC000  }
0x51: {  	[tilespmem:s4], [sflag:$0x6] =	stream.linear.gather [hbm4b:s10+s4], $0x1400, $0x38;
	[tilespmem:$0x1E400] =	vst v63  }
0x52: {  	_ =	swait.ge [sflag:s15], $0x1400  }
0x53: {  	[sflag:s15] =	ssyncset.done $0x0  }
0x54: {  	[sflag:s15] =	ssyncadd.s32 $0xFFFFEC00  }
0x55: {  	[tilespmem:s16], [sflag:$0x6] =	stream.linear.gather [hbm4b:s11+s4], $0x1400, $0x38;
	[tilespmem:$0x1E400] =	vst v63  }
0x56: {  	_ =	swait.ge [sflag:s15], $0x1400  }
0x57: {  	[sflag:s15] =	ssyncset.done $0x0  }
0x58: {  	[sflag:s15] =	ssyncadd.s32 $0xFFFFEC00  }
0x59: {  	[tilespmem:s19], [sflag:$0x2] =	stream.indirect.gather [hbm4b:s2+s18], $0x80, s4, s18, $0xb8;
	[tilespmem:$0x1E400] =	vst v63  }
0x5a: {  	_ =	swait.ge [sflag:s20], $0x4000  }
0x5b: {  	[sflag:s20] =	ssyncset.done $0x0  }
0x5c: {  	[sflag:s20] =	ssyncadd.s32 $0xFFFFC000  }
0x5d: {  	[tilespmem:s21], [sflag:$0x3] =	stream.indirect.gather [hbm4b:s2+s18], $0x80, s18, s18, $0xb8;
	[tilespmem:$0x1E400] =	vst v63  }
0x5e: {  	_ = 	snop  }
0x5f: {  	[spmem:s3] =	stream.indirect.scatter.add.f32 [tilespmem:s19], [sflag:$0x4], $0x80, s16, s18, $0xb8;
	[tilespmem:$0x1E400] =	vst v63  }
0x60: {  	_ =	swait.ge [sflag:s22], $0x4000  }
0x61: {  	[sflag:s22] =	ssyncset.done $0x0  }
0x62: {  	[sflag:s22] =	ssyncadd.s32 $0xFFFFC000  }
0x63: {  	[spmem:s3] =	stream.indirect.scatter.add.f32 [tilespmem:s21], [sflag:$0x5], $0x80, s23, s18, $0xb8;
	[tilespmem:$0x1E400] =	vst v63  }
0x64: {  	_ =	swait.ge [sflag:s24], $0x4000  }
0x65: {  	[sflag:s24] =	ssyncset.done $0x0  }
0x66: {  	s29 =	simm.s32 $0xFFFFB800;
	[sflag:s24] =	ssyncadd.s32 $0xFFFFC000  }
0x67: {  	[tilespmem:s19], [sflag:$0x2] =	stream.indirect.gather [hbm4b:s2+s18], $0x80, s25, s18, $0xb8;
	[tilespmem:$0x1E400] =	vst v63  }
.LBB2_5:
0x68: {  	_ =	swait.ge [sflag:s20], $0x4000  }
0x69: {  	[sflag:s20] =	ssyncset.done $0x0  }
0x6a: {  	[sflag:s20] =	ssyncadd.s32 $0xFFFFC000  }
0x6b: {  	_ =	swait.ge [sflag:s26], $0x4000  }
0x6c: {  	s30 =	sshra.s32 s29, $0x2;
	[sflag:s26] =	ssyncset.done $0x0  }
0x6d: {  	s31 =	sadd.s32 $0x1380, s30;
	[sflag:s26] =	ssyncadd.s32 $0xFFFFC000  }
0x6e: {  	[tilespmem:s21], [sflag:$0x3] =	stream.indirect.gather [hbm4b:s2+s18], $0x80, s31, s18, $0xb8;
	[tilespmem:$0x1E400] =	vst v63  }
0x6f: {  	s31 =	sadd.s32 $0x2700, s30  }
0x70: {  	[spmem:s3] =	stream.indirect.scatter.add.f32 [tilespmem:s19], [sflag:$0x4], $0x80, s31, s18, $0xb8;
	[tilespmem:$0x1E400] =	vst v63  }
0x71: {  	_ =	swait.ge [sflag:s22], $0x4000  }
0x72: {  	p0 =	seq.s32 s29, $0x0;
	[sflag:s22] =	ssyncset.done $0x0  }
.Ltmp4:
0x73: {  	s31 =	sadd.s32 $0x2780, s30;
	[sflag:s22] =	ssyncadd.s32 $0xFFFFC000;
	(pc) =	sbr.rel @p0 .LBB2_7-.Ltmp4, $4  }
0x74: {  	[spmem:s3] =	stream.indirect.scatter.add.f32 [tilespmem:s21], [sflag:$0x5], $0x80, s31, s18, $0xb8;
	[tilespmem:$0x1E400] =	vst v63  }
0x75: {  	_ =	swait.ge [sflag:s24], $0x4000  }
0x76: {  	[sflag:s24] =	ssyncset.done $0x0  }
0x77: {  	[sflag:s24] =	ssyncadd.s32 $0xFFFFC000  }
.Ltmp5:
0x78: {  	(pc) =	sbr.rel .LBB2_5-.Ltmp5, $3  }
0x79: {  	_ =	sdelay $0x1  }
0x7a: {  	s30 =	sadd.s32 $0x1400, s30;
	s29 =	sadd.s32 $0x400, s29  }
0x7b: {  	[tilespmem:s19], [sflag:$0x2] =	stream.indirect.gather [hbm4b:s2+s18], $0x80, s30, s18, $0xb8;
	[tilespmem:$0x1E400] =	vst v63  }
.LBB2_8:
0x7c: {  	_ =	sfence.sel $0x180000  }
0x7d: {  	[bflag:$0x0] =	sbarrier.arrive $0xFFFF  }
0x7e: {  	p0 =	sne.s32 s1, $0x0;
	_ =	strace $0x9000004D  }
0x7f: {  	s0 =	sadd.s32 @!p0 $0x100000, s0;
	[bflag:$0x2] =	sbarrier.arrive $0xFFFF  }
0x80: {  	[sflag:s0] =	ssyncadd.tile.s32 @!p0 $0x1;
	_ =	shalt  }
.Lfunc_end2:
_tile_overlayer_lowered:
.L_overlay_start_2:
0x81: {  	(tag) =	ssettag $0x2  }
0x82: {  	s0 =	rddreg [dreg:$0x0];
	s2 =	stileid.u32  }
0x83: {  	s1 =	rddreg [dreg:$0x1];
	p0 =	sne.s32 s2, $0x0  }
0x84: {  	s3 =	rddreg [dreg:$0x2];
	[bflag:$0x3] =	sbarrier.arrive $0xFFFF;
	s2 =	simm.s32 @!p0 $0x1C06  }
0x85: {  	[timem:s3], [sflag:s2] =	dma.local @!p0 [hbm:s0], s1  }
0x86: {  	s0 =	simm.s32 @!p0 $0x6  }
0x87: {  	_ =	swait.ge @!p0 [sflag:s0], s1  }
0x88: {  	s1 =	ssub.s32 @!p0 $0x0, s1;
	[sflag:s0] =	ssyncset.done @!p0 $0x0  }
0x89: {  	[sflag:s0] =	ssyncadd.s32 @!p0 s1  }
0x8a: {  	[bflag:$0x3] =	sbarrier.arrive $0xFFFF  }
0x8b: {  	_ =	shalt  }

// kernel: kernel.22.cloned.1.call-start
scs
__scs_entry_jumppad:
0x0: {  	(pc) =	sbr.rel $0x88, $3  }
0x1: {  	(tag) =	ssettag $0x0;
	lr =	simm.s32 $0x1  }
0x2: {  	[smem:$0x3F96] =	sst lr;
	_ =	strace $0xD0000000  }
0x3: {  	_ = 	snop  }
0x4: {  	_ = 	snop  }
0x5: {  	_ = 	snop  }
0x6: {  	_ = 	snop  }
0x7: {  	_ = 	snop  }
__scs_overlays_trampoline_lowered:
0x8: {  	[smem:$0x3FA5] =	sst s0  }
0x9: {  	[smem:$0x3FA6] =	sst s1  }
0xa: {  	[smem:$0x3FA7] =	sst s2  }
0xb: {  	[smem:$0x3FA8] =	sst s3  }
0xc: {  	[smem:$0x3FA9] =	sst s4  }
0xd: {  	[smem:$0x3FAA] =	sst s5  }
0xe: {  	[smem:$0x3FAB] =	sst s6  }
0xf: {  	[smem:$0x3FAC] =	sst s7  }
0x10: {  	[smem:$0x3FAD] =	sst s8  }
0x11: {  	[smem:$0x3FAE] =	sst s9;
	s0 =	simm.s32 @!p0 $0x0  }
0x12: {  	s1 =	sld [smem:$0x3F94];
	s0 =	simm.s32 @p0 $0x1  }
0x13: {  	[smem:$0x3FAF] =	sst s0;
	s0 =	simm.s32 @!p1 $0x0  }
0x14: {  	s2 =	sld [smem:$0x3F93];
	s0 =	simm.s32 @p1 $0x1  }
0x15: {  	[smem:$0x3FB0] =	sst s0;
	s0 =	simm.s32 @!p2 $0x0  }
0x16: {  	s3 =	sld [smem:$0x3FDB];
	s0 =	simm.s32 @p2 $0x1  }
0x17: {  	s4 =	simm.s32 $0x1BF5;
	[smem:$0x3FB2] =	sst s0  }
0x18: {  	s0 =	sld [smem:$0x3F95];
	_ =	swait.ge [sflag:s4], $0x0  }
0x19: {  	s7 =	sld [smem:$0x3F96]  }
0x1a: {  	s8 =	sadd.s32 $0xFFFFE003, lr  }
0x1b: {  	s9 =	sadd.s32 $0xFFFFFEF7, lr;
	s5 =	simm.s32 $0xFFFFFFFF;
	p2 =	slt.u32 s8, $0xFFFFF086  }
0x1c: {  	p1 =	slt.u32 s9, $0xF7A;
	s5 =	simm.s32 @!p2 $0x0  }
0x1d: {  	s5 =	simm.s32 @p1 $0x1;
	p0 =	seq.s32 s7, s2  }
0x1e: {  	s7 =	smul.u32 @!p0 $0xF7A, s2;
	p2 =	seq.s32 @!p0 s5, $0x0  }
0x1f: {  	s9 =	smul.u32 $0xF7A, s1;
	s8 =	simm.s32 @!p0 $0x1BF5;
	p2 =	por !p2, p0  }
0x20: {  	[sflag:s8] =	ssyncset.s32 @!p0 $0xFFFFF086;
	s6 =	sadd.s32 @!p0 s3, s7;
	s7 =	simm.s32 @!p0 $0x108  }
0x21: {  	s3 =	sadd.s32 s3, s9;
	s6 =	sadd.s32 @!p0 $0x88, s6;
	s7 =	simm.s32 @p2 $0x1082  }
0x22: {  	[simem:s7], [sflag:s8] =	dma.local @!p0 [hbm:s6], $0xF7A  }
0x23: {  	s9 =	sor.u32 $0xD0000000, s2;
	s6 =	simm.s32 $0x108;
	_ =	swait.ge @!p0 [sflag:s8], $0x0  }
0x24: {  	s3 =	sadd.s32 $0x88, s3;
	s6 =	simm.s32 @!p1 $0x1082;
	[sflag:s4] =	ssyncset.s32 $0xFFFFF086  }
0x25: {  	[simem:s6], [sflag:s4] =	dma.local [hbm:s3], $0xF7A  }
0x26: {  	[smem:$0x3F96] =	sst s1;
	(tag) =	ssettag s2;
	_ =	strace s9  }
0x27: {  	s1 =	sld [smem:$0x3FA6]  }
0x28: {  	s2 =	sld [smem:$0x3FA7]  }
0x29: {  	s4 =	sld [smem:$0x3FA9]  }
0x2a: {  	p0 =	seq.s32 s5, $0x0;
	s5 =	sld [smem:$0x3FAA]  }
0x2b: {  	s6 =	sld [smem:$0x3FAB]  }
0x2c: {  	s7 =	sld [smem:$0x3FAC]  }
0x2d: {  	s3 =	simm.s32 $0x108;
	s8 =	sld [smem:$0x3FAD]  }
0x2e: {  	s3 =	simm.s32 @!p0 $0x1082;
	s9 =	sld [smem:$0x3FAE]  }
0x2f: {  	lr =	sadd.s32 s0, s3;
	s0 =	sld [smem:$0x3FA5]  }
0x30: {  	s3 =	sld [smem:$0x3FA8]  }
0x31: {  	[smem:$0x3FB1] =	sst s10  }
0x32: {  	s10 =	sld [smem:$0x3FAF];
	_ =	sdelay $0x3  }
0x33: {  	p0 =	seq.s32 s10, $0x1;
	s10 =	sld [smem:$0x3FB1];
	_ =	sdelay $0x3  }
0x34: {  	[smem:$0x3FB1] =	sst s10  }
0x35: {  	s10 =	sld [smem:$0x3FB0];
	_ =	sdelay $0x3  }
0x36: {  	p1 =	seq.s32 s10, $0x1;
	s10 =	sld [smem:$0x3FB1];
	_ =	sdelay $0x3  }
0x37: {  	[smem:$0x3FB1] =	sst s10  }
0x38: {  	s10 =	sld [smem:$0x3FB2]  }
0x39: {  	_ = 	snop;
	(pc) =	sbr.ind lr, $3  }
0x3a: {  	_ = 	snop  }
0x3b: {  	_ = 	snop  }
0x3c: {  	p2 =	seq.s32 s10, $0x1;
	s10 =	sld [smem:$0x3FB1]  }
0x3d: {  	_ =	shalt  }
0x3e: {  	_ =	shalt  }
0x3f: {  	_ =	shalt  }
0x40: {  	_ =	shalt  }
0x41: {  	_ =	shalt  }
0x42: {  	_ =	shalt  }
0x43: {  	_ =	shalt  }
0x44: {  	_ =	shalt  }
0x45: {  	_ =	shalt  }
0x46: {  	_ =	shalt  }
0x47: {  	_ =	shalt  }
0x48: {  	_ =	shalt  }
0x49: {  	_ =	shalt  }
0x4a: {  	_ =	shalt  }
0x4b: {  	_ =	shalt  }
0x4c: {  	_ =	shalt  }
0x4d: {  	_ =	shalt  }
0x4e: {  	_ =	shalt  }
0x4f: {  	_ =	shalt  }
0x50: {  	_ =	shalt  }
0x51: {  	_ =	shalt  }
0x52: {  	_ =	shalt  }
0x53: {  	_ =	shalt  }
0x54: {  	_ =	shalt  }
0x55: {  	_ =	shalt  }
0x56: {  	_ =	shalt  }
0x57: {  	_ =	shalt  }
0x58: {  	_ =	shalt  }
0x59: {  	_ =	shalt  }
0x5a: {  	_ =	shalt  }
0x5b: {  	_ =	shalt  }
0x5c: {  	_ =	shalt  }
0x5d: {  	_ =	shalt  }
0x5e: {  	_ =	shalt  }
0x5f: {  	_ =	shalt  }
0x60: {  	_ =	shalt  }
0x61: {  	_ =	shalt  }
0x62: {  	_ =	shalt  }
0x63: {  	_ =	shalt  }
0x64: {  	_ =	shalt  }
0x65: {  	_ =	shalt  }
0x66: {  	_ =	shalt  }
0x67: {  	_ =	shalt  }
0x68: {  	_ =	shalt  }
0x69: {  	_ =	shalt  }
0x6a: {  	_ =	shalt  }
0x6b: {  	_ =	shalt  }
0x6c: {  	_ =	shalt  }
0x6d: {  	_ =	shalt  }
0x6e: {  	_ =	shalt  }
0x6f: {  	_ =	shalt  }
0x70: {  	_ =	shalt  }
0x71: {  	_ =	shalt  }
0x72: {  	_ =	shalt  }
0x73: {  	_ =	shalt  }
0x74: {  	_ =	shalt  }
0x75: {  	_ =	shalt  }
0x76: {  	_ =	shalt  }
0x77: {  	_ =	shalt  }
0x78: {  	_ =	shalt  }
0x79: {  	_ =	shalt  }
0x7a: {  	_ =	shalt  }
0x7b: {  	_ =	shalt  }
0x7c: {  	_ =	shalt  }
0x7d: {  	_ =	shalt  }
0x7e: {  	_ =	shalt  }
0x7f: {  	_ =	shalt  }
0x80: {  	_ =	shalt  }
0x81: {  	_ =	shalt  }
0x82: {  	_ =	shalt  }
0x83: {  	_ =	shalt  }
0x84: {  	_ =	shalt  }
0x85: {  	_ =	shalt  }
0x86: {  	_ =	shalt  }
0x87: {  	_ =	shalt  }
.Lfunc_end0:
.L_simem_size_0:
called_computation.3_lowered:
.L_overlay_start_0:
0x88: {  	s2 =	sld [smem:$0x3FD9]  }
0x89: {  	s3 =	sld [smem:$0x3FFE];
	_ =	sdelay $0x1  }
0x8a: {  	s1 =	srdreg.scid  }
0x8b: {  	s0 =	sand.u32 $0x1, s1  }
0x8c: {  	s17 =	sshll.u32 s0, $0xA;
	s2 =	sadd.s32 s3, s2  }
0x8d: {  	s2 =	sadd.s32 s2, s17  }
0x8e: {  	[smem:$0x3FBD] =	sst s2  }
0x8f: {  	_ = 	snop  }
0x90: {  	s2 =	sld [smem:$0x3FD0];
	(tm) =	ssettm $0x1  }
0x91: {  	s18 =	sld [smem:$0x3FFB];
	_ =	sdelay $0x3  }
0x92: {  	_ =	strace s18  }
0x93: {  	s3 =	sld [smem:$0x3FFC];
	_ =	sdelay $0x3  }
0x94: {  	_ =	strace s3  }
0x95: {  	s3 =	sld [smem:$0x3FFD];
	_ =	sdelay $0x3  }
0x96: {  	_ =	strace s3  }
0x97: {  	_ =	strace $0x8FFFFFFF  }
0x98: {  	s19 =	sld [smem:$0x3FDB];
	_ =	sdelay $0x1  }
0x99: {  	s4 =	simm.s32 $_scs_section_size  }
0x9a: {  	s5 =	simm.s32 $_size__tile_overlayer_lowered;
	s6 =	simm.s32 $_tile_overlayer_lowered  }
0x9b: {  	s22 =	simm.s32 $0x1BFF;
	s21 =	sshll.u32 s6, $0x1;
	s3 =	sadd.s32 s4, s19  }
0x9c: {  	s7 =	simm.s32 $0x0;
	s20 =	sshll.u32 s5, $0x1;
	s5 =	sadd.s32 s21, s3  }
0x9d: {  	[timem:s7], [sflag:s22] =	dma.local [hbm:s5], s20  }
0x9e: {  	_ =	swait.ge [sflag:s22], s20  }
0x9f: {  	s4 =	ssub.s32 $0x0, s20;
	[sflag:s22] =	ssyncset.done $0x0  }
0xa0: {  	[sflag:s22] =	ssyncadd.s32 s4;
	_ =	sdelay $0x1  }
0xa1: {  	s23 =	simm.s32 $0x1B8B  }
0xa2: {  	_ =	swait.ge [sflag:s23], $0x1  }
0xa3: {  	[sflag:s23] =	ssyncset.done $0x0  }
0xa4: {  	s25 =	simm.s32 $0x1B8E;
	s24 =	sld [smem:$0x3FFE];
	[sflag:s23] =	ssyncadd.s32 $0xFFFFFFFF  }
0xa5: {  	s26 =	simm.s32 $execute0_lowered;
	[smem:$0x3FD2] =	sst s25  }
0xa6: {  	s5 =	sshll.u32 s26, $0x1;
	_ =	strace $0x8000004F;
	[dreg:$0x1] =	wrdreg $0xFFFFFFFF  }
0xa7: {  	s28 =	simm.s32 $_size_execute0_lowered;
	s3 =	sadd.s32 s3, s5;
	[dreg:$0x0] =	wrdreg $0x0  }
0xa8: {  	s5 =	sshll.u32 s28, $0x1;
	[dreg:$0x2] =	wrdreg s3  }
0xa9: {  	[dreg:$0x3] =	wrdreg s5  }
0xaa: {  	[dreg:$0x4] =	wrdreg $0xC0  }
0xab: {  	_ =	task [dreg:s7], $0x5FFFF  }
0xac: {  	[dreg:$0x1] =	wrdreg $0xFFFFFFFF  }
0xad: {  	[dreg:$0x0] =	wrdreg $0x60  }
0xae: {  	[dreg:$0x2] =	wrdreg s2  }
0xaf: {  	[dreg:$0x3] =	wrdreg s24  }
0xb0: {  	[dreg:$0x4] =	wrdreg $0xA8000  }
0xb1: {  	[dreg:$0x5] =	wrdreg $0x9  }
0xb2: {  	_ =	task.clear_ibuf [dreg:s7], $0x6FFFF;
	_ =	strace $0x9000004F  }
0xb3: {  	s29 =	simm.s32 $0x9;
	_ =	strace $0x80000051  }
0xb4: {  	_ =	swait.ge [sflag:s29], $0x1  }
0xb5: {  	[sflag:s29] =	ssyncadd.s32 $0xFFFFFFFF  }
0xb6: {  	_ =	strace $0x90000051  }
0xb7: {  	_ =	sfence  }
0xb8: {  	s30 =	sld [smem:$0x0];
	_ =	sdelay $0x2  }
0xb9: {  	s31 =	sshll.u32 s1, $0xD;
	s1 =	sshrl.u32 s1, $0x2  }
0xba: {  	s3 =	sand.u32 $0x4000, s31;
	s1 =	sadd.s32 s1, s30  }
0xbb: {  	s0 =	sor.u32 s3, s0;
	s1 =	sshll.u32 s1, $0x11  }
0xbc: {  	s0 =	sor.u32 s1, s0  }
0xbd: {  	s0 =	sadd.s32 $0x8F2B, s0  }
0xbe: {  	[sflag:s0] =	ssyncadd.remote.s32 $0x1  }
0xbf: {  	_ =	sfence.sel $0xFFFF  }
0xc0: {  	[dreg:$0x0] =	wrdreg $0xFFFFFFFF;
	(pc) =	sbr.abs _section_cstart, $3  }
0xc1: {  	[dreg:$0x1] =	wrdreg $0xFFFFFFFF  }
0xc2: {  	_ =	task.clear_ibuf [dreg:s7], $0x2FFFF;
	_ =	strace $0x9FFFFFFF  }
0xc3: {  	(tm) =	ssettm $0x7FFFFFFF  }
tec
execute0_lowered:
.L_overlay_start_1:
0x0: {  	(tag) =	ssettag $0x1  }
0x1: {  	s2 =	rddreg [dreg:$0x0]  }
0x2: {  	s5 =	rddreg [dreg:$0x1]  }
0x3: {  	s3 =	rddreg [dreg:$0x2]  }
0x4: {  	s0 =	rddreg [dreg:$0x3]  }
0x5: {  	s1 =	stileid.u32;
	s6 =	srdreg.scid;
	s4 =	simm.s32 $0x0  }
0x6: {  	s17 =	simm.s32 $0x1;
	s18 =	simm.s32 $0x80;
	s19 =	simm.s32 $0x2800  }
0x7: {  	s20 =	simm.s32 $0x2;
	s21 =	simm.s32 $0x6800;
	s22 =	simm.s32 $0x3  }
0x8: {  	s28 =	simm.s32 $0x0;
	s7 =	smul.u32 $0x13C00, s1;
	s6 =	sand.u32 $0x1, s6  }
0x9: {  	[smem:$0x7FF] =	sst s4;
	s10 =	sadd.s32 $0xDC00, s5;
	s13 =	smul.u32 $0x4F000, s1  }
0xa: {  	s11 =	sadd.s32 $0x3C00, s5;
	s12 =	sshll.u32 s1, $0x1;
	s8 =	smul.u32 $0x13C000, s6  }
0xb: {  	_ =	strace $0x80000050;
	s24 =	ssub.s32 $0x2, s6;
	s6 =	sor.u32 s6, s12  }
0xc: {  	s9 =	sshrl.u32 s7, $0x3;
	s25 =	sshrl.u32 s24, $0x1;
	s29 =	smul.u32 $0x2800, s6  }
0xd: {  	s26 =	sshrl.u32 s13, $0x2;
	s12 =	smul.u32 $0x500, s6;
	s7 =	sadd.s32 s7, s8  }
0xe: {  	s23 =	sadd.s32 s9, s5;
	s15 =	ssub.s32 s24, s25;
	s16 =	sadd.s32 s26, s3  }
0xf: {  	s24 =	simm.s32 $0x4;
	s25 =	simm.s32 $0x100;
	s26 =	simm.s32 $0x5  }
0x10: {  	s7 =	sshrl.u32 s7, $0x3;
	s6 =	sadd.s32 $0x17C00, s23;
	s30 =	sshrl.u32 s29, $0x3  }
.Ltmp0:
0x11: {  	s8 =	sadd.s32 s10, s12;
	s9 =	sadd.s32 s11, s12;
	(pc) =	sbr.rel .LBB2_1-.Ltmp0, $4  }
0x12: {  	s13 =	smax.u32 s15, $0x1;
	s15 =	simm.s32 $0x6;
	s23 =	simm.s32 $0x1480  }
0x13: {  	s14 =	sadd.s32 s7, s5;
	s5 =	sshll.u32 s1, $0x6;
	s31 =	sadd.s32 $0x280, s30  }
0x14: {  	s7 =	sor.u32 $0x1C01, s5;
	s10 =	sadd.s32 s10, s31;
	s11 =	sadd.s32 s11, s31  }
0x15: {  	s12 =	sadd.s32 $0x3F400, s14;
	s14 =	sshrl.u32 s16, $0x3;
	s16 =	simm.s32 $0x1400  }
.LBB2_7:
0x16: {  	_ =	swait.ge [sflag:s26], $0x4000  }
0x17: {  	s28 =	sadd.s32 $0x1, s28;
	[sflag:s26] =	ssyncset.done $0x0  }
0x18: {  	p0 =	sne.s32 s28, s13;
	[sflag:s26] =	ssyncadd.s32 $0xFFFFC000  }
.Ltmp1:
0x19: {  	s29 =	sor.u32 $0x1C06, s5;
	[bflag:$0x0] =	sbarrier.arrive $0xFFFF;
	(pc) =	sbr.rel @!p0 .LBB2_8-.Ltmp1, $4  }
0x1a: {  	[hbm:s12], [sflag:s29] =	dma.local [spmem:s14], $0x2780  }
0x1b: {  	_ =	swait.ge [sflag:s15], $0x2780  }
0x1c: {  	[sflag:s15] =	ssyncset.done $0x0  }
0x1d: {  	[sflag:s15] =	ssyncadd.s32 $0xFFFFD880  }
.LBB2_1:
0x1e: {  	[spmem:s14], [sflag:s7] =	dma.local [hbm:s6], $0x2780  }
0x1f: {  	[tilespmem:s4], [sflag:$0x6] =	stream.linear.gather [hbm4b:s8+s4], $0x1400, $0x38;
	[tilespmem:$0x1E400] =	vst v63  }
0x20: {  	_ =	swait.ge [sflag:s15], $0x1400  }
0x21: {  	[sflag:s15] =	ssyncset.done $0x0  }
0x22: {  	[sflag:s15] =	ssyncadd.s32 $0xFFFFEC00  }
0x23: {  	[tilespmem:s16], [sflag:$0x6] =	stream.linear.gather [hbm4b:s9+s4], $0x1400, $0x38;
	[tilespmem:$0x1E400] =	vst v63  }
0x24: {  	_ =	swait.ge [sflag:s15], $0x1400  }
0x25: {  	[sflag:s15] =	ssyncset.done $0x0  }
0x26: {  	[sflag:s15] =	ssyncadd.s32 $0xFFFFEC00  }
0x27: {  	_ =	swait.ge [sflag:s17], $0x2780  }
0x28: {  	[sflag:s17] =	ssyncset.done $0x0  }
0x29: {  	[sflag:s17] =	ssyncadd.s32 $0xFFFFD880  }
0x2a: {  	[bflag:$0x0] =	sbarrier.arrive $0xFFFF  }
0x2b: {  	[tilespmem:s19], [sflag:$0x2] =	stream.indirect.gather [hbm4b:s2+s18], $0x80, s4, s18, $0xb8;
	[tilespmem:$0x1E400] =	vst v63  }
0x2c: {  	_ =	swait.ge [sflag:s20], $0x4000  }
0x2d: {  	[sflag:s20] =	ssyncset.done $0x0  }
0x2e: {  	[sflag:s20] =	ssyncadd.s32 $0xFFFFC000  }
0x2f: {  	[tilespmem:s21], [sflag:$0x3] =	stream.indirect.gather [hbm4b:s2+s18], $0x80, s18, s18, $0xb8;
	[tilespmem:$0x1E400] =	vst v63  }
0x30: {  	_ = 	snop  }
0x31: {  	[spmem:s3] =	stream.indirect.scatter.add.f32 [tilespmem:s19], [sflag:$0x4], $0x80, s16, s18, $0xb8;
	[tilespmem:$0x1E400] =	vst v63  }
0x32: {  	_ =	swait.ge [sflag:s22], $0x4000  }
0x33: {  	[sflag:s22] =	ssyncset.done $0x0  }
0x34: {  	[sflag:s22] =	ssyncadd.s32 $0xFFFFC000  }
0x35: {  	[spmem:s3] =	stream.indirect.scatter.add.f32 [tilespmem:s21], [sflag:$0x5], $0x80, s23, s18, $0xb8;
	[tilespmem:$0x1E400] =	vst v63  }
0x36: {  	_ =	swait.ge [sflag:s24], $0x4000  }
0x37: {  	[sflag:s24] =	ssyncset.done $0x0  }
0x38: {  	s29 =	simm.s32 $0xFFFFB800;
	[sflag:s24] =	ssyncadd.s32 $0xFFFFC000  }
0x39: {  	[tilespmem:s19], [sflag:$0x2] =	stream.indirect.gather [hbm4b:s2+s18], $0x80, s25, s18, $0xb8;
	[tilespmem:$0x1E400] =	vst v63  }
.LBB2_2:
0x3a: {  	_ =	swait.ge [sflag:s20], $0x4000  }
0x3b: {  	[sflag:s20] =	ssyncset.done $0x0  }
0x3c: {  	[sflag:s20] =	ssyncadd.s32 $0xFFFFC000  }
0x3d: {  	_ =	swait.ge [sflag:s26], $0x4000  }
0x3e: {  	s30 =	sshra.s32 s29, $0x2;
	[sflag:s26] =	ssyncset.done $0x0  }
0x3f: {  	s31 =	sadd.s32 $0x1380, s30;
	[sflag:s26] =	ssyncadd.s32 $0xFFFFC000  }
0x40: {  	[tilespmem:s21], [sflag:$0x3] =	stream.indirect.gather [hbm4b:s2+s18], $0x80, s31, s18, $0xb8;
	[tilespmem:$0x1E400] =	vst v63  }
0x41: {  	s31 =	sadd.s32 $0x2700, s30  }
0x42: {  	[spmem:s3] =	stream.indirect.scatter.add.f32 [tilespmem:s19], [sflag:$0x4], $0x80, s31, s18, $0xb8;
	[tilespmem:$0x1E400] =	vst v63  }
0x43: {  	_ =	swait.ge [sflag:s22], $0x4000  }
0x44: {  	p0 =	seq.s32 s29, $0x0;
	[sflag:s22] =	ssyncset.done $0x0  }
.Ltmp2:
0x45: {  	s31 =	sadd.s32 $0x2780, s30;
	[sflag:s22] =	ssyncadd.s32 $0xFFFFC000;
	(pc) =	sbr.rel @p0 .LBB2_4-.Ltmp2, $4  }
0x46: {  	[spmem:s3] =	stream.indirect.scatter.add.f32 [tilespmem:s21], [sflag:$0x5], $0x80, s31, s18, $0xb8;
	[tilespmem:$0x1E400] =	vst v63  }
0x47: {  	_ =	swait.ge [sflag:s24], $0x4000  }
0x48: {  	[sflag:s24] =	ssyncset.done $0x0  }
0x49: {  	[sflag:s24] =	ssyncadd.s32 $0xFFFFC000  }
.Ltmp3:
0x4a: {  	(pc) =	sbr.rel .LBB2_2-.Ltmp3, $3  }
0x4b: {  	_ =	sdelay $0x1  }
0x4c: {  	s30 =	sadd.s32 $0x1400, s30;
	s29 =	sadd.s32 $0x400, s29  }
0x4d: {  	[tilespmem:s19], [sflag:$0x2] =	stream.indirect.gather [hbm4b:s2+s18], $0x80, s30, s18, $0xb8;
	[tilespmem:$0x1E400] =	vst v63  }
.LBB2_4:
0x4e: {  	_ =	swait.ge [sflag:s26], $0x4000  }
0x4f: {  	[sflag:s26] =	ssyncset.done $0x0  }
0x50: {  	[sflag:s26] =	ssyncadd.s32 $0xFFFFC000  }
0x51: {  	[tilespmem:s4], [sflag:$0x6] =	stream.linear.gather [hbm4b:s10+s4], $0x1400, $0x38;
	[tilespmem:$0x1E400] =	vst v63  }
0x52: {  	_ =	swait.ge [sflag:s15], $0x1400  }
0x53: {  	[sflag:s15] =	ssyncset.done $0x0  }
0x54: {  	[sflag:s15] =	ssyncadd.s32 $0xFFFFEC00  }
0x55: {  	[tilespmem:s16], [sflag:$0x6] =	stream.linear.gather [hbm4b:s11+s4], $0x1400, $0x38;
	[tilespmem:$0x1E400] =	vst v63  }
0x56: {  	_ =	swait.ge [sflag:s15], $0x1400  }
0x57: {  	[sflag:s15] =	ssyncset.done $0x0  }
0x58: {  	[sflag:s15] =	ssyncadd.s32 $0xFFFFEC00  }
0x59: {  	[tilespmem:s19], [sflag:$0x2] =	stream.indirect.gather [hbm4b:s2+s18], $0x80, s4, s18, $0xb8;
	[tilespmem:$0x1E400] =	vst v63  }
0x5a: {  	_ =	swait.ge [sflag:s20], $0x4000  }
0x5b: {  	[sflag:s20] =	ssyncset.done $0x0  }
0x5c: {  	[sflag:s20] =	ssyncadd.s32 $0xFFFFC000  }
0x5d: {  	[tilespmem:s21], [sflag:$0x3] =	stream.indirect.gather [hbm4b:s2+s18], $0x80, s18, s18, $0xb8;
	[tilespmem:$0x1E400] =	vst v63  }
0x5e: {  	_ = 	snop  }
0x5f: {  	[spmem:s3] =	stream.indirect.scatter.add.f32 [tilespmem:s19], [sflag:$0x4], $0x80, s16, s18, $0xb8;
	[tilespmem:$0x1E400] =	vst v63  }
0x60: {  	_ =	swait.ge [sflag:s22], $0x4000  }
0x61: {  	[sflag:s22] =	ssyncset.done $0x0  }
0x62: {  	[sflag:s22] =	ssyncadd.s32 $0xFFFFC000  }
0x63: {  	[spmem:s3] =	stream.indirect.scatter.add.f32 [tilespmem:s21], [sflag:$0x5], $0x80, s23, s18, $0xb8;
	[tilespmem:$0x1E400] =	vst v63  }
0x64: {  	_ =	swait.ge [sflag:s24], $0x4000  }
0x65: {  	[sflag:s24] =	ssyncset.done $0x0  }
0x66: {  	s29 =	simm.s32 $0xFFFFB800;
	[sflag:s24] =	ssyncadd.s32 $0xFFFFC000  }
0x67: {  	[tilespmem:s19], [sflag:$0x2] =	stream.indirect.gather [hbm4b:s2+s18], $0x80, s25, s18, $0xb8;
	[tilespmem:$0x1E400] =	vst v63  }
.LBB2_5:
0x68: {  	_ =	swait.ge [sflag:s20], $0x4000  }
0x69: {  	[sflag:s20] =	ssyncset.done $0x0  }
0x6a: {  	[sflag:s20] =	ssyncadd.s32 $0xFFFFC000  }
0x6b: {  	_ =	swait.ge [sflag:s26], $0x4000  }
0x6c: {  	s30 =	sshra.s32 s29, $0x2;
	[sflag:s26] =	ssyncset.done $0x0  }
0x6d: {  	s31 =	sadd.s32 $0x1380, s30;
	[sflag:s26] =	ssyncadd.s32 $0xFFFFC000  }
0x6e: {  	[tilespmem:s21], [sflag:$0x3] =	stream.indirect.gather [hbm4b:s2+s18], $0x80, s31, s18, $0xb8;
	[tilespmem:$0x1E400] =	vst v63  }
0x6f: {  	s31 =	sadd.s32 $0x2700, s30  }
0x70: {  	[spmem:s3] =	stream.indirect.scatter.add.f32 [tilespmem:s19], [sflag:$0x4], $0x80, s31, s18, $0xb8;
	[tilespmem:$0x1E400] =	vst v63  }
0x71: {  	_ =	swait.ge [sflag:s22], $0x4000  }
0x72: {  	p0 =	seq.s32 s29, $0x0;
	[sflag:s22] =	ssyncset.done $0x0  }
.Ltmp4:
0x73: {  	s31 =	sadd.s32 $0x2780, s30;
	[sflag:s22] =	ssyncadd.s32 $0xFFFFC000;
	(pc) =	sbr.rel @p0 .LBB2_7-.Ltmp4, $4  }
0x74: {  	[spmem:s3] =	stream.indirect.scatter.add.f32 [tilespmem:s21], [sflag:$0x5], $0x80, s31, s18, $0xb8;
	[tilespmem:$0x1E400] =	vst v63  }
0x75: {  	_ =	swait.ge [sflag:s24], $0x4000  }
0x76: {  	[sflag:s24] =	ssyncset.done $0x0  }
0x77: {  	[sflag:s24] =	ssyncadd.s32 $0xFFFFC000  }
.Ltmp5:
0x78: {  	(pc) =	sbr.rel .LBB2_5-.Ltmp5, $3  }
0x79: {  	_ =	sdelay $0x1  }
0x7a: {  	s30 =	sadd.s32 $0x1400, s30;
	s29 =	sadd.s32 $0x400, s29  }
0x7b: {  	[tilespmem:s19], [sflag:$0x2] =	stream.indirect.gather [hbm4b:s2+s18], $0x80, s30, s18, $0xb8;
	[tilespmem:$0x1E400] =	vst v63  }
.LBB2_8:
0x7c: {  	_ =	sfence.sel $0x180000  }
0x7d: {  	[bflag:$0x0] =	sbarrier.arrive $0xFFFF  }
0x7e: {  	p0 =	sne.s32 s1, $0x0;
	_ =	strace $0x90000050  }
0x7f: {  	s0 =	sadd.s32 @!p0 $0x100000, s0;
	[bflag:$0x2] =	sbarrier.arrive $0xFFFF  }
0x80: {  	[sflag:s0] =	ssyncadd.tile.s32 @!p0 $0x1;
	_ =	shalt  }
.Lfunc_end2:
_tile_overlayer_lowered:
.L_overlay_start_2:
0x81: {  	(tag) =	ssettag $0x2  }
0x82: {  	s0 =	rddreg [dreg:$0x0];
	s2 =	stileid.u32  }
0x83: {  	s1 =	rddreg [dreg:$0x1];
	p0 =	sne.s32 s2, $0x0  }
0x84: {  	s3 =	rddreg [dreg:$0x2];
	[bflag:$0x3] =	sbarrier.arrive $0xFFFF;
	s2 =	simm.s32 @!p0 $0x1C06  }
0x85: {  	[timem:s3], [sflag:s2] =	dma.local @!p0 [hbm:s0], s1  }
0x86: {  	s0 =	simm.s32 @!p0 $0x6  }
0x87: {  	_ =	swait.ge @!p0 [sflag:s0], s1  }
0x88: {  	s1 =	ssub.s32 @!p0 $0x0, s1;
	[sflag:s0] =	ssyncset.done @!p0 $0x0  }
0x89: {  	[sflag:s0] =	ssyncadd.s32 @!p0 s1  }
0x8a: {  	[bflag:$0x3] =	sbarrier.arrive $0xFFFF  }
0x8b: {  	_ =	shalt  }

// kernel: kernel.25.cloned.1.call-start
scs
__scs_entry_jumppad:
0x0: {  	(pc) =	sbr.rel $0x88, $3  }
0x1: {  	(tag) =	ssettag $0x0;
	lr =	simm.s32 $0x1  }
0x2: {  	[smem:$0x3F96] =	sst lr;
	_ =	strace $0xD0000000  }
0x3: {  	_ = 	snop  }
0x4: {  	_ = 	snop  }
0x5: {  	_ = 	snop  }
0x6: {  	_ = 	snop  }
0x7: {  	_ = 	snop  }
__scs_overlays_trampoline_lowered:
0x8: {  	[smem:$0x3FA5] =	sst s0  }
0x9: {  	[smem:$0x3FA6] =	sst s1  }
0xa: {  	[smem:$0x3FA7] =	sst s2  }
0xb: {  	[smem:$0x3FA8] =	sst s3  }
0xc: {  	[smem:$0x3FA9] =	sst s4  }
0xd: {  	[smem:$0x3FAA] =	sst s5  }
0xe: {  	[smem:$0x3FAB] =	sst s6  }
0xf: {  	[smem:$0x3FAC] =	sst s7  }
0x10: {  	[smem:$0x3FAD] =	sst s8  }
0x11: {  	[smem:$0x3FAE] =	sst s9;
	s0 =	simm.s32 @!p0 $0x0  }
0x12: {  	s1 =	sld [smem:$0x3F94];
	s0 =	simm.s32 @p0 $0x1  }
0x13: {  	[smem:$0x3FAF] =	sst s0;
	s0 =	simm.s32 @!p1 $0x0  }
0x14: {  	s2 =	sld [smem:$0x3F93];
	s0 =	simm.s32 @p1 $0x1  }
0x15: {  	[smem:$0x3FB0] =	sst s0;
	s0 =	simm.s32 @!p2 $0x0  }
0x16: {  	s3 =	sld [smem:$0x3FDB];
	s0 =	simm.s32 @p2 $0x1  }
0x17: {  	s4 =	simm.s32 $0x1BF5;
	[smem:$0x3FB2] =	sst s0  }
0x18: {  	s0 =	sld [smem:$0x3F95];
	_ =	swait.ge [sflag:s4], $0x0  }
0x19: {  	s7 =	sld [smem:$0x3F96]  }
0x1a: {  	s8 =	sadd.s32 $0xFFFFE003, lr  }
0x1b: {  	s9 =	sadd.s32 $0xFFFFFEF7, lr;
	s5 =	simm.s32 $0xFFFFFFFF;
	p2 =	slt.u32 s8, $0xFFFFF086  }
0x1c: {  	p1 =	slt.u32 s9, $0xF7A;
	s5 =	simm.s32 @!p2 $0x0  }
0x1d: {  	s5 =	simm.s32 @p1 $0x1;
	p0 =	seq.s32 s7, s2  }
0x1e: {  	s7 =	smul.u32 @!p0 $0xF7A, s2;
	p2 =	seq.s32 @!p0 s5, $0x0  }
0x1f: {  	s9 =	smul.u32 $0xF7A, s1;
	s8 =	simm.s32 @!p0 $0x1BF5;
	p2 =	por !p2, p0  }
0x20: {  	[sflag:s8] =	ssyncset.s32 @!p0 $0xFFFFF086;
	s6 =	sadd.s32 @!p0 s3, s7;
	s7 =	simm.s32 @!p0 $0x108  }
0x21: {  	s3 =	sadd.s32 s3, s9;
	s6 =	sadd.s32 @!p0 $0x88, s6;
	s7 =	simm.s32 @p2 $0x1082  }
0x22: {  	[simem:s7], [sflag:s8] =	dma.local @!p0 [hbm:s6], $0xF7A  }
0x23: {  	s9 =	sor.u32 $0xD0000000, s2;
	s6 =	simm.s32 $0x108;
	_ =	swait.ge @!p0 [sflag:s8], $0x0  }
0x24: {  	s3 =	sadd.s32 $0x88, s3;
	s6 =	simm.s32 @!p1 $0x1082;
	[sflag:s4] =	ssyncset.s32 $0xFFFFF086  }
0x25: {  	[simem:s6], [sflag:s4] =	dma.local [hbm:s3], $0xF7A  }
0x26: {  	[smem:$0x3F96] =	sst s1;
	(tag) =	ssettag s2;
	_ =	strace s9  }
0x27: {  	s1 =	sld [smem:$0x3FA6]  }
0x28: {  	s2 =	sld [smem:$0x3FA7]  }
0x29: {  	s4 =	sld [smem:$0x3FA9]  }
0x2a: {  	p0 =	seq.s32 s5, $0x0;
	s5 =	sld [smem:$0x3FAA]  }
0x2b: {  	s6 =	sld [smem:$0x3FAB]  }
0x2c: {  	s7 =	sld [smem:$0x3FAC]  }
0x2d: {  	s3 =	simm.s32 $0x108;
	s8 =	sld [smem:$0x3FAD]  }
0x2e: {  	s3 =	simm.s32 @!p0 $0x1082;
	s9 =	sld [smem:$0x3FAE]  }
0x2f: {  	lr =	sadd.s32 s0, s3;
	s0 =	sld [smem:$0x3FA5]  }
0x30: {  	s3 =	sld [smem:$0x3FA8]  }
0x31: {  	[smem:$0x3FB1] =	sst s10  }
0x32: {  	s10 =	sld [smem:$0x3FAF];
	_ =	sdelay $0x3  }
0x33: {  	p0 =	seq.s32 s10, $0x1;
	s10 =	sld [smem:$0x3FB1];
	_ =	sdelay $0x3  }
0x34: {  	[smem:$0x3FB1] =	sst s10  }
0x35: {  	s10 =	sld [smem:$0x3FB0];
	_ =	sdelay $0x3  }
0x36: {  	p1 =	seq.s32 s10, $0x1;
	s10 =	sld [smem:$0x3FB1];
	_ =	sdelay $0x3  }
0x37: {  	[smem:$0x3FB1] =	sst s10  }
0x38: {  	s10 =	sld [smem:$0x3FB2]  }
0x39: {  	_ = 	snop;
	(pc) =	sbr.ind lr, $3  }
0x3a: {  	_ = 	snop  }
0x3b: {  	_ = 	snop  }
0x3c: {  	p2 =	seq.s32 s10, $0x1;
	s10 =	sld [smem:$0x3FB1]  }
0x3d: {  	_ =	shalt  }
0x3e: {  	_ =	shalt  }
0x3f: {  	_ =	shalt  }
0x40: {  	_ =	shalt  }
0x41: {  	_ =	shalt  }
0x42: {  	_ =	shalt  }
0x43: {  	_ =	shalt  }
0x44: {  	_ =	shalt  }
0x45: {  	_ =	shalt  }
0x46: {  	_ =	shalt  }
0x47: {  	_ =	shalt  }
0x48: {  	_ =	shalt  }
0x49: {  	_ =	shalt  }
0x4a: {  	_ =	shalt  }
0x4b: {  	_ =	shalt  }
0x4c: {  	_ =	shalt  }
0x4d: {  	_ =	shalt  }
0x4e: {  	_ =	shalt  }
0x4f: {  	_ =	shalt  }
0x50: {  	_ =	shalt  }
0x51: {  	_ =	shalt  }
0x52: {  	_ =	shalt  }
0x53: {  	_ =	shalt  }
0x54: {  	_ =	shalt  }
0x55: {  	_ =	shalt  }
0x56: {  	_ =	shalt  }
0x57: {  	_ =	shalt  }
0x58: {  	_ =	shalt  }
0x59: {  	_ =	shalt  }
0x5a: {  	_ =	shalt  }
0x5b: {  	_ =	shalt  }
0x5c: {  	_ =	shalt  }
0x5d: {  	_ =	shalt  }
0x5e: {  	_ =	shalt  }
0x5f: {  	_ =	shalt  }
0x60: {  	_ =	shalt  }
0x61: {  	_ =	shalt  }
0x62: {  	_ =	shalt  }
0x63: {  	_ =	shalt  }
0x64: {  	_ =	shalt  }
0x65: {  	_ =	shalt  }
0x66: {  	_ =	shalt  }
0x67: {  	_ =	shalt  }
0x68: {  	_ =	shalt  }
0x69: {  	_ =	shalt  }
0x6a: {  	_ =	shalt  }
0x6b: {  	_ =	shalt  }
0x6c: {  	_ =	shalt  }
0x6d: {  	_ =	shalt  }
0x6e: {  	_ =	shalt  }
0x6f: {  	_ =	shalt  }
0x70: {  	_ =	shalt  }
0x71: {  	_ =	shalt  }
0x72: {  	_ =	shalt  }
0x73: {  	_ =	shalt  }
0x74: {  	_ =	shalt  }
0x75: {  	_ =	shalt  }
0x76: {  	_ =	shalt  }
0x77: {  	_ =	shalt  }
0x78: {  	_ =	shalt  }
0x79: {  	_ =	shalt  }
0x7a: {  	_ =	shalt  }
0x7b: {  	_ =	shalt  }
0x7c: {  	_ =	shalt  }
0x7d: {  	_ =	shalt  }
0x7e: {  	_ =	shalt  }
0x7f: {  	_ =	shalt  }
0x80: {  	_ =	shalt  }
0x81: {  	_ =	shalt  }
0x82: {  	_ =	shalt  }
0x83: {  	_ =	shalt  }
0x84: {  	_ =	shalt  }
0x85: {  	_ =	shalt  }
0x86: {  	_ =	shalt  }
0x87: {  	_ =	shalt  }
.Lfunc_end0:
.L_simem_size_0:
called_computation.4_lowered:
.L_overlay_start_0:
0x88: {  	s2 =	sld [smem:$0x3FD9]  }
0x89: {  	s3 =	sld [smem:$0x3FFE];
	_ =	sdelay $0x1  }
0x8a: {  	s1 =	srdreg.scid  }
0x8b: {  	s0 =	sand.u32 $0x1, s1  }
0x8c: {  	s17 =	sshll.u32 s0, $0xA;
	s2 =	sadd.s32 s3, s2  }
0x8d: {  	s2 =	sadd.s32 s2, s17  }
0x8e: {  	[smem:$0x3FBD] =	sst s2  }
0x8f: {  	_ = 	snop  }
0x90: {  	s2 =	sld [smem:$0x3FD0];
	(tm) =	ssettm $0x1  }
0x91: {  	s18 =	sld [smem:$0x3FFB];
	_ =	sdelay $0x3  }
0x92: {  	_ =	strace s18  }
0x93: {  	s3 =	sld [smem:$0x3FFC];
	_ =	sdelay $0x3  }
0x94: {  	_ =	strace s3  }
0x95: {  	s3 =	sld [smem:$0x3FFD];
	_ =	sdelay $0x3  }
0x96: {  	_ =	strace s3  }
0x97: {  	_ =	strace $0x8FFFFFFF  }
0x98: {  	s19 =	sld [smem:$0x3FDB];
	_ =	sdelay $0x1  }
0x99: {  	s4 =	simm.s32 $_scs_section_size  }
0x9a: {  	s5 =	simm.s32 $_size__tile_overlayer_lowered;
	s6 =	simm.s32 $_tile_overlayer_lowered  }
0x9b: {  	s22 =	simm.s32 $0x1BFF;
	s21 =	sshll.u32 s6, $0x1;
	s3 =	sadd.s32 s4, s19  }
0x9c: {  	s7 =	simm.s32 $0x0;
	s20 =	sshll.u32 s5, $0x1;
	s5 =	sadd.s32 s21, s3  }
0x9d: {  	[timem:s7], [sflag:s22] =	dma.local [hbm:s5], s20  }
0x9e: {  	_ =	swait.ge [sflag:s22], s20  }
0x9f: {  	s4 =	ssub.s32 $0x0, s20;
	[sflag:s22] =	ssyncset.done $0x0  }
0xa0: {  	[sflag:s22] =	ssyncadd.s32 s4;
	_ =	sdelay $0x1  }
0xa1: {  	s23 =	simm.s32 $0x1B8B  }
0xa2: {  	_ =	swait.ge [sflag:s23], $0x1  }
0xa3: {  	[sflag:s23] =	ssyncset.done $0x0  }
0xa4: {  	s25 =	simm.s32 $0x1B8E;
	s24 =	sld [smem:$0x3FFE];
	[sflag:s23] =	ssyncadd.s32 $0xFFFFFFFF  }
0xa5: {  	s26 =	simm.s32 $execute0_lowered;
	[smem:$0x3FD2] =	sst s25  }
0xa6: {  	s5 =	sshll.u32 s26, $0x1;
	_ =	strace $0x80000052;
	[dreg:$0x1] =	wrdreg $0xFFFFFFFF  }
0xa7: {  	s28 =	simm.s32 $_size_execute0_lowered;
	s3 =	sadd.s32 s3, s5;
	[dreg:$0x0] =	wrdreg $0x0  }
0xa8: {  	s5 =	sshll.u32 s28, $0x1;
	[dreg:$0x2] =	wrdreg s3  }
0xa9: {  	[dreg:$0x3] =	wrdreg s5  }
0xaa: {  	[dreg:$0x4] =	wrdreg $0xC0  }
0xab: {  	_ =	task [dreg:s7], $0x5FFFF  }
0xac: {  	[dreg:$0x1] =	wrdreg $0xFFFFFFFF  }
0xad: {  	[dreg:$0x0] =	wrdreg $0x60  }
0xae: {  	[dreg:$0x2] =	wrdreg s2  }
0xaf: {  	[dreg:$0x3] =	wrdreg s24  }
0xb0: {  	[dreg:$0x4] =	wrdreg $0xA8000  }
0xb1: {  	[dreg:$0x5] =	wrdreg $0x9  }
0xb2: {  	_ =	task.clear_ibuf [dreg:s7], $0x6FFFF;
	_ =	strace $0x90000052  }
0xb3: {  	s29 =	simm.s32 $0x9;
	_ =	strace $0x80000054  }
0xb4: {  	_ =	swait.ge [sflag:s29], $0x1  }
0xb5: {  	[sflag:s29] =	ssyncadd.s32 $0xFFFFFFFF  }
0xb6: {  	_ =	strace $0x90000054  }
0xb7: {  	_ =	sfence  }
0xb8: {  	s30 =	sld [smem:$0x0];
	_ =	sdelay $0x2  }
0xb9: {  	s31 =	sshll.u32 s1, $0xD;
	s1 =	sshrl.u32 s1, $0x2  }
0xba: {  	s3 =	sand.u32 $0x4000, s31;
	s1 =	sadd.s32 s1, s30  }
0xbb: {  	s0 =	sor.u32 s3, s0;
	s1 =	sshll.u32 s1, $0x11  }
0xbc: {  	s0 =	sor.u32 s1, s0  }
0xbd: {  	s0 =	sadd.s32 $0x8F2B, s0  }
0xbe: {  	[sflag:s0] =	ssyncadd.remote.s32 $0x1  }
0xbf: {  	_ =	sfence.sel $0xFFFF  }
0xc0: {  	[dreg:$0x0] =	wrdreg $0xFFFFFFFF;
	(pc) =	sbr.abs _section_cstart, $3  }
0xc1: {  	[dreg:$0x1] =	wrdreg $0xFFFFFFFF  }
0xc2: {  	_ =	task.clear_ibuf [dreg:s7], $0x2FFFF;
	_ =	strace $0x9FFFFFFF  }
0xc3: {  	(tm) =	ssettm $0x7FFFFFFF  }
tec
execute0_lowered:
.L_overlay_start_1:
0x0: {  	(tag) =	ssettag $0x1  }
0x1: {  	s2 =	rddreg [dreg:$0x0]  }
0x2: {  	s5 =	rddreg [dreg:$0x1]  }
0x3: {  	s3 =	rddreg [dreg:$0x2]  }
0x4: {  	s0 =	rddreg [dreg:$0x3]  }
0x5: {  	s1 =	stileid.u32;
	s6 =	srdreg.scid;
	s4 =	simm.s32 $0x0  }
0x6: {  	s17 =	simm.s32 $0x1;
	s18 =	simm.s32 $0x80;
	s19 =	simm.s32 $0x2800  }
0x7: {  	s20 =	simm.s32 $0x2;
	s21 =	simm.s32 $0x6800;
	s22 =	simm.s32 $0x3  }
0x8: {  	s28 =	simm.s32 $0x0;
	s7 =	smul.u32 $0x13C00, s1;
	s6 =	sand.u32 $0x1, s6  }
0x9: {  	[smem:$0x7FF] =	sst s4;
	s10 =	sadd.s32 $0xDC00, s5;
	s13 =	smul.u32 $0x4F000, s1  }
0xa: {  	s11 =	sadd.s32 $0x3C00, s5;
	s12 =	sshll.u32 s1, $0x1;
	s8 =	smul.u32 $0x13C000, s6  }
0xb: {  	_ =	strace $0x80000053;
	s24 =	ssub.s32 $0x2, s6;
	s6 =	sor.u32 s6, s12  }
0xc: {  	s9 =	sshrl.u32 s7, $0x3;
	s25 =	sshrl.u32 s24, $0x1;
	s29 =	smul.u32 $0x2800, s6  }
0xd: {  	s26 =	sshrl.u32 s13, $0x2;
	s12 =	smul.u32 $0x500, s6;
	s7 =	sadd.s32 s7, s8  }
0xe: {  	s23 =	sadd.s32 s9, s5;
	s15 =	ssub.s32 s24, s25;
	s16 =	sadd.s32 s26, s3  }
0xf: {  	s24 =	simm.s32 $0x4;
	s25 =	simm.s32 $0x100;
	s26 =	simm.s32 $0x5  }
0x10: {  	s7 =	sshrl.u32 s7, $0x3;
	s6 =	sadd.s32 $0x17C00, s23;
	s30 =	sshrl.u32 s29, $0x3  }
.Ltmp0:
0x11: {  	s8 =	sadd.s32 s10, s12;
	s9 =	sadd.s32 s11, s12;
	(pc) =	sbr.rel .LBB2_1-.Ltmp0, $4  }
0x12: {  	s13 =	smax.u32 s15, $0x1;
	s15 =	simm.s32 $0x6;
	s23 =	simm.s32 $0x1480  }
0x13: {  	s14 =	sadd.s32 s7, s5;
	s5 =	sshll.u32 s1, $0x6;
	s31 =	sadd.s32 $0x280, s30  }
0x14: {  	s7 =	sor.u32 $0x1C01, s5;
	s10 =	sadd.s32 s10, s31;
	s11 =	sadd.s32 s11, s31  }
0x15: {  	s12 =	sadd.s32 $0x3F400, s14;
	s14 =	sshrl.u32 s16, $0x3;
	s16 =	simm.s32 $0x1400  }
.LBB2_7:
0x16: {  	_ =	swait.ge [sflag:s26], $0x4000  }
0x17: {  	s28 =	sadd.s32 $0x1, s28;
	[sflag:s26] =	ssyncset.done $0x0  }
0x18: {  	p0 =	sne.s32 s28, s13;
	[sflag:s26] =	ssyncadd.s32 $0xFFFFC000  }
.Ltmp1:
0x19: {  	s29 =	sor.u32 $0x1C06, s5;
	[bflag:$0x0] =	sbarrier.arrive $0xFFFF;
	(pc) =	sbr.rel @!p0 .LBB2_8-.Ltmp1, $4  }
0x1a: {  	[hbm:s12], [sflag:s29] =	dma.local [spmem:s14], $0x2780  }
0x1b: {  	_ =	swait.ge [sflag:s15], $0x2780  }
0x1c: {  	[sflag:s15] =	ssyncset.done $0x0  }
0x1d: {  	[sflag:s15] =	ssyncadd.s32 $0xFFFFD880  }
.LBB2_1:
0x1e: {  	[spmem:s14], [sflag:s7] =	dma.local [hbm:s6], $0x2780  }
0x1f: {  	[tilespmem:s4], [sflag:$0x6] =	stream.linear.gather [hbm4b:s8+s4], $0x1400, $0x38;
	[tilespmem:$0x1E400] =	vst v63  }
0x20: {  	_ =	swait.ge [sflag:s15], $0x1400  }
0x21: {  	[sflag:s15] =	ssyncset.done $0x0  }
0x22: {  	[sflag:s15] =	ssyncadd.s32 $0xFFFFEC00  }
0x23: {  	[tilespmem:s16], [sflag:$0x6] =	stream.linear.gather [hbm4b:s9+s4], $0x1400, $0x38;
	[tilespmem:$0x1E400] =	vst v63  }
0x24: {  	_ =	swait.ge [sflag:s15], $0x1400  }
0x25: {  	[sflag:s15] =	ssyncset.done $0x0  }
0x26: {  	[sflag:s15] =	ssyncadd.s32 $0xFFFFEC00  }
0x27: {  	_ =	swait.ge [sflag:s17], $0x2780  }
0x28: {  	[sflag:s17] =	ssyncset.done $0x0  }
0x29: {  	[sflag:s17] =	ssyncadd.s32 $0xFFFFD880  }
0x2a: {  	[bflag:$0x0] =	sbarrier.arrive $0xFFFF  }
0x2b: {  	[tilespmem:s19], [sflag:$0x2] =	stream.indirect.gather [hbm4b:s2+s18], $0x80, s4, s18, $0xb8;
	[tilespmem:$0x1E400] =	vst v63  }
0x2c: {  	_ =	swait.ge [sflag:s20], $0x4000  }
0x2d: {  	[sflag:s20] =	ssyncset.done $0x0  }
0x2e: {  	[sflag:s20] =	ssyncadd.s32 $0xFFFFC000  }
0x2f: {  	[tilespmem:s21], [sflag:$0x3] =	stream.indirect.gather [hbm4b:s2+s18], $0x80, s18, s18, $0xb8;
	[tilespmem:$0x1E400] =	vst v63  }
0x30: {  	_ = 	snop  }
0x31: {  	[spmem:s3] =	stream.indirect.scatter.add.f32 [tilespmem:s19], [sflag:$0x4], $0x80, s16, s18, $0xb8;
	[tilespmem:$0x1E400] =	vst v63  }
0x32: {  	_ =	swait.ge [sflag:s22], $0x4000  }
0x33: {  	[sflag:s22] =	ssyncset.done $0x0  }
0x34: {  	[sflag:s22] =	ssyncadd.s32 $0xFFFFC000  }
0x35: {  	[spmem:s3] =	stream.indirect.scatter.add.f32 [tilespmem:s21], [sflag:$0x5], $0x80, s23, s18, $0xb8;
	[tilespmem:$0x1E400] =	vst v63  }
0x36: {  	_ =	swait.ge [sflag:s24], $0x4000  }
0x37: {  	[sflag:s24] =	ssyncset.done $0x0  }
0x38: {  	s29 =	simm.s32 $0xFFFFB800;
	[sflag:s24] =	ssyncadd.s32 $0xFFFFC000  }
0x39: {  	[tilespmem:s19], [sflag:$0x2] =	stream.indirect.gather [hbm4b:s2+s18], $0x80, s25, s18, $0xb8;
	[tilespmem:$0x1E400] =	vst v63  }
.LBB2_2:
0x3a: {  	_ =	swait.ge [sflag:s20], $0x4000  }
0x3b: {  	[sflag:s20] =	ssyncset.done $0x0  }
0x3c: {  	[sflag:s20] =	ssyncadd.s32 $0xFFFFC000  }
0x3d: {  	_ =	swait.ge [sflag:s26], $0x4000  }
0x3e: {  	s30 =	sshra.s32 s29, $0x2;
	[sflag:s26] =	ssyncset.done $0x0  }
0x3f: {  	s31 =	sadd.s32 $0x1380, s30;
	[sflag:s26] =	ssyncadd.s32 $0xFFFFC000  }
0x40: {  	[tilespmem:s21], [sflag:$0x3] =	stream.indirect.gather [hbm4b:s2+s18], $0x80, s31, s18, $0xb8;
	[tilespmem:$0x1E400] =	vst v63  }
0x41: {  	s31 =	sadd.s32 $0x2700, s30  }
0x42: {  	[spmem:s3] =	stream.indirect.scatter.add.f32 [tilespmem:s19], [sflag:$0x4], $0x80, s31, s18, $0xb8;
	[tilespmem:$0x1E400] =	vst v63  }
0x43: {  	_ =	swait.ge [sflag:s22], $0x4000  }
0x44: {  	p0 =	seq.s32 s29, $0x0;
	[sflag:s22] =	ssyncset.done $0x0  }
.Ltmp2:
0x45: {  	s31 =	sadd.s32 $0x2780, s30;
	[sflag:s22] =	ssyncadd.s32 $0xFFFFC000;
	(pc) =	sbr.rel @p0 .LBB2_4-.Ltmp2, $4  }
0x46: {  	[spmem:s3] =	stream.indirect.scatter.add.f32 [tilespmem:s21], [sflag:$0x5], $0x80, s31, s18, $0xb8;
	[tilespmem:$0x1E400] =	vst v63  }
0x47: {  	_ =	swait.ge [sflag:s24], $0x4000  }
0x48: {  	[sflag:s24] =	ssyncset.done $0x0  }
0x49: {  	[sflag:s24] =	ssyncadd.s32 $0xFFFFC000  }
.Ltmp3:
0x4a: {  	(pc) =	sbr.rel .LBB2_2-.Ltmp3, $3  }
0x4b: {  	_ =	sdelay $0x1  }
0x4c: {  	s30 =	sadd.s32 $0x1400, s30;
	s29 =	sadd.s32 $0x400, s29  }
0x4d: {  	[tilespmem:s19], [sflag:$0x2] =	stream.indirect.gather [hbm4b:s2+s18], $0x80, s30, s18, $0xb8;
	[tilespmem:$0x1E400] =	vst v63  }
.LBB2_4:
0x4e: {  	_ =	swait.ge [sflag:s26], $0x4000  }
0x4f: {  	[sflag:s26] =	ssyncset.done $0x0  }
0x50: {  	[sflag:s26] =	ssyncadd.s32 $0xFFFFC000  }
0x51: {  	[tilespmem:s4], [sflag:$0x6] =	stream.linear.gather [hbm4b:s10+s4], $0x1400, $0x38;
	[tilespmem:$0x1E400] =	vst v63  }
0x52: {  	_ =	swait.ge [sflag:s15], $0x1400  }
0x53: {  	[sflag:s15] =	ssyncset.done $0x0  }
0x54: {  	[sflag:s15] =	ssyncadd.s32 $0xFFFFEC00  }
0x55: {  	[tilespmem:s16], [sflag:$0x6] =	stream.linear.gather [hbm4b:s11+s4], $0x1400, $0x38;
	[tilespmem:$0x1E400] =	vst v63  }
0x56: {  	_ =	swait.ge [sflag:s15], $0x1400  }
0x57: {  	[sflag:s15] =	ssyncset.done $0x0  }
0x58: {  	[sflag:s15] =	ssyncadd.s32 $0xFFFFEC00  }
0x59: {  	[tilespmem:s19], [sflag:$0x2] =	stream.indirect.gather [hbm4b:s2+s18], $0x80, s4, s18, $0xb8;
	[tilespmem:$0x1E400] =	vst v63  }
0x5a: {  	_ =	swait.ge [sflag:s20], $0x4000  }
0x5b: {  	[sflag:s20] =	ssyncset.done $0x0  }
0x5c: {  	[sflag:s20] =	ssyncadd.s32 $0xFFFFC000  }
0x5d: {  	[tilespmem:s21], [sflag:$0x3] =	stream.indirect.gather [hbm4b:s2+s18], $0x80, s18, s18, $0xb8;
	[tilespmem:$0x1E400] =	vst v63  }
0x5e: {  	_ = 	snop  }
0x5f: {  	[spmem:s3] =	stream.indirect.scatter.add.f32 [tilespmem:s19], [sflag:$0x4], $0x80, s16, s18, $0xb8;
	[tilespmem:$0x1E400] =	vst v63  }
0x60: {  	_ =	swait.ge [sflag:s22], $0x4000  }
0x61: {  	[sflag:s22] =	ssyncset.done $0x0  }
0x62: {  	[sflag:s22] =	ssyncadd.s32 $0xFFFFC000  }
0x63: {  	[spmem:s3] =	stream.indirect.scatter.add.f32 [tilespmem:s21], [sflag:$0x5], $0x80, s23, s18, $0xb8;
	[tilespmem:$0x1E400] =	vst v63  }
0x64: {  	_ =	swait.ge [sflag:s24], $0x4000  }
0x65: {  	[sflag:s24] =	ssyncset.done $0x0  }
0x66: {  	s29 =	simm.s32 $0xFFFFB800;
	[sflag:s24] =	ssyncadd.s32 $0xFFFFC000  }
0x67: {  	[tilespmem:s19], [sflag:$0x2] =	stream.indirect.gather [hbm4b:s2+s18], $0x80, s25, s18, $0xb8;
	[tilespmem:$0x1E400] =	vst v63  }
.LBB2_5:
0x68: {  	_ =	swait.ge [sflag:s20], $0x4000  }
0x69: {  	[sflag:s20] =	ssyncset.done $0x0  }
0x6a: {  	[sflag:s20] =	ssyncadd.s32 $0xFFFFC000  }
0x6b: {  	_ =	swait.ge [sflag:s26], $0x4000  }
0x6c: {  	s30 =	sshra.s32 s29, $0x2;
	[sflag:s26] =	ssyncset.done $0x0  }
0x6d: {  	s31 =	sadd.s32 $0x1380, s30;
	[sflag:s26] =	ssyncadd.s32 $0xFFFFC000  }
0x6e: {  	[tilespmem:s21], [sflag:$0x3] =	stream.indirect.gather [hbm4b:s2+s18], $0x80, s31, s18, $0xb8;
	[tilespmem:$0x1E400] =	vst v63  }
0x6f: {  	s31 =	sadd.s32 $0x2700, s30  }
0x70: {  	[spmem:s3] =	stream.indirect.scatter.add.f32 [tilespmem:s19], [sflag:$0x4], $0x80, s31, s18, $0xb8;
	[tilespmem:$0x1E400] =	vst v63  }
0x71: {  	_ =	swait.ge [sflag:s22], $0x4000  }
0x72: {  	p0 =	seq.s32 s29, $0x0;
	[sflag:s22] =	ssyncset.done $0x0  }
.Ltmp4:
0x73: {  	s31 =	sadd.s32 $0x2780, s30;
	[sflag:s22] =	ssyncadd.s32 $0xFFFFC000;
	(pc) =	sbr.rel @p0 .LBB2_7-.Ltmp4, $4  }
0x74: {  	[spmem:s3] =	stream.indirect.scatter.add.f32 [tilespmem:s21], [sflag:$0x5], $0x80, s31, s18, $0xb8;
	[tilespmem:$0x1E400] =	vst v63  }
0x75: {  	_ =	swait.ge [sflag:s24], $0x4000  }
0x76: {  	[sflag:s24] =	ssyncset.done $0x0  }
0x77: {  	[sflag:s24] =	ssyncadd.s32 $0xFFFFC000  }
.Ltmp5:
0x78: {  	(pc) =	sbr.rel .LBB2_5-.Ltmp5, $3  }
0x79: {  	_ =	sdelay $0x1  }
0x7a: {  	s30 =	sadd.s32 $0x1400, s30;
	s29 =	sadd.s32 $0x400, s29  }
0x7b: {  	[tilespmem:s19], [sflag:$0x2] =	stream.indirect.gather [hbm4b:s2+s18], $0x80, s30, s18, $0xb8;
	[tilespmem:$0x1E400] =	vst v63  }
.LBB2_8:
0x7c: {  	_ =	sfence.sel $0x180000  }
0x7d: {  	[bflag:$0x0] =	sbarrier.arrive $0xFFFF  }
0x7e: {  	p0 =	sne.s32 s1, $0x0;
	_ =	strace $0x90000053  }
0x7f: {  	s0 =	sadd.s32 @!p0 $0x100000, s0;
	[bflag:$0x2] =	sbarrier.arrive $0xFFFF  }
0x80: {  	[sflag:s0] =	ssyncadd.tile.s32 @!p0 $0x1;
	_ =	shalt  }
.Lfunc_end2:
_tile_overlayer_lowered:
.L_overlay_start_2:
0x81: {  	(tag) =	ssettag $0x2  }
0x82: {  	s0 =	rddreg [dreg:$0x0];
	s2 =	stileid.u32  }
0x83: {  	s1 =	rddreg [dreg:$0x1];
	p0 =	sne.s32 s2, $0x0  }
0x84: {  	s3 =	rddreg [dreg:$0x2];
	[bflag:$0x3] =	sbarrier.arrive $0xFFFF;
	s2 =	simm.s32 @!p0 $0x1C06  }
0x85: {  	[timem:s3], [sflag:s2] =	dma.local @!p0 [hbm:s0], s1  }
0x86: {  	s0 =	simm.s32 @!p0 $0x6  }
0x87: {  	_ =	swait.ge @!p0 [sflag:s0], s1  }
0x88: {  	s1 =	ssub.s32 @!p0 $0x0, s1;
	[sflag:s0] =	ssyncset.done @!p0 $0x0  }
0x89: {  	[sflag:s0] =	ssyncadd.s32 @!p0 s1  }
0x8a: {  	[bflag:$0x3] =	sbarrier.arrive $0xFFFF  }
0x8b: {  	_ =	shalt  }

</sc_bundles>
